<compile_context>
chip_gen: v7x
topology: tpu7x:2x2x1
jax: 0.10.2.dev20260603
libtpu: 0.0.44.dev20260713+nightly
codegen_flags: <defaults>
</compile_context>

<pallas_src>
import functools

import jax
import jax.numpy as jnp
from jax import lax
from jax.experimental import pallas as pl
from jax.experimental.pallas import tpu as pltpu
from jax.experimental.pallas import tpu_sc as plsc

N = 10000
D = 128
B = 128
NC = 2
NS = 16
NW = NC * NS
L = 16
CB = D // L
NSC = 6144
GROUPS = NSC // L
GBASE = GROUPS // NW
RBASE = GBASE * L
CNTB = B
DUMP = 2 * B
SROWS = 264
CHUNK = 2
NTC = N - NSC
TCR = 31
TCPAD = TCR * 128 - NTC


def _iota():
    return lax.iota(jnp.int32, L)


_mesh = plsc.VectorSubcoreMesh(core_axis_name="c", subcore_axis_name="s")


@functools.partial(
    pl.kernel,
    compiler_params=pltpu.CompilerParams(needs_layout_passes=False),
    out_type=jax.ShapeDtypeStruct((NC, 2 * B, D), jnp.float32),
    mesh=_mesh,
    scratch_types=[
        pltpu.VMEM((RBASE * D,), jnp.float32),
        pltpu.VMEM((RBASE + L,), jnp.int32),
        pltpu.VMEM((L, D), jnp.float32),
        pltpu.VMEM((L,), jnp.int32),
        pltpu.VMEM((8, D), jnp.float32),
        pltpu.SMEM((4,), jnp.int32),
        pltpu.SemaphoreType.DMA,
        pltpu.SemaphoreType.DMA,
        pltpu.VMEM_SHARED((SROWS, D), jnp.float32),
    ],
)
def _seg_sums(x_hbm, batch_hbm, out_hbm,
              xbuf, bbuf, flushbuf, idbuf, zbuf, sm, semx, semb, sacc):
    cid = lax.axis_index("c")
    sid = lax.axis_index("s")
    w = cid * NS + sid

    zero = jnp.zeros((L,), jnp.float32)
    dump_idv = jnp.full((L,), DUMP, jnp.int32)

    base = w * RBASE
    nchunks = RBASE // (CHUNK * L)
    CW = CHUNK * L * D
    for k in range(nchunks):
        pltpu.async_copy(x_hbm.at[pl.ds(base * D + k * CW, CW)],
                         xbuf.at[pl.ds(k * CW, CW)], semx)
    bcp = pltpu.async_copy(batch_hbm.at[pl.ds(base, RBASE)],
                           bbuf.at[pl.ds(0, RBASE)], semb)

    for r in range(8):
        for cc in range(CB):
            zbuf[r, pl.ds(cc * L, L)] = zero
    sm[0] = jnp.int32(-1)
    sm[1] = jnp.int32(0)
    idbuf[...] = dump_idv

    pltpu.sync_copy(zbuf, sacc.at[pl.ds(sid * 16, 8)])
    pltpu.sync_copy(zbuf, sacc.at[pl.ds(sid * 16 + 8, 8)])

    @pl.when(sid == 0)
    def _():
        pltpu.sync_copy(zbuf, sacc.at[pl.ds(256, 8)])

    plsc.subcore_barrier()
    bcp.wait()

    def do_flush(seg, accs):
        row_s = sm[1] % L
        rv0 = jnp.full((L,), row_s, jnp.int32)
        rv1 = rv0 + 1
        for cc in range(CB):
            plsc.store_scatter(flushbuf, [rv0, cc * L + _iota()], accs[cc])
            plsc.store_scatter(flushbuf, [rv1, cc * L + _iota()], accs[CB])
        idv = idbuf[...]
        idv = jnp.where(_iota() == row_s, jnp.full((L,), seg, jnp.int32), idv)
        idv = jnp.where(_iota() == row_s + 1,
                        jnp.full((L,), seg + CNTB, jnp.int32), idv)
        idbuf[...] = idv

        @pl.when(row_s == L - 2)
        def _():
            pltpu.sync_copy(flushbuf, sacc.at[idbuf], add=True)
            idbuf[...] = dump_idv

        sm[1] = sm[1] + 2

    def step(g, accs):
        accs = list(accs)
        rbase = g * L

        @pl.when(g % CHUNK == 0)
        def _():
            pltpu.make_async_copy(x_hbm.at[pl.ds(0, CHUNK * L * D)],
                                  xbuf.at[pl.ds(0, CHUNK * L * D)], semx).wait()

        bv = bbuf[pl.ds(rbase, L)]
        b0 = bv[0]
        b15 = bv[L - 1]
        cur0 = sm[0]

        def fastf(accs):
            @pl.when(cur0 != b0)
            def _():
                @pl.when(cur0 >= 0)
                def _():
                    do_flush(cur0, accs)

            bvp = jnp.full((L,), cur0 != b0)
            run = [jnp.where(bvp, 0.0, a) for a in accs]
            goff = rbase * D
            for r in range(L):
                for cc in range(CB):
                    run[cc] = run[cc] + xbuf[pl.ds(goff + r * D + cc * L, L)]
            run[CB] = run[CB] + jnp.float32(L)
            return tuple(run)

        def slowf(accs):
            def row(r, accs):
                accs = list(accs)
                br = bbuf[pl.ds(rbase + r, L)][0]
                prev = sm[0]
                changed = prev != br

                @pl.when(changed)
                def _():
                    @pl.when(prev >= 0)
                    def _():
                        do_flush(prev, accs)

                bvp = jnp.full((L,), changed)
                roff = (rbase + r) * D
                nxt = [jnp.where(bvp, rw, a + rw)
                       for a, rw in zip(accs, [xbuf[pl.ds(roff + cc * L, L)]
                                               for cc in range(CB)])]
                nxt.append(jnp.where(bvp, jnp.float32(1), accs[CB] + 1))
                sm[0] = br
                return tuple(nxt)

            return lax.fori_loop(0, L, row, tuple(accs))

        accs = lax.cond(b0 == b15, fastf, slowf, tuple(accs))
        sm[0] = b15
        return accs

    init = tuple(jnp.zeros((L,), jnp.float32) for _ in range(CB + 1))
    accs = lax.fori_loop(0, GBASE, step, init)

    cur0 = sm[0]
    do_flush(jnp.where(cur0 < 0, DUMP - CNTB, cur0), list(accs))
    pltpu.sync_copy(flushbuf, sacc.at[idbuf], add=True)

    plsc.subcore_barrier()

    pltpu.sync_copy(sacc.at[pl.ds(sid * 16, 16)],
                    out_hbm.at[cid, pl.ds(sid * 16, 16)])


def _tc_partial_body(x_ref, b_ref, sums_ref, cnt_ref):
    ids = b_ref[...]
    seg = lax.broadcasted_iota(jnp.int32, (NTC // L, L, B), 2)
    onehot = jnp.where(ids[:, :, None] == seg, jnp.float32(1), jnp.float32(0))
    onehot2 = onehot.reshape(NTC, B)
    sums_ref[...] = lax.dot_general(
        onehot2, x_ref[...], (((0,), (0,)), ((), ())),
        preferred_element_type=jnp.float32)
    ones = jnp.ones((NTC, 8), jnp.float32)
    cnt_ref[...] = lax.dot_general(
        onehot2, ones, (((0,), (0,)), ((), ())),
        preferred_element_type=jnp.float32)


_tc_partial = pl.pallas_call(
    _tc_partial_body,
    out_shape=(jax.ShapeDtypeStruct((B, D), jnp.float32),
               jax.ShapeDtypeStruct((B, 8), jnp.float32)),
)


def _head_body(p_ref, ts_ref, tc_ref, u_ref, w_ref, b_ref, o_ref):
    s = p_ref[0] + p_ref[1]
    counts = s[CNTB:, 0:1] + tc_ref[:, 0:1]
    mean = (s[:B] + ts_ref[...]) / jnp.maximum(counts, 1.0)
    w = w_ref[...]
    h = lax.dot_general(u_ref[...], w[:, :D], (((1,), (1,)), ((), ())),
                        preferred_element_type=jnp.float32)
    h = h + lax.dot_general(mean, w[:, D:], (((1,), (1,)), ((), ())),
                            preferred_element_type=jnp.float32)
    h = h + b_ref[...]
    o_ref[...] = jnp.maximum(h, 0.0)


_head = pl.pallas_call(
    _head_body,
    out_shape=jax.ShapeDtypeStruct((B, D), jnp.float32),
)


def kernel(x, edge_index, edge_attr, u, batch, W, b):
    del edge_index, edge_attr
    batch = batch.astype(jnp.int32)
    parts = _seg_sums(x.reshape(-1), batch)
    x_tail = x[NSC:]
    b_tail = batch[NSC:].reshape(NTC // L, L)
    tc_sums, tc_cnt = _tc_partial(x_tail, b_tail)
    return _head(parts, tc_sums, tc_cnt, u, W, b.reshape(1, D))

# --- scband reference (transcript-rebuilt; emitter-appended) ---
"""Pipeline reference for scband-global-model-17806934409782 (READ-ONLY COPY).

The authoritative reference and input builder live on the scoring server;
editing this copy changes nothing except your own understanding.
"""

import jax, jax.numpy as jnp
import numpy as np

N = 10000
E = 160000
D = 128
B = 128
D_EDGE = 4
IN_DIM = 256
OUT_DIM = 128

def setup_inputs(seed: int = 0) -> dict:
    key = jax.random.key(seed)
    ks = jax.random.split(key, 8)
    x = jax.random.normal(ks[0], (N, D), dtype=jnp.float32)
    edge_index = jax.random.randint(ks[1], (2, E), 0, N)
    edge_attr = jax.random.normal(ks[2], (E, D_EDGE), dtype=jnp.float32)
    u = jax.random.normal(ks[3], (B, D), dtype=jnp.float32)
    batch = jnp.sort(jax.random.randint(ks[4], (N,), 0, B))
    W = jax.random.normal(ks[5], (OUT_DIM, IN_DIM), dtype=jnp.float32) * 0.05
    b = jnp.zeros((OUT_DIM,), dtype=jnp.float32)
    return {"x": x, "edge_index": edge_index, "edge_attr": edge_attr, "u": u, "batch": batch, "W": W, "b": b}

def reference(x, edge_index, edge_attr, u, batch, W, b):
    num_graphs = u.shape[0]
    # scatter(x, batch, dim=0, reduce='mean')
    sums = jax.ops.segment_sum(x, batch, num_segments=num_graphs)
    counts = jax.ops.segment_sum(jnp.ones((x.shape[0], 1), dtype=x.dtype), batch, num_segments=num_graphs)
    mean = sums / jnp.maximum(counts, 1.0)
    out = jnp.concatenate([u, mean], axis=1)
    # Linear + ReLU
    out = out @ W.T + b
    return jax.nn.relu(out)

if __name__ == "__main__":
    import jax
    _d = setup_inputs()
    print(jax.jit(kernel)(*tuple(_d.values())))

</pallas_src>

<mosaic_0001>
#map = affine_map<(d0, d1) -> (0)>
#map1 = affine_map<(d0, d1) -> (0, 0, 0)>
module attributes {stable_mosaic.version = 14 : i64} {
  func.func @_seg_sums(%arg0: i32, %arg1: i32, %arg2: memref<1280000xf32, #tpu.memory_space<hbm>>, %arg3: memref<10000xi32, #tpu.memory_space<hbm>>, %arg4: memref<2x256x128xf32, #tpu.memory_space<hbm>>, %arg5: memref<24576xf32, #tpu.memory_space<vmem>>, %arg6: memref<208xi32, #tpu.memory_space<vmem>>, %arg7: memref<16x128xf32, #tpu.memory_space<vmem>>, %arg8: memref<16xi32, #tpu.memory_space<vmem>>, %arg9: memref<8x128xf32, #tpu.memory_space<vmem>>, %arg10: memref<4xi32, #tpu.memory_space<smem>>, %arg11: memref<!tpu.dma_semaphore, #tpu.memory_space<semaphore_mem>>, %arg12: memref<!tpu.dma_semaphore, #tpu.memory_space<semaphore_mem>>, %arg13: memref<264x128xf32, #tpu.memory_space<vmem_shared>>) attributes {dimension_semantics = [#tpu.dimension_semantics<core_parallel>, #tpu.dimension_semantics<subcore_parallel>], iteration_bounds = array<i64: 2, 16>, scalar_prefetch = 0 : i64, scratch_operands = 9 : i64, tpu.core_type = #tpu.core_type<sc_vector_subcore>, window_params = [{transform_indices = #map}, {transform_indices = #map}, {transform_indices = #map1}]} {
    %mul3A = arith.constant 16 : i32
    %mul3A_0 = arith.muli %arg0, %mul3A : i32
    %add3A = arith.addi %mul3A_0, %arg1 : i32
    %broadcast_in_dim3A = arith.constant 0.000000e+00 : f32
    %broadcast_in_dim3A_1 = vector.broadcast %broadcast_in_dim3A : f32 to vector<16xf32>
    %broadcast_in_dim3A_2 = arith.constant 256 : i32
    %broadcast_in_dim3A_3 = vector.broadcast %broadcast_in_dim3A_2 : i32 to vector<16xi32>
    %mul3A_4 = arith.constant 192 : i32
    %mul3A_5 = arith.muli %add3A, %mul3A_4 : i32
    %mul3A_6 = arith.constant 128 : i32
    %mul3A_7 = arith.muli %mul3A_5, %mul3A_6 : i32
    %add3A_8 = arith.constant 0 : i32
    %add3A_9 = arith.addi %mul3A_7, %add3A_8 : i32
    %dma_start3A = arith.constant 0 : i32
    %dma_start3A_10 = tpu.memref_slice %arg5[%dma_start3A] : memref<24576xf32, #tpu.memory_space<vmem>> -> memref<4096xf32, #tpu.memory_space<vmem>>
    %dma_start3A_11 = tpu.memref_slice %arg2[%add3A_9] : memref<1280000xf32, #tpu.memory_space<hbm>> -> memref<4096xf32, #tpu.memory_space<hbm>>
    %dma_start3A_12 = arith.constant 0 : i32
    %dma_start3A_13 = tpu.memref_slice %arg5[%dma_start3A_12] : memref<24576xf32, #tpu.memory_space<vmem>> -> memref<4096xf32, #tpu.memory_space<vmem>>
    %dma_start3A_14 = tpu.memref_slice %arg2[%add3A_9] : memref<1280000xf32, #tpu.memory_space<hbm>> -> memref<4096xf32, #tpu.memory_space<hbm>>
    tpu.enqueue_dma source(%dma_start3A_14 : memref<4096xf32, #tpu.memory_space<hbm>>) target(%dma_start3A_13 : memref<4096xf32, #tpu.memory_space<vmem>>) target_semaphore(%arg11 : memref<!tpu.dma_semaphore, #tpu.memory_space<semaphore_mem>>)
    %mul3A_15 = arith.constant 128 : i32
    %mul3A_16 = arith.muli %mul3A_5, %mul3A_15 : i32
    %add3A_17 = arith.constant 4096 : i32
    %add3A_18 = arith.addi %mul3A_16, %add3A_17 : i32
    %dma_start3A_19 = arith.constant 4096 : i32
    %dma_start3A_20 = tpu.memref_slice %arg5[%dma_start3A_19] : memref<24576xf32, #tpu.memory_space<vmem>> -> memref<4096xf32, #tpu.memory_space<vmem>>
    %dma_start3A_21 = tpu.memref_slice %arg2[%add3A_18] : memref<1280000xf32, #tpu.memory_space<hbm>> -> memref<4096xf32, #tpu.memory_space<hbm>>
    %dma_start3A_22 = arith.constant 4096 : i32
    %dma_start3A_23 = tpu.memref_slice %arg5[%dma_start3A_22] : memref<24576xf32, #tpu.memory_space<vmem>> -> memref<4096xf32, #tpu.memory_space<vmem>>
    %dma_start3A_24 = tpu.memref_slice %arg2[%add3A_18] : memref<1280000xf32, #tpu.memory_space<hbm>> -> memref<4096xf32, #tpu.memory_space<hbm>>
    tpu.enqueue_dma source(%dma_start3A_24 : memref<4096xf32, #tpu.memory_space<hbm>>) target(%dma_start3A_23 : memref<4096xf32, #tpu.memory_space<vmem>>) target_semaphore(%arg11 : memref<!tpu.dma_semaphore, #tpu.memory_space<semaphore_mem>>)
    %mul3A_25 = arith.constant 128 : i32
    %mul3A_26 = arith.muli %mul3A_5, %mul3A_25 : i32
    %add3A_27 = arith.constant 8192 : i32
    %add3A_28 = arith.addi %mul3A_26, %add3A_27 : i32
    %dma_start3A_29 = arith.constant 8192 : i32
    %dma_start3A_30 = tpu.memref_slice %arg5[%dma_start3A_29] : memref<24576xf32, #tpu.memory_space<vmem>> -> memref<4096xf32, #tpu.memory_space<vmem>>
    %dma_start3A_31 = tpu.memref_slice %arg2[%add3A_28] : memref<1280000xf32, #tpu.memory_space<hbm>> -> memref<4096xf32, #tpu.memory_space<hbm>>
    %dma_start3A_32 = arith.constant 8192 : i32
    %dma_start3A_33 = tpu.memref_slice %arg5[%dma_start3A_32] : memref<24576xf32, #tpu.memory_space<vmem>> -> memref<4096xf32, #tpu.memory_space<vmem>>
    %dma_start3A_34 = tpu.memref_slice %arg2[%add3A_28] : memref<1280000xf32, #tpu.memory_space<hbm>> -> memref<4096xf32, #tpu.memory_space<hbm>>
    tpu.enqueue_dma source(%dma_start3A_34 : memref<4096xf32, #tpu.memory_space<hbm>>) target(%dma_start3A_33 : memref<4096xf32, #tpu.memory_space<vmem>>) target_semaphore(%arg11 : memref<!tpu.dma_semaphore, #tpu.memory_space<semaphore_mem>>)
    %mul3A_35 = arith.constant 128 : i32
    %mul3A_36 = arith.muli %mul3A_5, %mul3A_35 : i32
    %add3A_37 = arith.constant 12288 : i32
    %add3A_38 = arith.addi %mul3A_36, %add3A_37 : i32
    %dma_start3A_39 = arith.constant 12288 : i32
    %dma_start3A_40 = tpu.memref_slice %arg5[%dma_start3A_39] : memref<24576xf32, #tpu.memory_space<vmem>> -> memref<4096xf32, #tpu.memory_space<vmem>>
    %dma_start3A_41 = tpu.memref_slice %arg2[%add3A_38] : memref<1280000xf32, #tpu.memory_space<hbm>> -> memref<4096xf32, #tpu.memory_space<hbm>>
    %dma_start3A_42 = arith.constant 12288 : i32
    %dma_start3A_43 = tpu.memref_slice %arg5[%dma_start3A_42] : memref<24576xf32, #tpu.memory_space<vmem>> -> memref<4096xf32, #tpu.memory_space<vmem>>
    %dma_start3A_44 = tpu.memref_slice %arg2[%add3A_38] : memref<1280000xf32, #tpu.memory_space<hbm>> -> memref<4096xf32, #tpu.memory_space<hbm>>
    tpu.enqueue_dma source(%dma_start3A_44 : memref<4096xf32, #tpu.memory_space<hbm>>) target(%dma_start3A_43 : memref<4096xf32, #tpu.memory_space<vmem>>) target_semaphore(%arg11 : memref<!tpu.dma_semaphore, #tpu.memory_space<semaphore_mem>>)
    %mul3A_45 = arith.constant 128 : i32
    %mul3A_46 = arith.muli %mul3A_5, %mul3A_45 : i32
    %add3A_47 = arith.constant 16384 : i32
    %add3A_48 = arith.addi %mul3A_46, %add3A_47 : i32
    %dma_start3A_49 = arith.constant 16384 : i32
    %dma_start3A_50 = tpu.memref_slice %arg5[%dma_start3A_49] : memref<24576xf32, #tpu.memory_space<vmem>> -> memref<4096xf32, #tpu.memory_space<vmem>>
    %dma_start3A_51 = tpu.memref_slice %arg2[%add3A_48] : memref<1280000xf32, #tpu.memory_space<hbm>> -> memref<4096xf32, #tpu.memory_space<hbm>>
    %dma_start3A_52 = arith.constant 16384 : i32
    %dma_start3A_53 = tpu.memref_slice %arg5[%dma_start3A_52] : memref<24576xf32, #tpu.memory_space<vmem>> -> memref<4096xf32, #tpu.memory_space<vmem>>
    %dma_start3A_54 = tpu.memref_slice %arg2[%add3A_48] : memref<1280000xf32, #tpu.memory_space<hbm>> -> memref<4096xf32, #tpu.memory_space<hbm>>
    tpu.enqueue_dma source(%dma_start3A_54 : memref<4096xf32, #tpu.memory_space<hbm>>) target(%dma_start3A_53 : memref<4096xf32, #tpu.memory_space<vmem>>) target_semaphore(%arg11 : memref<!tpu.dma_semaphore, #tpu.memory_space<semaphore_mem>>)
    %mul3A_55 = arith.constant 128 : i32
    %mul3A_56 = arith.muli %mul3A_5, %mul3A_55 : i32
    %add3A_57 = arith.constant 20480 : i32
    %add3A_58 = arith.addi %mul3A_56, %add3A_57 : i32
    %dma_start3A_59 = arith.constant 20480 : i32
    %dma_start3A_60 = tpu.memref_slice %arg5[%dma_start3A_59] : memref<24576xf32, #tpu.memory_space<vmem>> -> memref<4096xf32, #tpu.memory_space<vmem>>
    %dma_start3A_61 = tpu.memref_slice %arg2[%add3A_58] : memref<1280000xf32, #tpu.memory_space<hbm>> -> memref<4096xf32, #tpu.memory_space<hbm>>
    %dma_start3A_62 = arith.constant 20480 : i32
    %dma_start3A_63 = tpu.memref_slice %arg5[%dma_start3A_62] : memref<24576xf32, #tpu.memory_space<vmem>> -> memref<4096xf32, #tpu.memory_space<vmem>>
    %dma_start3A_64 = tpu.memref_slice %arg2[%add3A_58] : memref<1280000xf32, #tpu.memory_space<hbm>> -> memref<4096xf32, #tpu.memory_space<hbm>>
    tpu.enqueue_dma source(%dma_start3A_64 : memref<4096xf32, #tpu.memory_space<hbm>>) target(%dma_start3A_63 : memref<4096xf32, #tpu.memory_space<vmem>>) target_semaphore(%arg11 : memref<!tpu.dma_semaphore, #tpu.memory_space<semaphore_mem>>)
    %dma_start3A_65 = arith.constant 0 : i32
    %dma_start3A_66 = tpu.memref_slice %arg6[%dma_start3A_65] : memref<208xi32, #tpu.memory_space<vmem>> -> memref<192xi32, #tpu.memory_space<vmem>>
    %dma_start3A_67 = tpu.memref_slice %arg3[%mul3A_5] : memref<10000xi32, #tpu.memory_space<hbm>> -> memref<192xi32, #tpu.memory_space<hbm>>
    %dma_start3A_68 = arith.constant 0 : i32
    %dma_start3A_69 = tpu.memref_slice %arg6[%dma_start3A_68] : memref<208xi32, #tpu.memory_space<vmem>> -> memref<192xi32, #tpu.memory_space<vmem>>
    %dma_start3A_70 = tpu.memref_slice %arg3[%mul3A_5] : memref<10000xi32, #tpu.memory_space<hbm>> -> memref<192xi32, #tpu.memory_space<hbm>>
    tpu.enqueue_dma source(%dma_start3A_70 : memref<192xi32, #tpu.memory_space<hbm>>) target(%dma_start3A_69 : memref<192xi32, #tpu.memory_space<vmem>>) target_semaphore(%arg12 : memref<!tpu.dma_semaphore, #tpu.memory_space<semaphore_mem>>)
    %swap3A = arith.constant 0 : i32
    %swap3A_71 = arith.index_cast %swap3A : i32 to index
    %swap3A_72 = arith.constant 0 : index
    %swap3A_73 = tpu.vector_load %arg9[%swap3A_71, %swap3A_72] {strides = array<i32>} : memref<8x128xf32, #tpu.memory_space<vmem>>, vector<16xf32>,
    tpu.vector_store %arg9[%swap3A_71, %swap3A_72], %broadcast_in_dim3A_1 {strides = array<i32>} : memref<8x128xf32, #tpu.memory_space<vmem>>, vector<16xf32>,
    %swap3A_74 = arith.constant 0 : i32
    %swap3A_75 = arith.index_cast %swap3A_74 : i32 to index
    %swap3A_76 = arith.constant 16 : index
    %swap3A_77 = tpu.vector_load %arg9[%swap3A_75, %swap3A_76] {strides = array<i32>} : memref<8x128xf32, #tpu.memory_space<vmem>>, vector<16xf32>,
    tpu.vector_store %arg9[%swap3A_75, %swap3A_76], %broadcast_in_dim3A_1 {strides = array<i32>} : memref<8x128xf32, #tpu.memory_space<vmem>>, vector<16xf32>,
    %swap3A_78 = arith.constant 0 : i32
    %swap3A_79 = arith.index_cast %swap3A_78 : i32 to index
    %swap3A_80 = arith.constant 32 : index
    %swap3A_81 = tpu.vector_load %arg9[%swap3A_79, %swap3A_80] {strides = array<i32>} : memref<8x128xf32, #tpu.memory_space<vmem>>, vector<16xf32>,
    tpu.vector_store %arg9[%swap3A_79, %swap3A_80], %broadcast_in_dim3A_1 {strides = array<i32>} : memref<8x128xf32, #tpu.memory_space<vmem>>, vector<16xf32>,
    %swap3A_82 = arith.constant 0 : i32
    %swap3A_83 = arith.index_cast %swap3A_82 : i32 to index
    %swap3A_84 = arith.constant 48 : index
    %swap3A_85 = tpu.vector_load %arg9[%swap3A_83, %swap3A_84] {strides = array<i32>} : memref<8x128xf32, #tpu.memory_space<vmem>>, vector<16xf32>,
    tpu.vector_store %arg9[%swap3A_83, %swap3A_84], %broadcast_in_dim3A_1 {strides = array<i32>} : memref<8x128xf32, #tpu.memory_space<vmem>>, vector<16xf32>,
    %swap3A_86 = arith.constant 0 : i32
    %swap3A_87 = arith.index_cast %swap3A_86 : i32 to index
    %swap3A_88 = arith.constant 64 : index
    %swap3A_89 = tpu.vector_load %arg9[%swap3A_87, %swap3A_88] {strides = array<i32>} : memref<8x128xf32, #tpu.memory_space<vmem>>, vector<16xf32>,
    tpu.vector_store %arg9[%swap3A_87, %swap3A_88], %broadcast_in_dim3A_1 {strides = array<i32>} : memref<8x128xf32, #tpu.memory_space<vmem>>, vector<16xf32>,
    %swap3A_90 = arith.constant 0 : i32
    %swap3A_91 = arith.index_cast %swap3A_90 : i32 to index
    %swap3A_92 = arith.constant 80 : index
    %swap3A_93 = tpu.vector_load %arg9[%swap3A_91, %swap3A_92] {strides = array<i32>} : memref<8x128xf32, #tpu.memory_space<vmem>>, vector<16xf32>,
    tpu.vector_store %arg9[%swap3A_91, %swap3A_92], %broadcast_in_dim3A_1 {strides = array<i32>} : memref<8x128xf32, #tpu.memory_space<vmem>>, vector<16xf32>,
    %swap3A_94 = arith.constant 0 : i32
    %swap3A_95 = arith.index_cast %swap3A_94 : i32 to index
    %swap3A_96 = arith.constant 96 : index
    %swap3A_97 = tpu.vector_load %arg9[%swap3A_95, %swap3A_96] {strides = array<i32>} : memref<8x128xf32, #tpu.memory_space<vmem>>, vector<16xf32>,
    tpu.vector_store %arg9[%swap3A_95, %swap3A_96], %broadcast_in_dim3A_1 {strides = array<i32>} : memref<8x128xf32, #tpu.memory_space<vmem>>, vector<16xf32>,
    %swap3A_98 = arith.constant 0 : i32
    %swap3A_99 = arith.index_cast %swap3A_98 : i32 to index
    %swap3A_100 = arith.constant 112 : index
    %swap3A_101 = tpu.vector_load %arg9[%swap3A_99, %swap3A_100] {strides = array<i32>} : memref<8x128xf32, #tpu.memory_space<vmem>>, vector<16xf32>,
    tpu.vector_store %arg9[%swap3A_99, %swap3A_100], %broadcast_in_dim3A_1 {strides = array<i32>} : memref<8x128xf32, #tpu.memory_space<vmem>>, vector<16xf32>,
    %swap3A_102 = arith.constant 1 : i32
    %swap3A_103 = arith.index_cast %swap3A_102 : i32 to index
    %swap3A_104 = arith.constant 0 : index
    %swap3A_105 = tpu.vector_load %arg9[%swap3A_103, %swap3A_104] {strides = array<i32>} : memref<8x128xf32, #tpu.memory_space<vmem>>, vector<16xf32>,
    tpu.vector_store %arg9[%swap3A_103, %swap3A_104], %broadcast_in_dim3A_1 {strides = array<i32>} : memref<8x128xf32, #tpu.memory_space<vmem>>, vector<16xf32>,
    %swap3A_106 = arith.constant 1 : i32
    %swap3A_107 = arith.index_cast %swap3A_106 : i32 to index
    %swap3A_108 = arith.constant 16 : index
    %swap3A_109 = tpu.vector_load %arg9[%swap3A_107, %swap3A_108] {strides = array<i32>} : memref<8x128xf32, #tpu.memory_space<vmem>>, vector<16xf32>,
    tpu.vector_store %arg9[%swap3A_107, %swap3A_108], %broadcast_in_dim3A_1 {strides = array<i32>} : memref<8x128xf32, #tpu.memory_space<vmem>>, vector<16xf32>,
    %swap3A_110 = arith.constant 1 : i32
    %swap3A_111 = arith.index_cast %swap3A_110 : i32 to index
    %swap3A_112 = arith.constant 32 : index
    %swap3A_113 = tpu.vector_load %arg9[%swap3A_111, %swap3A_112] {strides = array<i32>} : memref<8x128xf32, #tpu.memory_space<vmem>>, vector<16xf32>,
    tpu.vector_store %arg9[%swap3A_111, %swap3A_112], %broadcast_in_dim3A_1 {strides = array<i32>} : memref<8x128xf32, #tpu.memory_space<vmem>>, vector<16xf32>,
    %swap3A_114 = arith.constant 1 : i32
    %swap3A_115 = arith.index_cast %swap3A_114 : i32 to index
    %swap3A_116 = arith.constant 48 : index
    %swap3A_117 = tpu.vector_load %arg9[%swap3A_115, %swap3A_116] {strides = array<i32>} : memref<8x128xf32, #tpu.memory_space<vmem>>, vector<16xf32>,
    tpu.vector_store %arg9[%swap3A_115, %swap3A_116], %broadcast_in_dim3A_1 {strides = array<i32>} : memref<8x128xf32, #tpu.memory_space<vmem>>, vector<16xf32>,
    %swap3A_118 = arith.constant 1 : i32
    %swap3A_119 = arith.index_cast %swap3A_118 : i32 to index
    %swap3A_120 = arith.constant 64 : index
    %swap3A_121 = tpu.vector_load %arg9[%swap3A_119, %swap3A_120] {strides = array<i32>} : memref<8x128xf32, #tpu.memory_space<vmem>>, vector<16xf32>,
    tpu.vector_store %arg9[%swap3A_119, %swap3A_120], %broadcast_in_dim3A_1 {strides = array<i32>} : memref<8x128xf32, #tpu.memory_space<vmem>>, vector<16xf32>,
    %swap3A_122 = arith.constant 1 : i32
    %swap3A_123 = arith.index_cast %swap3A_122 : i32 to index
    %swap3A_124 = arith.constant 80 : index
    %swap3A_125 = tpu.vector_load %arg9[%swap3A_123, %swap3A_124] {strides = array<i32>} : memref<8x128xf32, #tpu.memory_space<vmem>>, vector<16xf32>,
    tpu.vector_store %arg9[%swap3A_123, %swap3A_124], %broadcast_in_dim3A_1 {strides = array<i32>} : memref<8x128xf32, #tpu.memory_space<vmem>>, vector<16xf32>,
    %swap3A_126 = arith.constant 1 : i32
    %swap3A_127 = arith.index_cast %swap3A_126 : i32 to index
    %swap3A_128 = arith.constant 96 : index
    %swap3A_129 = tpu.vector_load %arg9[%swap3A_127, %swap3A_128] {strides = array<i32>} : memref<8x128xf32, #tpu.memory_space<vmem>>, vector<16xf32>,
    tpu.vector_store %arg9[%swap3A_127, %swap3A_128], %broadcast_in_dim3A_1 {strides = array<i32>} : memref<8x128xf32, #tpu.memory_space<vmem>>, vector<16xf32>,
    %swap3A_130 = arith.constant 1 : i32
    %swap3A_131 = arith.index_cast %swap3A_130 : i32 to index
    %swap3A_132 = arith.constant 112 : index
    %swap3A_133 = tpu.vector_load %arg9[%swap3A_131, %swap3A_132] {strides = array<i32>} : memref<8x128xf32, #tpu.memory_space<vmem>>, vector<16xf32>,
    tpu.vector_store %arg9[%swap3A_131, %swap3A_132], %broadcast_in_dim3A_1 {strides = array<i32>} : memref<8x128xf32, #tpu.memory_space<vmem>>, vector<16xf32>,
    %swap3A_134 = arith.constant 2 : i32
    %swap3A_135 = arith.index_cast %swap3A_134 : i32 to index
    %swap3A_136 = arith.constant 0 : index
    %swap3A_137 = tpu.vector_load %arg9[%swap3A_135, %swap3A_136] {strides = array<i32>} : memref<8x128xf32, #tpu.memory_space<vmem>>, vector<16xf32>,
    tpu.vector_store %arg9[%swap3A_135, %swap3A_136], %broadcast_in_dim3A_1 {strides = array<i32>} : memref<8x128xf32, #tpu.memory_space<vmem>>, vector<16xf32>,
    %swap3A_138 = arith.constant 2 : i32
    %swap3A_139 = arith.index_cast %swap3A_138 : i32 to index
    %swap3A_140 = arith.constant 16 : index
    %swap3A_141 = tpu.vector_load %arg9[%swap3A_139, %swap3A_140] {strides = array<i32>} : memref<8x128xf32, #tpu.memory_space<vmem>>, vector<16xf32>,
    tpu.vector_store %arg9[%swap3A_139, %swap3A_140], %broadcast_in_dim3A_1 {strides = array<i32>} : memref<8x128xf32, #tpu.memory_space<vmem>>, vector<16xf32>,
    %swap3A_142 = arith.constant 2 : i32
    %swap3A_143 = arith.index_cast %swap3A_142 : i32 to index
    %swap3A_144 = arith.constant 32 : index
    %swap3A_145 = tpu.vector_load %arg9[%swap3A_143, %swap3A_144] {strides = array<i32>} : memref<8x128xf32, #tpu.memory_space<vmem>>, vector<16xf32>,
    tpu.vector_store %arg9[%swap3A_143, %swap3A_144], %broadcast_in_dim3A_1 {strides = array<i32>} : memref<8x128xf32, #tpu.memory_space<vmem>>, vector<16xf32>,
    %swap3A_146 = arith.constant 2 : i32
    %swap3A_147 = arith.index_cast %swap3A_146 : i32 to index
    %swap3A_148 = arith.constant 48 : index
    %swap3A_149 = tpu.vector_load %arg9[%swap3A_147, %swap3A_148] {strides = array<i32>} : memref<8x128xf32, #tpu.memory_space<vmem>>, vector<16xf32>,
    tpu.vector_store %arg9[%swap3A_147, %swap3A_148], %broadcast_in_dim3A_1 {strides = array<i32>} : memref<8x128xf32, #tpu.memory_space<vmem>>, vector<16xf32>,
    %swap3A_150 = arith.constant 2 : i32
    %swap3A_151 = arith.index_cast %swap3A_150 : i32 to index
    %swap3A_152 = arith.constant 64 : index
    %swap3A_153 = tpu.vector_load %arg9[%swap3A_151, %swap3A_152] {strides = array<i32>} : memref<8x128xf32, #tpu.memory_space<vmem>>, vector<16xf32>,
    tpu.vector_store %arg9[%swap3A_151, %swap3A_152], %broadcast_in_dim3A_1 {strides = array<i32>} : memref<8x128xf32, #tpu.memory_space<vmem>>, vector<16xf32>,
    %swap3A_154 = arith.constant 2 : i32
    %swap3A_155 = arith.index_cast %swap3A_154 : i32 to index
    %swap3A_156 = arith.constant 80 : index
    %swap3A_157 = tpu.vector_load %arg9[%swap3A_155, %swap3A_156] {strides = array<i32>} : memref<8x128xf32, #tpu.memory_space<vmem>>, vector<16xf32>,
    tpu.vector_store %arg9[%swap3A_155, %swap3A_156], %broadcast_in_dim3A_1 {strides = array<i32>} : memref<8x128xf32, #tpu.memory_space<vmem>>, vector<16xf32>,
    %swap3A_158 = arith.constant 2 : i32
    %swap3A_159 = arith.index_cast %swap3A_158 : i32 to index
    %swap3A_160 = arith.constant 96 : index
    %swap3A_161 = tpu.vector_load %arg9[%swap3A_159, %swap3A_160] {strides = array<i32>} : memref<8x128xf32, #tpu.memory_space<vmem>>, vector<16xf32>,
    tpu.vector_store %arg9[%swap3A_159, %swap3A_160], %broadcast_in_dim3A_1 {strides = array<i32>} : memref<8x128xf32, #tpu.memory_space<vmem>>, vector<16xf32>,
    %swap3A_162 = arith.constant 2 : i32
    %swap3A_163 = arith.index_cast %swap3A_162 : i32 to index
    %swap3A_164 = arith.constant 112 : index
    %swap3A_165 = tpu.vector_load %arg9[%swap3A_163, %swap3A_164] {strides = array<i32>} : memref<8x128xf32, #tpu.memory_space<vmem>>, vector<16xf32>,
    tpu.vector_store %arg9[%swap3A_163, %swap3A_164], %broadcast_in_dim3A_1 {strides = array<i32>} : memref<8x128xf32, #tpu.memory_space<vmem>>, vector<16xf32>,
    %swap3A_166 = arith.constant 3 : i32
    %swap3A_167 = arith.index_cast %swap3A_166 : i32 to index
    %swap3A_168 = arith.constant 0 : index
    %swap3A_169 = tpu.vector_load %arg9[%swap3A_167, %swap3A_168] {strides = array<i32>} : memref<8x128xf32, #tpu.memory_space<vmem>>, vector<16xf32>,
    tpu.vector_store %arg9[%swap3A_167, %swap3A_168], %broadcast_in_dim3A_1 {strides = array<i32>} : memref<8x128xf32, #tpu.memory_space<vmem>>, vector<16xf32>,
    %swap3A_170 = arith.constant 3 : i32
    %swap3A_171 = arith.index_cast %swap3A_170 : i32 to index
    %swap3A_172 = arith.constant 16 : index
    %swap3A_173 = tpu.vector_load %arg9[%swap3A_171, %swap3A_172] {strides = array<i32>} : memref<8x128xf32, #tpu.memory_space<vmem>>, vector<16xf32>,
    tpu.vector_store %arg9[%swap3A_171, %swap3A_172], %broadcast_in_dim3A_1 {strides = array<i32>} : memref<8x128xf32, #tpu.memory_space<vmem>>, vector<16xf32>,
    %swap3A_174 = arith.constant 3 : i32
    %swap3A_175 = arith.index_cast %swap3A_174 : i32 to index
    %swap3A_176 = arith.constant 32 : index
    %swap3A_177 = tpu.vector_load %arg9[%swap3A_175, %swap3A_176] {strides = array<i32>} : memref<8x128xf32, #tpu.memory_space<vmem>>, vector<16xf32>,
    tpu.vector_store %arg9[%swap3A_175, %swap3A_176], %broadcast_in_dim3A_1 {strides = array<i32>} : memref<8x128xf32, #tpu.memory_space<vmem>>, vector<16xf32>,
    %swap3A_178 = arith.constant 3 : i32
    %swap3A_179 = arith.index_cast %swap3A_178 : i32 to index
    %swap3A_180 = arith.constant 48 : index
    %swap3A_181 = tpu.vector_load %arg9[%swap3A_179, %swap3A_180] {strides = array<i32>} : memref<8x128xf32, #tpu.memory_space<vmem>>, vector<16xf32>,
    tpu.vector_store %arg9[%swap3A_179, %swap3A_180], %broadcast_in_dim3A_1 {strides = array<i32>} : memref<8x128xf32, #tpu.memory_space<vmem>>, vector<16xf32>,
    %swap3A_182 = arith.constant 3 : i32
    %swap3A_183 = arith.index_cast %swap3A_182 : i32 to index
    %swap3A_184 = arith.constant 64 : index
    %swap3A_185 = tpu.vector_load %arg9[%swap3A_183, %swap3A_184] {strides = array<i32>} : memref<8x128xf32, #tpu.memory_space<vmem>>, vector<16xf32>,
    tpu.vector_store %arg9[%swap3A_183, %swap3A_184], %broadcast_in_dim3A_1 {strides = array<i32>} : memref<8x128xf32, #tpu.memory_space<vmem>>, vector<16xf32>,
    %swap3A_186 = arith.constant 3 : i32
    %swap3A_187 = arith.index_cast %swap3A_186 : i32 to index
    %swap3A_188 = arith.constant 80 : index
    %swap3A_189 = tpu.vector_load %arg9[%swap3A_187, %swap3A_188] {strides = array<i32>} : memref<8x128xf32, #tpu.memory_space<vmem>>, vector<16xf32>,
    tpu.vector_store %arg9[%swap3A_187, %swap3A_188], %broadcast_in_dim3A_1 {strides = array<i32>} : memref<8x128xf32, #tpu.memory_space<vmem>>, vector<16xf32>,
    %swap3A_190 = arith.constant 3 : i32
    %swap3A_191 = arith.index_cast %swap3A_190 : i32 to index
    %swap3A_192 = arith.constant 96 : index
    %swap3A_193 = tpu.vector_load %arg9[%swap3A_191, %swap3A_192] {strides = array<i32>} : memref<8x128xf32, #tpu.memory_space<vmem>>, vector<16xf32>,
    tpu.vector_store %arg9[%swap3A_191, %swap3A_192], %broadcast_in_dim3A_1 {strides = array<i32>} : memref<8x128xf32, #tpu.memory_space<vmem>>, vector<16xf32>,
    %swap3A_194 = arith.constant 3 : i32
    %swap3A_195 = arith.index_cast %swap3A_194 : i32 to index
    %swap3A_196 = arith.constant 112 : index
    %swap3A_197 = tpu.vector_load %arg9[%swap3A_195, %swap3A_196] {strides = array<i32>} : memref<8x128xf32, #tpu.memory_space<vmem>>, vector<16xf32>,
    tpu.vector_store %arg9[%swap3A_195, %swap3A_196], %broadcast_in_dim3A_1 {strides = array<i32>} : memref<8x128xf32, #tpu.memory_space<vmem>>, vector<16xf32>,
    %swap3A_198 = arith.constant 4 : i32
    %swap3A_199 = arith.index_cast %swap3A_198 : i32 to index
    %swap3A_200 = arith.constant 0 : index
    %swap3A_201 = tpu.vector_load %arg9[%swap3A_199, %swap3A_200] {strides = array<i32>} : memref<8x128xf32, #tpu.memory_space<vmem>>, vector<16xf32>,
    tpu.vector_store %arg9[%swap3A_199, %swap3A_200], %broadcast_in_dim3A_1 {strides = array<i32>} : memref<8x128xf32, #tpu.memory_space<vmem>>, vector<16xf32>,
    %swap3A_202 = arith.constant 4 : i32
    %swap3A_203 = arith.index_cast %swap3A_202 : i32 to index
    %swap3A_204 = arith.constant 16 : index
    %swap3A_205 = tpu.vector_load %arg9[%swap3A_203, %swap3A_204] {strides = array<i32>} : memref<8x128xf32, #tpu.memory_space<vmem>>, vector<16xf32>,
    tpu.vector_store %arg9[%swap3A_203, %swap3A_204], %broadcast_in_dim3A_1 {strides = array<i32>} : memref<8x128xf32, #tpu.memory_space<vmem>>, vector<16xf32>,
    %swap3A_206 = arith.constant 4 : i32
    %swap3A_207 = arith.index_cast %swap3A_206 : i32 to index
    %swap3A_208 = arith.constant 32 : index
    %swap3A_209 = tpu.vector_load %arg9[%swap3A_207, %swap3A_208] {strides = array<i32>} : memref<8x128xf32, #tpu.memory_space<vmem>>, vector<16xf32>,
    tpu.vector_store %arg9[%swap3A_207, %swap3A_208], %broadcast_in_dim3A_1 {strides = array<i32>} : memref<8x128xf32, #tpu.memory_space<vmem>>, vector<16xf32>,
    %swap3A_210 = arith.constant 4 : i32
    %swap3A_211 = arith.index_cast %swap3A_210 : i32 to index
    %swap3A_212 = arith.constant 48 : index
    %swap3A_213 = tpu.vector_load %arg9[%swap3A_211, %swap3A_212] {strides = array<i32>} : memref<8x128xf32, #tpu.memory_space<vmem>>, vector<16xf32>,
    tpu.vector_store %arg9[%swap3A_211, %swap3A_212], %broadcast_in_dim3A_1 {strides = array<i32>} : memref<8x128xf32, #tpu.memory_space<vmem>>, vector<16xf32>,
    %swap3A_214 = arith.constant 4 : i32
    %swap3A_215 = arith.index_cast %swap3A_214 : i32 to index
    %swap3A_216 = arith.constant 64 : index
    %swap3A_217 = tpu.vector_load %arg9[%swap3A_215, %swap3A_216] {strides = array<i32>} : memref<8x128xf32, #tpu.memory_space<vmem>>, vector<16xf32>,
    tpu.vector_store %arg9[%swap3A_215, %swap3A_216], %broadcast_in_dim3A_1 {strides = array<i32>} : memref<8x128xf32, #tpu.memory_space<vmem>>, vector<16xf32>,
    %swap3A_218 = arith.constant 4 : i32
    %swap3A_219 = arith.index_cast %swap3A_218 : i32 to index
    %swap3A_220 = arith.constant 80 : index
    %swap3A_221 = tpu.vector_load %arg9[%swap3A_219, %swap3A_220] {strides = array<i32>} : memref<8x128xf32, #tpu.memory_space<vmem>>, vector<16xf32>,
    tpu.vector_store %arg9[%swap3A_219, %swap3A_220], %broadcast_in_dim3A_1 {strides = array<i32>} : memref<8x128xf32, #tpu.memory_space<vmem>>, vector<16xf32>,
    %swap3A_222 = arith.constant 4 : i32
    %swap3A_223 = arith.index_cast %swap3A_222 : i32 to index
    %swap3A_224 = arith.constant 96 : index
    %swap3A_225 = tpu.vector_load %arg9[%swap3A_223, %swap3A_224] {strides = array<i32>} : memref<8x128xf32, #tpu.memory_space<vmem>>, vector<16xf32>,
    tpu.vector_store %arg9[%swap3A_223, %swap3A_224], %broadcast_in_dim3A_1 {strides = array<i32>} : memref<8x128xf32, #tpu.memory_space<vmem>>, vector<16xf32>,
    %swap3A_226 = arith.constant 4 : i32
    %swap3A_227 = arith.index_cast %swap3A_226 : i32 to index
    %swap3A_228 = arith.constant 112 : index
    %swap3A_229 = tpu.vector_load %arg9[%swap3A_227, %swap3A_228] {strides = array<i32>} : memref<8x128xf32, #tpu.memory_space<vmem>>, vector<16xf32>,
    tpu.vector_store %arg9[%swap3A_227, %swap3A_228], %broadcast_in_dim3A_1 {strides = array<i32>} : memref<8x128xf32, #tpu.memory_space<vmem>>, vector<16xf32>,
    %swap3A_230 = arith.constant 5 : i32
    %swap3A_231 = arith.index_cast %swap3A_230 : i32 to index
    %swap3A_232 = arith.constant 0 : index
    %swap3A_233 = tpu.vector_load %arg9[%swap3A_231, %swap3A_232] {strides = array<i32>} : memref<8x128xf32, #tpu.memory_space<vmem>>, vector<16xf32>,
    tpu.vector_store %arg9[%swap3A_231, %swap3A_232], %broadcast_in_dim3A_1 {strides = array<i32>} : memref<8x128xf32, #tpu.memory_space<vmem>>, vector<16xf32>,
    %swap3A_234 = arith.constant 5 : i32
    %swap3A_235 = arith.index_cast %swap3A_234 : i32 to index
    %swap3A_236 = arith.constant 16 : index
    %swap3A_237 = tpu.vector_load %arg9[%swap3A_235, %swap3A_236] {strides = array<i32>} : memref<8x128xf32, #tpu.memory_space<vmem>>, vector<16xf32>,
    tpu.vector_store %arg9[%swap3A_235, %swap3A_236], %broadcast_in_dim3A_1 {strides = array<i32>} : memref<8x128xf32, #tpu.memory_space<vmem>>, vector<16xf32>,
    %swap3A_238 = arith.constant 5 : i32
    %swap3A_239 = arith.index_cast %swap3A_238 : i32 to index
    %swap3A_240 = arith.constant 32 : index
    %swap3A_241 = tpu.vector_load %arg9[%swap3A_239, %swap3A_240] {strides = array<i32>} : memref<8x128xf32, #tpu.memory_space<vmem>>, vector<16xf32>,
    tpu.vector_store %arg9[%swap3A_239, %swap3A_240], %broadcast_in_dim3A_1 {strides = array<i32>} : memref<8x128xf32, #tpu.memory_space<vmem>>, vector<16xf32>,
    %swap3A_242 = arith.constant 5 : i32
    %swap3A_243 = arith.index_cast %swap3A_242 : i32 to index
    %swap3A_244 = arith.constant 48 : index
    %swap3A_245 = tpu.vector_load %arg9[%swap3A_243, %swap3A_244] {strides = array<i32>} : memref<8x128xf32, #tpu.memory_space<vmem>>, vector<16xf32>,
    tpu.vector_store %arg9[%swap3A_243, %swap3A_244], %broadcast_in_dim3A_1 {strides = array<i32>} : memref<8x128xf32, #tpu.memory_space<vmem>>, vector<16xf32>,
    %swap3A_246 = arith.constant 5 : i32
    %swap3A_247 = arith.index_cast %swap3A_246 : i32 to index
    %swap3A_248 = arith.constant 64 : index
    %swap3A_249 = tpu.vector_load %arg9[%swap3A_247, %swap3A_248] {strides = array<i32>} : memref<8x128xf32, #tpu.memory_space<vmem>>, vector<16xf32>,
    tpu.vector_store %arg9[%swap3A_247, %swap3A_248], %broadcast_in_dim3A_1 {strides = array<i32>} : memref<8x128xf32, #tpu.memory_space<vmem>>, vector<16xf32>,
    %swap3A_250 = arith.constant 5 : i32
    %swap3A_251 = arith.index_cast %swap3A_250 : i32 to index
    %swap3A_252 = arith.constant 80 : index
    %swap3A_253 = tpu.vector_load %arg9[%swap3A_251, %swap3A_252] {strides = array<i32>} : memref<8x128xf32, #tpu.memory_space<vmem>>, vector<16xf32>,
    tpu.vector_store %arg9[%swap3A_251, %swap3A_252], %broadcast_in_dim3A_1 {strides = array<i32>} : memref<8x128xf32, #tpu.memory_space<vmem>>, vector<16xf32>,
    %swap3A_254 = arith.constant 5 : i32
    %swap3A_255 = arith.index_cast %swap3A_254 : i32 to index
    %swap3A_256 = arith.constant 96 : index
    %swap3A_257 = tpu.vector_load %arg9[%swap3A_255, %swap3A_256] {strides = array<i32>} : memref<8x128xf32, #tpu.memory_space<vmem>>, vector<16xf32>,
    tpu.vector_store %arg9[%swap3A_255, %swap3A_256], %broadcast_in_dim3A_1 {strides = array<i32>} : memref<8x128xf32, #tpu.memory_space<vmem>>, vector<16xf32>,
    %swap3A_258 = arith.constant 5 : i32
    %swap3A_259 = arith.index_cast %swap3A_258 : i32 to index
    %swap3A_260 = arith.constant 112 : index
    %swap3A_261 = tpu.vector_load %arg9[%swap3A_259, %swap3A_260] {strides = array<i32>} : memref<8x128xf32, #tpu.memory_space<vmem>>, vector<16xf32>,
    tpu.vector_store %arg9[%swap3A_259, %swap3A_260], %broadcast_in_dim3A_1 {strides = array<i32>} : memref<8x128xf32, #tpu.memory_space<vmem>>, vector<16xf32>,
    %swap3A_262 = arith.constant 6 : i32
    %swap3A_263 = arith.index_cast %swap3A_262 : i32 to index
    %swap3A_264 = arith.constant 0 : index
    %swap3A_265 = tpu.vector_load %arg9[%swap3A_263, %swap3A_264] {strides = array<i32>} : memref<8x128xf32, #tpu.memory_space<vmem>>, vector<16xf32>,
    tpu.vector_store %arg9[%swap3A_263, %swap3A_264], %broadcast_in_dim3A_1 {strides = array<i32>} : memref<8x128xf32, #tpu.memory_space<vmem>>, vector<16xf32>,
    %swap3A_266 = arith.constant 6 : i32
    %swap3A_267 = arith.index_cast %swap3A_266 : i32 to index
    %swap3A_268 = arith.constant 16 : index
    %swap3A_269 = tpu.vector_load %arg9[%swap3A_267, %swap3A_268] {strides = array<i32>} : memref<8x128xf32, #tpu.memory_space<vmem>>, vector<16xf32>,
    tpu.vector_store %arg9[%swap3A_267, %swap3A_268], %broadcast_in_dim3A_1 {strides = array<i32>} : memref<8x128xf32, #tpu.memory_space<vmem>>, vector<16xf32>,
    %swap3A_270 = arith.constant 6 : i32
    %swap3A_271 = arith.index_cast %swap3A_270 : i32 to index
    %swap3A_272 = arith.constant 32 : index
    %swap3A_273 = tpu.vector_load %arg9[%swap3A_271, %swap3A_272] {strides = array<i32>} : memref<8x128xf32, #tpu.memory_space<vmem>>, vector<16xf32>,
    tpu.vector_store %arg9[%swap3A_271, %swap3A_272], %broadcast_in_dim3A_1 {strides = array<i32>} : memref<8x128xf32, #tpu.memory_space<vmem>>, vector<16xf32>,
    %swap3A_274 = arith.constant 6 : i32
    %swap3A_275 = arith.index_cast %swap3A_274 : i32 to index
    %swap3A_276 = arith.constant 48 : index
    %swap3A_277 = tpu.vector_load %arg9[%swap3A_275, %swap3A_276] {strides = array<i32>} : memref<8x128xf32, #tpu.memory_space<vmem>>, vector<16xf32>,
    tpu.vector_store %arg9[%swap3A_275, %swap3A_276], %broadcast_in_dim3A_1 {strides = array<i32>} : memref<8x128xf32, #tpu.memory_space<vmem>>, vector<16xf32>,
    %swap3A_278 = arith.constant 6 : i32
    %swap3A_279 = arith.index_cast %swap3A_278 : i32 to index
    %swap3A_280 = arith.constant 64 : index
    %swap3A_281 = tpu.vector_load %arg9[%swap3A_279, %swap3A_280] {strides = array<i32>} : memref<8x128xf32, #tpu.memory_space<vmem>>, vector<16xf32>,
    tpu.vector_store %arg9[%swap3A_279, %swap3A_280], %broadcast_in_dim3A_1 {strides = array<i32>} : memref<8x128xf32, #tpu.memory_space<vmem>>, vector<16xf32>,
    %swap3A_282 = arith.constant 6 : i32
    %swap3A_283 = arith.index_cast %swap3A_282 : i32 to index
    %swap3A_284 = arith.constant 80 : index
    %swap3A_285 = tpu.vector_load %arg9[%swap3A_283, %swap3A_284] {strides = array<i32>} : memref<8x128xf32, #tpu.memory_space<vmem>>, vector<16xf32>,
    tpu.vector_store %arg9[%swap3A_283, %swap3A_284], %broadcast_in_dim3A_1 {strides = array<i32>} : memref<8x128xf32, #tpu.memory_space<vmem>>, vector<16xf32>,
    %swap3A_286 = arith.constant 6 : i32
    %swap3A_287 = arith.index_cast %swap3A_286 : i32 to index
    %swap3A_288 = arith.constant 96 : index
    %swap3A_289 = tpu.vector_load %arg9[%swap3A_287, %swap3A_288] {strides = array<i32>} : memref<8x128xf32, #tpu.memory_space<vmem>>, vector<16xf32>,
    tpu.vector_store %arg9[%swap3A_287, %swap3A_288], %broadcast_in_dim3A_1 {strides = array<i32>} : memref<8x128xf32, #tpu.memory_space<vmem>>, vector<16xf32>,
    %swap3A_290 = arith.constant 6 : i32
    %swap3A_291 = arith.index_cast %swap3A_290 : i32 to index
    %swap3A_292 = arith.constant 112 : index
    %swap3A_293 = tpu.vector_load %arg9[%swap3A_291, %swap3A_292] {strides = array<i32>} : memref<8x128xf32, #tpu.memory_space<vmem>>, vector<16xf32>,
    tpu.vector_store %arg9[%swap3A_291, %swap3A_292], %broadcast_in_dim3A_1 {strides = array<i32>} : memref<8x128xf32, #tpu.memory_space<vmem>>, vector<16xf32>,
    %swap3A_294 = arith.constant 7 : i32
    %swap3A_295 = arith.index_cast %swap3A_294 : i32 to index
    %swap3A_296 = arith.constant 0 : index
    %swap3A_297 = tpu.vector_load %arg9[%swap3A_295, %swap3A_296] {strides = array<i32>} : memref<8x128xf32, #tpu.memory_space<vmem>>, vector<16xf32>,
    tpu.vector_store %arg9[%swap3A_295, %swap3A_296], %broadcast_in_dim3A_1 {strides = array<i32>} : memref<8x128xf32, #tpu.memory_space<vmem>>, vector<16xf32>,
    %swap3A_298 = arith.constant 7 : i32
    %swap3A_299 = arith.index_cast %swap3A_298 : i32 to index
    %swap3A_300 = arith.constant 16 : index
    %swap3A_301 = tpu.vector_load %arg9[%swap3A_299, %swap3A_300] {strides = array<i32>} : memref<8x128xf32, #tpu.memory_space<vmem>>, vector<16xf32>,
    tpu.vector_store %arg9[%swap3A_299, %swap3A_300], %broadcast_in_dim3A_1 {strides = array<i32>} : memref<8x128xf32, #tpu.memory_space<vmem>>, vector<16xf32>,
    %swap3A_302 = arith.constant 7 : i32
    %swap3A_303 = arith.index_cast %swap3A_302 : i32 to index
    %swap3A_304 = arith.constant 32 : index
    %swap3A_305 = tpu.vector_load %arg9[%swap3A_303, %swap3A_304] {strides = array<i32>} : memref<8x128xf32, #tpu.memory_space<vmem>>, vector<16xf32>,
    tpu.vector_store %arg9[%swap3A_303, %swap3A_304], %broadcast_in_dim3A_1 {strides = array<i32>} : memref<8x128xf32, #tpu.memory_space<vmem>>, vector<16xf32>,
    %swap3A_306 = arith.constant 7 : i32
    %swap3A_307 = arith.index_cast %swap3A_306 : i32 to index
    %swap3A_308 = arith.constant 48 : index
    %swap3A_309 = tpu.vector_load %arg9[%swap3A_307, %swap3A_308] {strides = array<i32>} : memref<8x128xf32, #tpu.memory_space<vmem>>, vector<16xf32>,
    tpu.vector_store %arg9[%swap3A_307, %swap3A_308], %broadcast_in_dim3A_1 {strides = array<i32>} : memref<8x128xf32, #tpu.memory_space<vmem>>, vector<16xf32>,
    %swap3A_310 = arith.constant 7 : i32
    %swap3A_311 = arith.index_cast %swap3A_310 : i32 to index
    %swap3A_312 = arith.constant 64 : index
    %swap3A_313 = tpu.vector_load %arg9[%swap3A_311, %swap3A_312] {strides = array<i32>} : memref<8x128xf32, #tpu.memory_space<vmem>>, vector<16xf32>,
    tpu.vector_store %arg9[%swap3A_311, %swap3A_312], %broadcast_in_dim3A_1 {strides = array<i32>} : memref<8x128xf32, #tpu.memory_space<vmem>>, vector<16xf32>,
    %swap3A_314 = arith.constant 7 : i32
    %swap3A_315 = arith.index_cast %swap3A_314 : i32 to index
    %swap3A_316 = arith.constant 80 : index
    %swap3A_317 = tpu.vector_load %arg9[%swap3A_315, %swap3A_316] {strides = array<i32>} : memref<8x128xf32, #tpu.memory_space<vmem>>, vector<16xf32>,
    tpu.vector_store %arg9[%swap3A_315, %swap3A_316], %broadcast_in_dim3A_1 {strides = array<i32>} : memref<8x128xf32, #tpu.memory_space<vmem>>, vector<16xf32>,
    %swap3A_318 = arith.constant 7 : i32
    %swap3A_319 = arith.index_cast %swap3A_318 : i32 to index
    %swap3A_320 = arith.constant 96 : index
    %swap3A_321 = tpu.vector_load %arg9[%swap3A_319, %swap3A_320] {strides = array<i32>} : memref<8x128xf32, #tpu.memory_space<vmem>>, vector<16xf32>,
    tpu.vector_store %arg9[%swap3A_319, %swap3A_320], %broadcast_in_dim3A_1 {strides = array<i32>} : memref<8x128xf32, #tpu.memory_space<vmem>>, vector<16xf32>,
    %swap3A_322 = arith.constant 7 : i32
    %swap3A_323 = arith.index_cast %swap3A_322 : i32 to index
    %swap3A_324 = arith.constant 112 : index
    %swap3A_325 = tpu.vector_load %arg9[%swap3A_323, %swap3A_324] {strides = array<i32>} : memref<8x128xf32, #tpu.memory_space<vmem>>, vector<16xf32>,
    tpu.vector_store %arg9[%swap3A_323, %swap3A_324], %broadcast_in_dim3A_1 {strides = array<i32>} : memref<8x128xf32, #tpu.memory_space<vmem>>, vector<16xf32>,
    %swap3A_326 = arith.constant -1 : i32
    %swap3A_327 = arith.constant 0 : i32
    %swap3A_328 = arith.index_cast %swap3A_327 : i32 to index
    %swap3A_329 = memref.load %arg10[%swap3A_328] : memref<4xi32, #tpu.memory_space<smem>>
    memref.store %swap3A_326, %arg10[%swap3A_328] : memref<4xi32, #tpu.memory_space<smem>>
    %swap3A_330 = arith.constant 0 : i32
    %swap3A_331 = arith.constant 1 : i32
    %swap3A_332 = arith.index_cast %swap3A_331 : i32 to index
    %swap3A_333 = memref.load %arg10[%swap3A_332] : memref<4xi32, #tpu.memory_space<smem>>
    memref.store %swap3A_330, %arg10[%swap3A_332] : memref<4xi32, #tpu.memory_space<smem>>
    %swap3A_334 = arith.constant 0 : index
    %swap3A_335 = tpu.vector_load %arg8[%swap3A_334] {strides = array<i32>} : memref<16xi32, #tpu.memory_space<vmem>>, vector<16xi32>,
    tpu.vector_store %arg8[%swap3A_334], %broadcast_in_dim3A_3 {strides = array<i32>} : memref<16xi32, #tpu.memory_space<vmem>>, vector<16xi32>,
    %mul3A_336 = arith.constant 16 : i32
    %mul3A_337 = arith.muli %arg1, %mul3A_336 : i32
    "tpu.region"() ({
      %run_scoped3A = tpu.sem_alloc : memref<!tpu.dma_semaphore, #tpu.memory_space<semaphore_mem>>
      %dma_start3A_494 = arith.constant 0 : i32
      %dma_start3A_495 = tpu.memref_slice %arg13[%mul3A_337, %dma_start3A_494] : memref<264x128xf32, #tpu.memory_space<vmem_shared>> -> memref<8x128xf32, #tpu.memory_space<vmem_shared>>
      %dma_start3A_496 = arith.constant 0 : i32
      %dma_start3A_497 = tpu.memref_slice %arg13[%mul3A_337, %dma_start3A_496] : memref<264x128xf32, #tpu.memory_space<vmem_shared>> -> memref<8x128xf32, #tpu.memory_space<vmem_shared>>
      tpu.enqueue_dma source(%arg9 : memref<8x128xf32, #tpu.memory_space<vmem>>) target(%dma_start3A_497 : memref<8x128xf32, #tpu.memory_space<vmem_shared>>) target_semaphore(%run_scoped3A : memref<!tpu.dma_semaphore, #tpu.memory_space<semaphore_mem>>)
      %dma_wait3A_498 = arith.constant 0 : i32
      %dma_wait3A_499 = tpu.memref_slice %arg13[%mul3A_337, %dma_wait3A_498] : memref<264x128xf32, #tpu.memory_space<vmem_shared>> -> memref<8x128xf32, #tpu.memory_space<vmem_shared>>
      %dma_wait3A_500 = arith.constant 0 : i32
      %dma_wait3A_501 = tpu.memref_slice %arg13[%mul3A_337, %dma_wait3A_500] : memref<264x128xf32, #tpu.memory_space<vmem_shared>> -> memref<8x128xf32, #tpu.memory_space<vmem_shared>>
      tpu.wait_dma2 semaphore(%run_scoped3A : memref<!tpu.dma_semaphore, #tpu.memory_space<semaphore_mem>>) src(%arg9 : memref<8x128xf32, #tpu.memory_space<vmem>>) dst(%dma_wait3A_501 : memref<8x128xf32, #tpu.memory_space<vmem_shared>>)
      tpu.yield
    }) : () -> ()
    %mul3A_338 = arith.constant 16 : i32
    %mul3A_339 = arith.muli %arg1, %mul3A_338 : i32
    %add3A_340 = arith.constant 8 : i32
    %add3A_341 = arith.addi %mul3A_339, %add3A_340 : i32
    "tpu.region"() ({
      %run_scoped3A = tpu.sem_alloc : memref<!tpu.dma_semaphore, #tpu.memory_space<semaphore_mem>>
      %dma_start3A_494 = arith.constant 0 : i32
      %dma_start3A_495 = tpu.memref_slice %arg13[%add3A_341, %dma_start3A_494] : memref<264x128xf32, #tpu.memory_space<vmem_shared>> -> memref<8x128xf32, #tpu.memory_space<vmem_shared>>
      %dma_start3A_496 = arith.constant 0 : i32
      %dma_start3A_497 = tpu.memref_slice %arg13[%add3A_341, %dma_start3A_496] : memref<264x128xf32, #tpu.memory_space<vmem_shared>> -> memref<8x128xf32, #tpu.memory_space<vmem_shared>>
      tpu.enqueue_dma source(%arg9 : memref<8x128xf32, #tpu.memory_space<vmem>>) target(%dma_start3A_497 : memref<8x128xf32, #tpu.memory_space<vmem_shared>>) target_semaphore(%run_scoped3A : memref<!tpu.dma_semaphore, #tpu.memory_space<semaphore_mem>>)
      %dma_wait3A_498 = arith.constant 0 : i32
      %dma_wait3A_499 = tpu.memref_slice %arg13[%add3A_341, %dma_wait3A_498] : memref<264x128xf32, #tpu.memory_space<vmem_shared>> -> memref<8x128xf32, #tpu.memory_space<vmem_shared>>
      %dma_wait3A_500 = arith.constant 0 : i32
      %dma_wait3A_501 = tpu.memref_slice %arg13[%add3A_341, %dma_wait3A_500] : memref<264x128xf32, #tpu.memory_space<vmem_shared>> -> memref<8x128xf32, #tpu.memory_space<vmem_shared>>
      tpu.wait_dma2 semaphore(%run_scoped3A : memref<!tpu.dma_semaphore, #tpu.memory_space<semaphore_mem>>) src(%arg9 : memref<8x128xf32, #tpu.memory_space<vmem>>) dst(%dma_wait3A_501 : memref<8x128xf32, #tpu.memory_space<vmem_shared>>)
      tpu.yield
    }) : () -> ()
    %eq3A = arith.constant 0 : i32
    %eq3A_342 = arith.cmpi eq, %arg1, %eq3A : i32
    %convert_element_type3A = arith.extui %eq3A_342 : i1 to i32
    %cond3A = arith.constant 0 : i32
    %cond3A_343 = arith.cmpi ne, %convert_element_type3A, %cond3A : i32
    scf.if %cond3A_343 {
      "tpu.region"() ({
        %run_scoped3A = tpu.sem_alloc : memref<!tpu.dma_semaphore, #tpu.memory_space<semaphore_mem>>
        %dma_start3A_494 = arith.constant 256 : i32
        %dma_start3A_495 = arith.constant 0 : i32
        %dma_start3A_496 = tpu.memref_slice %arg13[%dma_start3A_494, %dma_start3A_495] : memref<264x128xf32, #tpu.memory_space<vmem_shared>> -> memref<8x128xf32, #tpu.memory_space<vmem_shared>>
        %dma_start3A_497 = arith.constant 256 : i32
        %dma_start3A_498 = arith.constant 0 : i32
        %dma_start3A_499 = tpu.memref_slice %arg13[%dma_start3A_497, %dma_start3A_498] : memref<264x128xf32, #tpu.memory_space<vmem_shared>> -> memref<8x128xf32, #tpu.memory_space<vmem_shared>>
        tpu.enqueue_dma source(%arg9 : memref<8x128xf32, #tpu.memory_space<vmem>>) target(%dma_start3A_499 : memref<8x128xf32, #tpu.memory_space<vmem_shared>>) target_semaphore(%run_scoped3A : memref<!tpu.dma_semaphore, #tpu.memory_space<semaphore_mem>>)
        %dma_wait3A_500 = arith.constant 256 : i32
        %dma_wait3A_501 = arith.constant 0 : i32
        %dma_wait3A_502 = tpu.memref_slice %arg13[%dma_wait3A_500, %dma_wait3A_501] : memref<264x128xf32, #tpu.memory_space<vmem_shared>> -> memref<8x128xf32, #tpu.memory_space<vmem_shared>>
        %dma_wait3A_503 = arith.constant 256 : i32
        %dma_wait3A_504 = arith.constant 0 : i32
        %dma_wait3A_505 = tpu.memref_slice %arg13[%dma_wait3A_503, %dma_wait3A_504] : memref<264x128xf32, #tpu.memory_space<vmem_shared>> -> memref<8x128xf32, #tpu.memory_space<vmem_shared>>
        tpu.wait_dma2 semaphore(%run_scoped3A : memref<!tpu.dma_semaphore, #tpu.memory_space<semaphore_mem>>) src(%arg9 : memref<8x128xf32, #tpu.memory_space<vmem>>) dst(%dma_wait3A_505 : memref<8x128xf32, #tpu.memory_space<vmem_shared>>)
        tpu.yield
      }) : () -> ()
    } else {
    }
    %barrier3A = arith.constant 0 : index
    tpu.barrier barrier_id(%barrier3A)
    %dma_wait3A = arith.constant 0 : i32
    %dma_wait3A_344 = tpu.memref_slice %arg6[%dma_wait3A] : memref<208xi32, #tpu.memory_space<vmem>> -> memref<192xi32, #tpu.memory_space<vmem>>
    %dma_wait3A_345 = tpu.memref_slice %arg3[%mul3A_5] : memref<10000xi32, #tpu.memory_space<hbm>> -> memref<192xi32, #tpu.memory_space<hbm>>
    %dma_wait3A_346 = arith.constant 0 : i32
    %dma_wait3A_347 = tpu.memref_slice %arg6[%dma_wait3A_346] : memref<208xi32, #tpu.memory_space<vmem>> -> memref<192xi32, #tpu.memory_space<vmem>>
    %dma_wait3A_348 = tpu.memref_slice %arg3[%mul3A_5] : memref<10000xi32, #tpu.memory_space<hbm>> -> memref<192xi32, #tpu.memory_space<hbm>>
    tpu.wait_dma2 semaphore(%arg12 : memref<!tpu.dma_semaphore, #tpu.memory_space<semaphore_mem>>) src(%dma_wait3A_348 : memref<192xi32, #tpu.memory_space<hbm>>) dst(%dma_wait3A_347 : memref<192xi32, #tpu.memory_space<vmem>>)
    %broadcast_in_dim3A_349 = arith.constant 0.000000e+00 : f32
    %broadcast_in_dim3A_350 = vector.broadcast %broadcast_in_dim3A_349 : f32 to vector<16xf32>
    %broadcast_in_dim3A_351 = arith.constant 0.000000e+00 : f32
    %broadcast_in_dim3A_352 = vector.broadcast %broadcast_in_dim3A_351 : f32 to vector<16xf32>
    %broadcast_in_dim3A_353 = arith.constant 0.000000e+00 : f32
    %broadcast_in_dim3A_354 = vector.broadcast %broadcast_in_dim3A_353 : f32 to vector<16xf32>
    %broadcast_in_dim3A_355 = arith.constant 0.000000e+00 : f32
    %broadcast_in_dim3A_356 = vector.broadcast %broadcast_in_dim3A_355 : f32 to vector<16xf32>
    %broadcast_in_dim3A_357 = arith.constant 0.000000e+00 : f32
    %broadcast_in_dim3A_358 = vector.broadcast %broadcast_in_dim3A_357 : f32 to vector<16xf32>
    %broadcast_in_dim3A_359 = arith.constant 0.000000e+00 : f32
    %broadcast_in_dim3A_360 = vector.broadcast %broadcast_in_dim3A_359 : f32 to vector<16xf32>
    %broadcast_in_dim3A_361 = arith.constant 0.000000e+00 : f32
    %broadcast_in_dim3A_362 = vector.broadcast %broadcast_in_dim3A_361 : f32 to vector<16xf32>
    %broadcast_in_dim3A_363 = arith.constant 0.000000e+00 : f32
    %broadcast_in_dim3A_364 = vector.broadcast %broadcast_in_dim3A_363 : f32 to vector<16xf32>
    %broadcast_in_dim3A_365 = arith.constant 0.000000e+00 : f32
    %broadcast_in_dim3A_366 = vector.broadcast %broadcast_in_dim3A_365 : f32 to vector<16xf32>
    %scan3A = arith.constant 0 : i32
    %scan3A_367 = arith.constant 12 : i32
    %scan3A_368 = arith.addi %scan3A, %scan3A_367 : i32
    %scan3A_369 = arith.constant 1 : i32
    %scan3A_370:9 = scf.for %scan3A_494 = %scan3A to %scan3A_368 step %scan3A_369 iter_args(%scan3A_495 = %broadcast_in_dim3A_350, %scan3A_496 = %broadcast_in_dim3A_352, %scan3A_497 = %broadcast_in_dim3A_354, %scan3A_498 = %broadcast_in_dim3A_356, %scan3A_499 = %broadcast_in_dim3A_358, %scan3A_500 = %broadcast_in_dim3A_360, %scan3A_501 = %broadcast_in_dim3A_362, %scan3A_502 = %broadcast_in_dim3A_364, %scan3A_503 = %broadcast_in_dim3A_366) -> (vector<16xf32>, vector<16xf32>, vector<16xf32>, vector<16xf32>, vector<16xf32>, vector<16xf32>, vector<16xf32>, vector<16xf32>, vector<16xf32>)  : i32 {
      %mul3A_504 = arith.constant 16 : i32
      %mul3A_505 = arith.muli %scan3A_494, %mul3A_504 : i32
      %jit3A_506 = arith.constant 2 : i32
      %eq3A_507 = arith.constant 0 : i32
      %eq3A_508 = arith.cmpi eq, %jit3A_506, %eq3A_507 : i32
      %jit3A_509 = arith.constant 1 : i32
      %select_n3A_510 = arith.select %eq3A_508, %jit3A_509, %jit3A_506 : i32
      %rem3A_511 = arith.remsi %scan3A_494, %select_n3A_510 : i32
      %ne3A_512 = arith.constant 0 : i32
      %ne3A_513 = arith.cmpi ne, %rem3A_511, %ne3A_512 : i32
      %lt3A_514 = arith.constant 0 : i32
      %lt3A_515 = arith.cmpi slt, %rem3A_511, %lt3A_514 : i32
      %lt3A_516 = arith.constant 0 : i32
      %lt3A_517 = arith.cmpi slt, %select_n3A_510, %lt3A_516 : i32
      %ne3A_518 = arith.xori %lt3A_515, %lt3A_517 : i1
      %and3A_519 = arith.andi %ne3A_518, %ne3A_513 : i1
      %add3A_520 = arith.addi %rem3A_511, %select_n3A_510 : i32
      %select_n3A_521 = arith.select %and3A_519, %add3A_520, %rem3A_511 : i32
      %eq3A_522 = arith.constant 0 : i32
      %eq3A_523 = arith.cmpi eq, %select_n3A_521, %eq3A_522 : i32
      %convert_element_type3A_524 = arith.extui %eq3A_523 : i1 to i32
      %cond3A_525 = arith.constant 0 : i32
      %cond3A_526 = arith.cmpi ne, %convert_element_type3A_524, %cond3A_525 : i32
      scf.if %cond3A_526 {
        %dma_wait3A_542 = arith.constant 0 : i32
        %dma_wait3A_543 = tpu.memref_slice %arg5[%dma_wait3A_542] : memref<24576xf32, #tpu.memory_space<vmem>> -> memref<4096xf32, #tpu.memory_space<vmem>>
        %dma_wait3A_544 = arith.constant 0 : i32
        %dma_wait3A_545 = tpu.memref_slice %arg2[%dma_wait3A_544] : memref<1280000xf32, #tpu.memory_space<hbm>> -> memref<4096xf32, #tpu.memory_space<hbm>>
        %dma_wait3A_546 = arith.constant 0 : i32
        %dma_wait3A_547 = tpu.memref_slice %arg5[%dma_wait3A_546] : memref<24576xf32, #tpu.memory_space<vmem>> -> memref<4096xf32, #tpu.memory_space<vmem>>
        %dma_wait3A_548 = arith.constant 0 : i32
        %dma_wait3A_549 = tpu.memref_slice %arg2[%dma_wait3A_548] : memref<1280000xf32, #tpu.memory_space<hbm>> -> memref<4096xf32, #tpu.memory_space<hbm>>
        tpu.wait_dma2 semaphore(%arg11 : memref<!tpu.dma_semaphore, #tpu.memory_space<semaphore_mem>>) src(%dma_wait3A_549 : memref<4096xf32, #tpu.memory_space<hbm>>) dst(%dma_wait3A_547 : memref<4096xf32, #tpu.memory_space<vmem>>)
      } else {
      }
      %get3A_527 = arith.index_cast %mul3A_505 : i32 to index
      %get3A_528 = tpu.vector_load %arg6[%get3A_527] {strides = array<i32>} : memref<208xi32, #tpu.memory_space<vmem>>, vector<16xi32>,
      %slice3A = vector.extract_strided_slice %get3A_528 {offsets = [0], sizes = [1], strides = [1]} : vector<16xi32> to vector<1xi32>
      %squeeze3A = vector.extract %slice3A[0] : i32 from vector<1xi32>
      %slice3A_529 = vector.extract_strided_slice %get3A_528 {offsets = [15], sizes = [1], strides = [1]} : vector<16xi32> to vector<1xi32>
      %squeeze3A_530 = vector.extract %slice3A_529[0] : i32 from vector<1xi32>
      %get3A_531 = arith.constant 0 : i32
      %get3A_532 = arith.index_cast %get3A_531 : i32 to index
      %get3A_533 = memref.load %arg10[%get3A_532] : memref<4xi32, #tpu.memory_space<smem>>
      %eq3A_534 = arith.cmpi eq, %squeeze3A, %squeeze3A_530 : i32
      %convert_element_type3A_535 = arith.extui %eq3A_534 : i1 to i32
      %cond3A_536 = arith.constant 0 : i32
      %cond3A_537 = arith.cmpi ne, %convert_element_type3A_535, %cond3A_536 : i32
      %cond3A_538:9 = scf.if %cond3A_537 -> (vector<16xf32>, vector<16xf32>, vector<16xf32>, vector<16xf32>, vector<16xf32>, vector<16xf32>, vector<16xf32>, vector<16xf32>, vector<16xf32>) {
        %ne3A_542 = arith.cmpi ne, %get3A_533, %squeeze3A : i32
        %convert_element_type3A_543 = arith.extui %ne3A_542 : i1 to i32
        %cond3A_544 = arith.constant 0 : i32
        %cond3A_545 = arith.cmpi ne, %convert_element_type3A_543, %cond3A_544 : i32
        scf.if %cond3A_545 {
          %ge3A = arith.constant 0 : i32
          %ge3A_1476 = arith.cmpi sge, %get3A_533, %ge3A : i32
          %convert_element_type3A_1477 = arith.extui %ge3A_1476 : i1 to i32
          %cond3A_1478 = arith.constant 0 : i32
          %cond3A_1479 = arith.cmpi ne, %convert_element_type3A_1477, %cond3A_1478 : i32
          scf.if %cond3A_1479 {
            %get3A_1480 = arith.constant 1 : i32
            %get3A_1481 = arith.index_cast %get3A_1480 : i32 to index
            %get3A_1482 = memref.load %arg10[%get3A_1481] : memref<4xi32, #tpu.memory_space<smem>>
            %jit3A_1483 = arith.constant 16 : i32
            %eq3A_1484 = arith.constant 0 : i32
            %eq3A_1485 = arith.cmpi eq, %jit3A_1483, %eq3A_1484 : i32
            %jit3A_1486 = arith.constant 1 : i32
            %select_n3A_1487 = arith.select %eq3A_1485, %jit3A_1486, %jit3A_1483 : i32
            %rem3A_1488 = arith.remsi %get3A_1482, %select_n3A_1487 : i32
            %ne3A_1489 = arith.constant 0 : i32
            %ne3A_1490 = arith.cmpi ne, %rem3A_1488, %ne3A_1489 : i32
            %lt3A_1491 = arith.constant 0 : i32
            %lt3A_1492 = arith.cmpi slt, %rem3A_1488, %lt3A_1491 : i32
            %lt3A_1493 = arith.constant 0 : i32
            %lt3A_1494 = arith.cmpi slt, %select_n3A_1487, %lt3A_1493 : i32
            %ne3A_1495 = arith.xori %lt3A_1492, %lt3A_1494 : i1
            %and3A_1496 = arith.andi %ne3A_1495, %ne3A_1490 : i1
            %add3A_1497 = arith.addi %rem3A_1488, %select_n3A_1487 : i32
            %select_n3A_1498 = arith.select %and3A_1496, %add3A_1497, %rem3A_1488 : i32
            %broadcast_in_dim3A_1499 = vector.broadcast %select_n3A_1498 : i32 to vector<16xi32>
            %add3A_1500 = arith.constant 1 : i32
            %add3A_1501 = vector.broadcast %add3A_1500 : i32 to vector<16xi32>
            %add3A_1502 = arith.addi %broadcast_in_dim3A_1499, %add3A_1501 : vector<16xi32>
            %iota3A_1503 = tpu.iota {dimensions = array<i32: 0>} : vector<16xi32>
            %add3A_1504 = arith.constant 0 : i32
            %add3A_1505 = vector.broadcast %add3A_1504 : i32 to vector<16xi32>
            %add3A_1506 = arith.addi %add3A_1505, %iota3A_1503 : vector<16xi32>
            tpu.vector_store_idx %arg7[%broadcast_in_dim3A_1499, %add3A_1506], %scan3A_495 : memref<16x128xf32, #tpu.memory_space<vmem>>[vector<16xi32>, vector<16xi32>], vector<16xf32>,
            %iota3A_1507 = tpu.iota {dimensions = array<i32: 0>} : vector<16xi32>
            %add3A_1508 = arith.constant 0 : i32
            %add3A_1509 = vector.broadcast %add3A_1508 : i32 to vector<16xi32>
            %add3A_1510 = arith.addi %add3A_1509, %iota3A_1507 : vector<16xi32>
            tpu.vector_store_idx %arg7[%add3A_1502, %add3A_1510], %scan3A_503 : memref<16x128xf32, #tpu.memory_space<vmem>>[vector<16xi32>, vector<16xi32>], vector<16xf32>,
            %iota3A_1511 = tpu.iota {dimensions = array<i32: 0>} : vector<16xi32>
            %add3A_1512 = arith.constant 16 : i32
            %add3A_1513 = vector.broadcast %add3A_1512 : i32 to vector<16xi32>
            %add3A_1514 = arith.addi %add3A_1513, %iota3A_1511 : vector<16xi32>
            tpu.vector_store_idx %arg7[%broadcast_in_dim3A_1499, %add3A_1514], %scan3A_496 : memref<16x128xf32, #tpu.memory_space<vmem>>[vector<16xi32>, vector<16xi32>], vector<16xf32>,
            %iota3A_1515 = tpu.iota {dimensions = array<i32: 0>} : vector<16xi32>
            %add3A_1516 = arith.constant 16 : i32
            %add3A_1517 = vector.broadcast %add3A_1516 : i32 to vector<16xi32>
            %add3A_1518 = arith.addi %add3A_1517, %iota3A_1515 : vector<16xi32>
            tpu.vector_store_idx %arg7[%add3A_1502, %add3A_1518], %scan3A_503 : memref<16x128xf32, #tpu.memory_space<vmem>>[vector<16xi32>, vector<16xi32>], vector<16xf32>,
            %iota3A_1519 = tpu.iota {dimensions = array<i32: 0>} : vector<16xi32>
            %add3A_1520 = arith.constant 32 : i32
            %add3A_1521 = vector.broadcast %add3A_1520 : i32 to vector<16xi32>
            %add3A_1522 = arith.addi %add3A_1521, %iota3A_1519 : vector<16xi32>
            tpu.vector_store_idx %arg7[%broadcast_in_dim3A_1499, %add3A_1522], %scan3A_497 : memref<16x128xf32, #tpu.memory_space<vmem>>[vector<16xi32>, vector<16xi32>], vector<16xf32>,
            %iota3A_1523 = tpu.iota {dimensions = array<i32: 0>} : vector<16xi32>
            %add3A_1524 = arith.constant 32 : i32
            %add3A_1525 = vector.broadcast %add3A_1524 : i32 to vector<16xi32>
            %add3A_1526 = arith.addi %add3A_1525, %iota3A_1523 : vector<16xi32>
            tpu.vector_store_idx %arg7[%add3A_1502, %add3A_1526], %scan3A_503 : memref<16x128xf32, #tpu.memory_space<vmem>>[vector<16xi32>, vector<16xi32>], vector<16xf32>,
            %iota3A_1527 = tpu.iota {dimensions = array<i32: 0>} : vector<16xi32>
            %add3A_1528 = arith.constant 48 : i32
            %add3A_1529 = vector.broadcast %add3A_1528 : i32 to vector<16xi32>
            %add3A_1530 = arith.addi %add3A_1529, %iota3A_1527 : vector<16xi32>
            tpu.vector_store_idx %arg7[%broadcast_in_dim3A_1499, %add3A_1530], %scan3A_498 : memref<16x128xf32, #tpu.memory_space<vmem>>[vector<16xi32>, vector<16xi32>], vector<16xf32>,
            %iota3A_1531 = tpu.iota {dimensions = array<i32: 0>} : vector<16xi32>
            %add3A_1532 = arith.constant 48 : i32
            %add3A_1533 = vector.broadcast %add3A_1532 : i32 to vector<16xi32>
            %add3A_1534 = arith.addi %add3A_1533, %iota3A_1531 : vector<16xi32>
            tpu.vector_store_idx %arg7[%add3A_1502, %add3A_1534], %scan3A_503 : memref<16x128xf32, #tpu.memory_space<vmem>>[vector<16xi32>, vector<16xi32>], vector<16xf32>,
            %iota3A_1535 = tpu.iota {dimensions = array<i32: 0>} : vector<16xi32>
            %add3A_1536 = arith.constant 64 : i32
            %add3A_1537 = vector.broadcast %add3A_1536 : i32 to vector<16xi32>
            %add3A_1538 = arith.addi %add3A_1537, %iota3A_1535 : vector<16xi32>
            tpu.vector_store_idx %arg7[%broadcast_in_dim3A_1499, %add3A_1538], %scan3A_499 : memref<16x128xf32, #tpu.memory_space<vmem>>[vector<16xi32>, vector<16xi32>], vector<16xf32>,
            %iota3A_1539 = tpu.iota {dimensions = array<i32: 0>} : vector<16xi32>
            %add3A_1540 = arith.constant 64 : i32
            %add3A_1541 = vector.broadcast %add3A_1540 : i32 to vector<16xi32>
            %add3A_1542 = arith.addi %add3A_1541, %iota3A_1539 : vector<16xi32>
            tpu.vector_store_idx %arg7[%add3A_1502, %add3A_1542], %scan3A_503 : memref<16x128xf32, #tpu.memory_space<vmem>>[vector<16xi32>, vector<16xi32>], vector<16xf32>,
            %iota3A_1543 = tpu.iota {dimensions = array<i32: 0>} : vector<16xi32>
            %add3A_1544 = arith.constant 80 : i32
            %add3A_1545 = vector.broadcast %add3A_1544 : i32 to vector<16xi32>
            %add3A_1546 = arith.addi %add3A_1545, %iota3A_1543 : vector<16xi32>
            tpu.vector_store_idx %arg7[%broadcast_in_dim3A_1499, %add3A_1546], %scan3A_500 : memref<16x128xf32, #tpu.memory_space<vmem>>[vector<16xi32>, vector<16xi32>], vector<16xf32>,
            %iota3A_1547 = tpu.iota {dimensions = array<i32: 0>} : vector<16xi32>
            %add3A_1548 = arith.constant 80 : i32
            %add3A_1549 = vector.broadcast %add3A_1548 : i32 to vector<16xi32>
            %add3A_1550 = arith.addi %add3A_1549, %iota3A_1547 : vector<16xi32>
            tpu.vector_store_idx %arg7[%add3A_1502, %add3A_1550], %scan3A_503 : memref<16x128xf32, #tpu.memory_space<vmem>>[vector<16xi32>, vector<16xi32>], vector<16xf32>,
            %iota3A_1551 = tpu.iota {dimensions = array<i32: 0>} : vector<16xi32>
            %add3A_1552 = arith.constant 96 : i32
            %add3A_1553 = vector.broadcast %add3A_1552 : i32 to vector<16xi32>
            %add3A_1554 = arith.addi %add3A_1553, %iota3A_1551 : vector<16xi32>
            tpu.vector_store_idx %arg7[%broadcast_in_dim3A_1499, %add3A_1554], %scan3A_501 : memref<16x128xf32, #tpu.memory_space<vmem>>[vector<16xi32>, vector<16xi32>], vector<16xf32>,
            %iota3A_1555 = tpu.iota {dimensions = array<i32: 0>} : vector<16xi32>
            %add3A_1556 = arith.constant 96 : i32
            %add3A_1557 = vector.broadcast %add3A_1556 : i32 to vector<16xi32>
            %add3A_1558 = arith.addi %add3A_1557, %iota3A_1555 : vector<16xi32>
            tpu.vector_store_idx %arg7[%add3A_1502, %add3A_1558], %scan3A_503 : memref<16x128xf32, #tpu.memory_space<vmem>>[vector<16xi32>, vector<16xi32>], vector<16xf32>,
            %iota3A_1559 = tpu.iota {dimensions = array<i32: 0>} : vector<16xi32>
            %add3A_1560 = arith.constant 112 : i32
            %add3A_1561 = vector.broadcast %add3A_1560 : i32 to vector<16xi32>
            %add3A_1562 = arith.addi %add3A_1561, %iota3A_1559 : vector<16xi32>
            tpu.vector_store_idx %arg7[%broadcast_in_dim3A_1499, %add3A_1562], %scan3A_502 : memref<16x128xf32, #tpu.memory_space<vmem>>[vector<16xi32>, vector<16xi32>], vector<16xf32>,
            %iota3A_1563 = tpu.iota {dimensions = array<i32: 0>} : vector<16xi32>
            %add3A_1564 = arith.constant 112 : i32
            %add3A_1565 = vector.broadcast %add3A_1564 : i32 to vector<16xi32>
            %add3A_1566 = arith.addi %add3A_1565, %iota3A_1563 : vector<16xi32>
            tpu.vector_store_idx %arg7[%add3A_1502, %add3A_1566], %scan3A_503 : memref<16x128xf32, #tpu.memory_space<vmem>>[vector<16xi32>, vector<16xi32>], vector<16xf32>,
            %get3A_1567 = arith.constant 0 : index
            %get3A_1568 = tpu.vector_load %arg8[%get3A_1567] {strides = array<i32>} : memref<16xi32, #tpu.memory_space<vmem>>, vector<16xi32>,
            %iota3A_1569 = tpu.iota {dimensions = array<i32: 0>} : vector<16xi32>
            %eq3A_1570 = vector.broadcast %select_n3A_1498 : i32 to vector<16xi32>
            %eq3A_1571 = arith.cmpi eq, %iota3A_1569, %eq3A_1570 : vector<16xi32>
            %broadcast_in_dim3A_1572 = vector.broadcast %get3A_533 : i32 to vector<16xi32>
            %select_n3A_1573 = arith.select %eq3A_1571, %broadcast_in_dim3A_1572, %get3A_1568 : vector<16xi1>, vector<16xi32>
            %iota3A_1574 = tpu.iota {dimensions = array<i32: 0>} : vector<16xi32>
            %add3A_1575 = arith.constant 1 : i32
            %add3A_1576 = arith.addi %select_n3A_1498, %add3A_1575 : i32
            %eq3A_1577 = vector.broadcast %add3A_1576 : i32 to vector<16xi32>
            %eq3A_1578 = arith.cmpi eq, %iota3A_1574, %eq3A_1577 : vector<16xi32>
            %add3A_1579 = arith.constant 128 : i32
            %add3A_1580 = arith.addi %get3A_533, %add3A_1579 : i32
            %broadcast_in_dim3A_1581 = vector.broadcast %add3A_1580 : i32 to vector<16xi32>
            %select_n3A_1582 = arith.select %eq3A_1578, %broadcast_in_dim3A_1581, %select_n3A_1573 : vector<16xi1>, vector<16xi32>
            %swap3A_1583 = arith.constant 0 : index
            %swap3A_1584 = tpu.vector_load %arg8[%swap3A_1583] {strides = array<i32>} : memref<16xi32, #tpu.memory_space<vmem>>, vector<16xi32>,
            tpu.vector_store %arg8[%swap3A_1583], %select_n3A_1582 {strides = array<i32>} : memref<16xi32, #tpu.memory_space<vmem>>, vector<16xi32>,
            %eq3A_1585 = arith.constant 14 : i32
            %eq3A_1586 = arith.cmpi eq, %select_n3A_1498, %eq3A_1585 : i32
            %convert_element_type3A_1587 = arith.extui %eq3A_1586 : i1 to i32
            %cond3A_1588 = arith.constant 0 : i32
            %cond3A_1589 = arith.cmpi ne, %convert_element_type3A_1587, %cond3A_1588 : i32
            scf.if %cond3A_1589 {
              "tpu.region"() ({
                %run_scoped3A = tpu.sem_alloc : memref<!tpu.dma_semaphore, #tpu.memory_space<semaphore_mem>>
                %dma_start3A_1600 = arith.constant 0 : i32
                %dma_start3A_1601 = arith.constant 0 : i32
                %dma_start3A_1602 = tpu.memref_slice %arg13[%dma_start3A_1600, %dma_start3A_1601] : memref<264x128xf32, #tpu.memory_space<vmem_shared>> -> memref<264x128xf32, #tpu.memory_space<vmem_shared>>
                tpu.enqueue_indirect_dma source(%arg7 : memref<16x128xf32, #tpu.memory_space<vmem>>) target(%dma_start3A_1602 : memref<264x128xf32, #tpu.memory_space<vmem_shared>>) offsets(%arg8 : memref<16xi32, #tpu.memory_space<vmem>>) semaphore(%run_scoped3A : memref<!tpu.dma_semaphore, #tpu.memory_space<semaphore_mem>>) {add = true}
                %dma_wait3A_1603 = arith.constant 0 : i32
                %dma_wait3A_1604 = arith.constant 0 : i32
                %dma_wait3A_1605 = tpu.memref_slice %arg13[%dma_wait3A_1603, %dma_wait3A_1604] : memref<264x128xf32, #tpu.memory_space<vmem_shared>> -> memref<264x128xf32, #tpu.memory_space<vmem_shared>>
                tpu.wait_indirect_dma semaphore(%run_scoped3A : memref<!tpu.dma_semaphore, #tpu.memory_space<semaphore_mem>>) src(%arg7 : memref<16x128xf32, #tpu.memory_space<vmem>>) dst(%dma_wait3A_1605 : memref<264x128xf32, #tpu.memory_space<vmem_shared>>)
                tpu.yield
              }) : () -> ()
              %swap3A_1598 = arith.constant 0 : index
              %swap3A_1599 = tpu.vector_load %arg8[%swap3A_1598] {strides = array<i32>} : memref<16xi32, #tpu.memory_space<vmem>>, vector<16xi32>,
              tpu.vector_store %arg8[%swap3A_1598], %broadcast_in_dim3A_3 {strides = array<i32>} : memref<16xi32, #tpu.memory_space<vmem>>, vector<16xi32>,
            } else {
            }
            %get3A_1590 = arith.constant 1 : i32
            %get3A_1591 = arith.index_cast %get3A_1590 : i32 to index
            %get3A_1592 = memref.load %arg10[%get3A_1591] : memref<4xi32, #tpu.memory_space<smem>>
            %add3A_1593 = arith.constant 2 : i32
            %add3A_1594 = arith.addi %get3A_1592, %add3A_1593 : i32
            %swap3A_1595 = arith.constant 1 : i32
            %swap3A_1596 = arith.index_cast %swap3A_1595 : i32 to index
            %swap3A_1597 = memref.load %arg10[%swap3A_1596] : memref<4xi32, #tpu.memory_space<smem>>
            memref.store %add3A_1594, %arg10[%swap3A_1596] : memref<4xi32, #tpu.memory_space<smem>>
          } else {
          }
        } else {
        }
        %ne3A_546 = arith.cmpi ne, %get3A_533, %squeeze3A : i32
        %broadcast_in_dim3A_547 = vector.broadcast %ne3A_546 : i1 to vector<16xi1>
        %jit3A_548 = arith.constant 0.000000e+00 : f32
        %broadcast_in_dim3A_549 = vector.broadcast %jit3A_548 : f32 to vector<16xf32>
        %select_n3A_550 = arith.select %broadcast_in_dim3A_547, %broadcast_in_dim3A_549, %scan3A_495 : vector<16xi1>, vector<16xf32>
        %jit3A_551 = arith.constant 0.000000e+00 : f32
        %broadcast_in_dim3A_552 = vector.broadcast %jit3A_551 : f32 to vector<16xf32>
        %select_n3A_553 = arith.select %broadcast_in_dim3A_547, %broadcast_in_dim3A_552, %scan3A_496 : vector<16xi1>, vector<16xf32>
        %jit3A_554 = arith.constant 0.000000e+00 : f32
        %broadcast_in_dim3A_555 = vector.broadcast %jit3A_554 : f32 to vector<16xf32>
        %select_n3A_556 = arith.select %broadcast_in_dim3A_547, %broadcast_in_dim3A_555, %scan3A_497 : vector<16xi1>, vector<16xf32>
        %jit3A_557 = arith.constant 0.000000e+00 : f32
        %broadcast_in_dim3A_558 = vector.broadcast %jit3A_557 : f32 to vector<16xf32>
        %select_n3A_559 = arith.select %broadcast_in_dim3A_547, %broadcast_in_dim3A_558, %scan3A_498 : vector<16xi1>, vector<16xf32>
        %jit3A_560 = arith.constant 0.000000e+00 : f32
        %broadcast_in_dim3A_561 = vector.broadcast %jit3A_560 : f32 to vector<16xf32>
        %select_n3A_562 = arith.select %broadcast_in_dim3A_547, %broadcast_in_dim3A_561, %scan3A_499 : vector<16xi1>, vector<16xf32>
        %jit3A_563 = arith.constant 0.000000e+00 : f32
        %broadcast_in_dim3A_564 = vector.broadcast %jit3A_563 : f32 to vector<16xf32>
        %select_n3A_565 = arith.select %broadcast_in_dim3A_547, %broadcast_in_dim3A_564, %scan3A_500 : vector<16xi1>, vector<16xf32>
        %jit3A_566 = arith.constant 0.000000e+00 : f32
        %broadcast_in_dim3A_567 = vector.broadcast %jit3A_566 : f32 to vector<16xf32>
        %select_n3A_568 = arith.select %broadcast_in_dim3A_547, %broadcast_in_dim3A_567, %scan3A_501 : vector<16xi1>, vector<16xf32>
        %jit3A_569 = arith.constant 0.000000e+00 : f32
        %broadcast_in_dim3A_570 = vector.broadcast %jit3A_569 : f32 to vector<16xf32>
        %select_n3A_571 = arith.select %broadcast_in_dim3A_547, %broadcast_in_dim3A_570, %scan3A_502 : vector<16xi1>, vector<16xf32>
        %jit3A_572 = arith.constant 0.000000e+00 : f32
        %broadcast_in_dim3A_573 = vector.broadcast %jit3A_572 : f32 to vector<16xf32>
        %select_n3A_574 = arith.select %broadcast_in_dim3A_547, %broadcast_in_dim3A_573, %scan3A_503 : vector<16xi1>, vector<16xf32>
        %mul3A_575 = arith.constant 128 : i32
        %mul3A_576 = arith.muli %mul3A_505, %mul3A_575 : i32
        %add3A_577 = arith.constant 0 : i32
        %add3A_578 = arith.addi %mul3A_576, %add3A_577 : i32
        %add3A_579 = arith.constant 0 : i32
        %add3A_580 = arith.addi %add3A_578, %add3A_579 : i32
        %get3A_581 = arith.index_cast %add3A_580 : i32 to index
        %get3A_582 = tpu.vector_load %arg5[%get3A_581] {strides = array<i32>} : memref<24576xf32, #tpu.memory_space<vmem>>, vector<16xf32>,
        %add3A_583 = arith.addf %select_n3A_550, %get3A_582 : vector<16xf32>
        %add3A_584 = arith.constant 0 : i32
        %add3A_585 = arith.addi %mul3A_576, %add3A_584 : i32
        %add3A_586 = arith.constant 16 : i32
        %add3A_587 = arith.addi %add3A_585, %add3A_586 : i32
        %get3A_588 = arith.index_cast %add3A_587 : i32 to index
        %get3A_589 = tpu.vector_load %arg5[%get3A_588] {strides = array<i32>} : memref<24576xf32, #tpu.memory_space<vmem>>, vector<16xf32>,
        %add3A_590 = arith.addf %select_n3A_553, %get3A_589 : vector<16xf32>
        %add3A_591 = arith.constant 0 : i32
        %add3A_592 = arith.addi %mul3A_576, %add3A_591 : i32
        %add3A_593 = arith.constant 32 : i32
        %add3A_594 = arith.addi %add3A_592, %add3A_593 : i32
        %get3A_595 = arith.index_cast %add3A_594 : i32 to index
        %get3A_596 = tpu.vector_load %arg5[%get3A_595] {strides = array<i32>} : memref<24576xf32, #tpu.memory_space<vmem>>, vector<16xf32>,
        %add3A_597 = arith.addf %select_n3A_556, %get3A_596 : vector<16xf32>
        %add3A_598 = arith.constant 0 : i32
        %add3A_599 = arith.addi %mul3A_576, %add3A_598 : i32
        %add3A_600 = arith.constant 48 : i32
        %add3A_601 = arith.addi %add3A_599, %add3A_600 : i32
        %get3A_602 = arith.index_cast %add3A_601 : i32 to index
        %get3A_603 = tpu.vector_load %arg5[%get3A_602] {strides = array<i32>} : memref<24576xf32, #tpu.memory_space<vmem>>, vector<16xf32>,
        %add3A_604 = arith.addf %select_n3A_559, %get3A_603 : vector<16xf32>
        %add3A_605 = arith.constant 0 : i32
        %add3A_606 = arith.addi %mul3A_576, %add3A_605 : i32
        %add3A_607 = arith.constant 64 : i32
        %add3A_608 = arith.addi %add3A_606, %add3A_607 : i32
        %get3A_609 = arith.index_cast %add3A_608 : i32 to index
        %get3A_610 = tpu.vector_load %arg5[%get3A_609] {strides = array<i32>} : memref<24576xf32, #tpu.memory_space<vmem>>, vector<16xf32>,
        %add3A_611 = arith.addf %select_n3A_562, %get3A_610 : vector<16xf32>
        %add3A_612 = arith.constant 0 : i32
        %add3A_613 = arith.addi %mul3A_576, %add3A_612 : i32
        %add3A_614 = arith.constant 80 : i32
        %add3A_615 = arith.addi %add3A_613, %add3A_614 : i32
        %get3A_616 = arith.index_cast %add3A_615 : i32 to index
        %get3A_617 = tpu.vector_load %arg5[%get3A_616] {strides = array<i32>} : memref<24576xf32, #tpu.memory_space<vmem>>, vector<16xf32>,
        %add3A_618 = arith.addf %select_n3A_565, %get3A_617 : vector<16xf32>
        %add3A_619 = arith.constant 0 : i32
        %add3A_620 = arith.addi %mul3A_576, %add3A_619 : i32
        %add3A_621 = arith.constant 96 : i32
        %add3A_622 = arith.addi %add3A_620, %add3A_621 : i32
        %get3A_623 = arith.index_cast %add3A_622 : i32 to index
        %get3A_624 = tpu.vector_load %arg5[%get3A_623] {strides = array<i32>} : memref<24576xf32, #tpu.memory_space<vmem>>, vector<16xf32>,
        %add3A_625 = arith.addf %select_n3A_568, %get3A_624 : vector<16xf32>
        %add3A_626 = arith.constant 0 : i32
        %add3A_627 = arith.addi %mul3A_576, %add3A_626 : i32
        %add3A_628 = arith.constant 112 : i32
        %add3A_629 = arith.addi %add3A_627, %add3A_628 : i32
        %get3A_630 = arith.index_cast %add3A_629 : i32 to index
        %get3A_631 = tpu.vector_load %arg5[%get3A_630] {strides = array<i32>} : memref<24576xf32, #tpu.memory_space<vmem>>, vector<16xf32>,
        %add3A_632 = arith.addf %select_n3A_571, %get3A_631 : vector<16xf32>
        %add3A_633 = arith.constant 128 : i32
        %add3A_634 = arith.addi %mul3A_576, %add3A_633 : i32
        %add3A_635 = arith.constant 0 : i32
        %add3A_636 = arith.addi %add3A_634, %add3A_635 : i32
        %get3A_637 = arith.index_cast %add3A_636 : i32 to index
        %get3A_638 = tpu.vector_load %arg5[%get3A_637] {strides = array<i32>} : memref<24576xf32, #tpu.memory_space<vmem>>, vector<16xf32>,
        %add3A_639 = arith.addf %add3A_583, %get3A_638 : vector<16xf32>
        %add3A_640 = arith.constant 128 : i32
        %add3A_641 = arith.addi %mul3A_576, %add3A_640 : i32
        %add3A_642 = arith.constant 16 : i32
        %add3A_643 = arith.addi %add3A_641, %add3A_642 : i32
        %get3A_644 = arith.index_cast %add3A_643 : i32 to index
        %get3A_645 = tpu.vector_load %arg5[%get3A_644] {strides = array<i32>} : memref<24576xf32, #tpu.memory_space<vmem>>, vector<16xf32>,
        %add3A_646 = arith.addf %add3A_590, %get3A_645 : vector<16xf32>
        %add3A_647 = arith.constant 128 : i32
        %add3A_648 = arith.addi %mul3A_576, %add3A_647 : i32
        %add3A_649 = arith.constant 32 : i32
        %add3A_650 = arith.addi %add3A_648, %add3A_649 : i32
        %get3A_651 = arith.index_cast %add3A_650 : i32 to index
        %get3A_652 = tpu.vector_load %arg5[%get3A_651] {strides = array<i32>} : memref<24576xf32, #tpu.memory_space<vmem>>, vector<16xf32>,
        %add3A_653 = arith.addf %add3A_597, %get3A_652 : vector<16xf32>
        %add3A_654 = arith.constant 128 : i32
        %add3A_655 = arith.addi %mul3A_576, %add3A_654 : i32
        %add3A_656 = arith.constant 48 : i32
        %add3A_657 = arith.addi %add3A_655, %add3A_656 : i32
        %get3A_658 = arith.index_cast %add3A_657 : i32 to index
        %get3A_659 = tpu.vector_load %arg5[%get3A_658] {strides = array<i32>} : memref<24576xf32, #tpu.memory_space<vmem>>, vector<16xf32>,
        %add3A_660 = arith.addf %add3A_604, %get3A_659 : vector<16xf32>
        %add3A_661 = arith.constant 128 : i32
        %add3A_662 = arith.addi %mul3A_576, %add3A_661 : i32
        %add3A_663 = arith.constant 64 : i32
        %add3A_664 = arith.addi %add3A_662, %add3A_663 : i32
        %get3A_665 = arith.index_cast %add3A_664 : i32 to index
        %get3A_666 = tpu.vector_load %arg5[%get3A_665] {strides = array<i32>} : memref<24576xf32, #tpu.memory_space<vmem>>, vector<16xf32>,
        %add3A_667 = arith.addf %add3A_611, %get3A_666 : vector<16xf32>
        %add3A_668 = arith.constant 128 : i32
        %add3A_669 = arith.addi %mul3A_576, %add3A_668 : i32
        %add3A_670 = arith.constant 80 : i32
        %add3A_671 = arith.addi %add3A_669, %add3A_670 : i32
        %get3A_672 = arith.index_cast %add3A_671 : i32 to index
        %get3A_673 = tpu.vector_load %arg5[%get3A_672] {strides = array<i32>} : memref<24576xf32, #tpu.memory_space<vmem>>, vector<16xf32>,
        %add3A_674 = arith.addf %add3A_618, %get3A_673 : vector<16xf32>
        %add3A_675 = arith.constant 128 : i32
        %add3A_676 = arith.addi %mul3A_576, %add3A_675 : i32
        %add3A_677 = arith.constant 96 : i32
        %add3A_678 = arith.addi %add3A_676, %add3A_677 : i32
        %get3A_679 = arith.index_cast %add3A_678 : i32 to index
        %get3A_680 = tpu.vector_load %arg5[%get3A_679] {strides = array<i32>} : memref<24576xf32, #tpu.memory_space<vmem>>, vector<16xf32>,
        %add3A_681 = arith.addf %add3A_625, %get3A_680 : vector<16xf32>
        %add3A_682 = arith.constant 128 : i32
        %add3A_683 = arith.addi %mul3A_576, %add3A_682 : i32
        %add3A_684 = arith.constant 112 : i32
        %add3A_685 = arith.addi %add3A_683, %add3A_684 : i32
        %get3A_686 = arith.index_cast %add3A_685 : i32 to index
        %get3A_687 = tpu.vector_load %arg5[%get3A_686] {strides = array<i32>} : memref<24576xf32, #tpu.memory_space<vmem>>, vector<16xf32>,
        %add3A_688 = arith.addf %add3A_632, %get3A_687 : vector<16xf32>
        %add3A_689 = arith.constant 256 : i32
        %add3A_690 = arith.addi %mul3A_576, %add3A_689 : i32
        %add3A_691 = arith.constant 0 : i32
        %add3A_692 = arith.addi %add3A_690, %add3A_691 : i32
        %get3A_693 = arith.index_cast %add3A_692 : i32 to index
        %get3A_694 = tpu.vector_load %arg5[%get3A_693] {strides = array<i32>} : memref<24576xf32, #tpu.memory_space<vmem>>, vector<16xf32>,
        %add3A_695 = arith.addf %add3A_639, %get3A_694 : vector<16xf32>
        %add3A_696 = arith.constant 256 : i32
        %add3A_697 = arith.addi %mul3A_576, %add3A_696 : i32
        %add3A_698 = arith.constant 16 : i32
        %add3A_699 = arith.addi %add3A_697, %add3A_698 : i32
        %get3A_700 = arith.index_cast %add3A_699 : i32 to index
        %get3A_701 = tpu.vector_load %arg5[%get3A_700] {strides = array<i32>} : memref<24576xf32, #tpu.memory_space<vmem>>, vector<16xf32>,
        %add3A_702 = arith.addf %add3A_646, %get3A_701 : vector<16xf32>
        %add3A_703 = arith.constant 256 : i32
        %add3A_704 = arith.addi %mul3A_576, %add3A_703 : i32
        %add3A_705 = arith.constant 32 : i32
        %add3A_706 = arith.addi %add3A_704, %add3A_705 : i32
        %get3A_707 = arith.index_cast %add3A_706 : i32 to index
        %get3A_708 = tpu.vector_load %arg5[%get3A_707] {strides = array<i32>} : memref<24576xf32, #tpu.memory_space<vmem>>, vector<16xf32>,
        %add3A_709 = arith.addf %add3A_653, %get3A_708 : vector<16xf32>
        %add3A_710 = arith.constant 256 : i32
        %add3A_711 = arith.addi %mul3A_576, %add3A_710 : i32
        %add3A_712 = arith.constant 48 : i32
        %add3A_713 = arith.addi %add3A_711, %add3A_712 : i32
        %get3A_714 = arith.index_cast %add3A_713 : i32 to index
        %get3A_715 = tpu.vector_load %arg5[%get3A_714] {strides = array<i32>} : memref<24576xf32, #tpu.memory_space<vmem>>, vector<16xf32>,
        %add3A_716 = arith.addf %add3A_660, %get3A_715 : vector<16xf32>
        %add3A_717 = arith.constant 256 : i32
        %add3A_718 = arith.addi %mul3A_576, %add3A_717 : i32
        %add3A_719 = arith.constant 64 : i32
        %add3A_720 = arith.addi %add3A_718, %add3A_719 : i32
        %get3A_721 = arith.index_cast %add3A_720 : i32 to index
        %get3A_722 = tpu.vector_load %arg5[%get3A_721] {strides = array<i32>} : memref<24576xf32, #tpu.memory_space<vmem>>, vector<16xf32>,
        %add3A_723 = arith.addf %add3A_667, %get3A_722 : vector<16xf32>
        %add3A_724 = arith.constant 256 : i32
        %add3A_725 = arith.addi %mul3A_576, %add3A_724 : i32
        %add3A_726 = arith.constant 80 : i32
        %add3A_727 = arith.addi %add3A_725, %add3A_726 : i32
        %get3A_728 = arith.index_cast %add3A_727 : i32 to index
        %get3A_729 = tpu.vector_load %arg5[%get3A_728] {strides = array<i32>} : memref<24576xf32, #tpu.memory_space<vmem>>, vector<16xf32>,
        %add3A_730 = arith.addf %add3A_674, %get3A_729 : vector<16xf32>
        %add3A_731 = arith.constant 256 : i32
        %add3A_732 = arith.addi %mul3A_576, %add3A_731 : i32
        %add3A_733 = arith.constant 96 : i32
        %add3A_734 = arith.addi %add3A_732, %add3A_733 : i32
        %get3A_735 = arith.index_cast %add3A_734 : i32 to index
        %get3A_736 = tpu.vector_load %arg5[%get3A_735] {strides = array<i32>} : memref<24576xf32, #tpu.memory_space<vmem>>, vector<16xf32>,
        %add3A_737 = arith.addf %add3A_681, %get3A_736 : vector<16xf32>
        %add3A_738 = arith.constant 256 : i32
        %add3A_739 = arith.addi %mul3A_576, %add3A_738 : i32
        %add3A_740 = arith.constant 112 : i32
        %add3A_741 = arith.addi %add3A_739, %add3A_740 : i32
        %get3A_742 = arith.index_cast %add3A_741 : i32 to index
        %get3A_743 = tpu.vector_load %arg5[%get3A_742] {strides = array<i32>} : memref<24576xf32, #tpu.memory_space<vmem>>, vector<16xf32>,
        %add3A_744 = arith.addf %add3A_688, %get3A_743 : vector<16xf32>
        %add3A_745 = arith.constant 384 : i32
        %add3A_746 = arith.addi %mul3A_576, %add3A_745 : i32
        %add3A_747 = arith.constant 0 : i32
        %add3A_748 = arith.addi %add3A_746, %add3A_747 : i32
        %get3A_749 = arith.index_cast %add3A_748 : i32 to index
        %get3A_750 = tpu.vector_load %arg5[%get3A_749] {strides = array<i32>} : memref<24576xf32, #tpu.memory_space<vmem>>, vector<16xf32>,
        %add3A_751 = arith.addf %add3A_695, %get3A_750 : vector<16xf32>
        %add3A_752 = arith.constant 384 : i32
        %add3A_753 = arith.addi %mul3A_576, %add3A_752 : i32
        %add3A_754 = arith.constant 16 : i32
        %add3A_755 = arith.addi %add3A_753, %add3A_754 : i32
        %get3A_756 = arith.index_cast %add3A_755 : i32 to index
        %get3A_757 = tpu.vector_load %arg5[%get3A_756] {strides = array<i32>} : memref<24576xf32, #tpu.memory_space<vmem>>, vector<16xf32>,
        %add3A_758 = arith.addf %add3A_702, %get3A_757 : vector<16xf32>
        %add3A_759 = arith.constant 384 : i32
        %add3A_760 = arith.addi %mul3A_576, %add3A_759 : i32
        %add3A_761 = arith.constant 32 : i32
        %add3A_762 = arith.addi %add3A_760, %add3A_761 : i32
        %get3A_763 = arith.index_cast %add3A_762 : i32 to index
        %get3A_764 = tpu.vector_load %arg5[%get3A_763] {strides = array<i32>} : memref<24576xf32, #tpu.memory_space<vmem>>, vector<16xf32>,
        %add3A_765 = arith.addf %add3A_709, %get3A_764 : vector<16xf32>
        %add3A_766 = arith.constant 384 : i32
        %add3A_767 = arith.addi %mul3A_576, %add3A_766 : i32
        %add3A_768 = arith.constant 48 : i32
        %add3A_769 = arith.addi %add3A_767, %add3A_768 : i32
        %get3A_770 = arith.index_cast %add3A_769 : i32 to index
        %get3A_771 = tpu.vector_load %arg5[%get3A_770] {strides = array<i32>} : memref<24576xf32, #tpu.memory_space<vmem>>, vector<16xf32>,
        %add3A_772 = arith.addf %add3A_716, %get3A_771 : vector<16xf32>
        %add3A_773 = arith.constant 384 : i32
        %add3A_774 = arith.addi %mul3A_576, %add3A_773 : i32
        %add3A_775 = arith.constant 64 : i32
        %add3A_776 = arith.addi %add3A_774, %add3A_775 : i32
        %get3A_777 = arith.index_cast %add3A_776 : i32 to index
        %get3A_778 = tpu.vector_load %arg5[%get3A_777] {strides = array<i32>} : memref<24576xf32, #tpu.memory_space<vmem>>, vector<16xf32>,
        %add3A_779 = arith.addf %add3A_723, %get3A_778 : vector<16xf32>
        %add3A_780 = arith.constant 384 : i32
        %add3A_781 = arith.addi %mul3A_576, %add3A_780 : i32
        %add3A_782 = arith.constant 80 : i32
        %add3A_783 = arith.addi %add3A_781, %add3A_782 : i32
        %get3A_784 = arith.index_cast %add3A_783 : i32 to index
        %get3A_785 = tpu.vector_load %arg5[%get3A_784] {strides = array<i32>} : memref<24576xf32, #tpu.memory_space<vmem>>, vector<16xf32>,
        %add3A_786 = arith.addf %add3A_730, %get3A_785 : vector<16xf32>
        %add3A_787 = arith.constant 384 : i32
        %add3A_788 = arith.addi %mul3A_576, %add3A_787 : i32
        %add3A_789 = arith.constant 96 : i32
        %add3A_790 = arith.addi %add3A_788, %add3A_789 : i32
        %get3A_791 = arith.index_cast %add3A_790 : i32 to index
        %get3A_792 = tpu.vector_load %arg5[%get3A_791] {strides = array<i32>} : memref<24576xf32, #tpu.memory_space<vmem>>, vector<16xf32>,
        %add3A_793 = arith.addf %add3A_737, %get3A_792 : vector<16xf32>
        %add3A_794 = arith.constant 384 : i32
        %add3A_795 = arith.addi %mul3A_576, %add3A_794 : i32
        %add3A_796 = arith.constant 112 : i32
        %add3A_797 = arith.addi %add3A_795, %add3A_796 : i32
        %get3A_798 = arith.index_cast %add3A_797 : i32 to index
        %get3A_799 = tpu.vector_load %arg5[%get3A_798] {strides = array<i32>} : memref<24576xf32, #tpu.memory_space<vmem>>, vector<16xf32>,
        %add3A_800 = arith.addf %add3A_744, %get3A_799 : vector<16xf32>
        %add3A_801 = arith.constant 512 : i32
        %add3A_802 = arith.addi %mul3A_576, %add3A_801 : i32
        %add3A_803 = arith.constant 0 : i32
        %add3A_804 = arith.addi %add3A_802, %add3A_803 : i32
        %get3A_805 = arith.index_cast %add3A_804 : i32 to index
        %get3A_806 = tpu.vector_load %arg5[%get3A_805] {strides = array<i32>} : memref<24576xf32, #tpu.memory_space<vmem>>, vector<16xf32>,
        %add3A_807 = arith.addf %add3A_751, %get3A_806 : vector<16xf32>
        %add3A_808 = arith.constant 512 : i32
        %add3A_809 = arith.addi %mul3A_576, %add3A_808 : i32
        %add3A_810 = arith.constant 16 : i32
        %add3A_811 = arith.addi %add3A_809, %add3A_810 : i32
        %get3A_812 = arith.index_cast %add3A_811 : i32 to index
        %get3A_813 = tpu.vector_load %arg5[%get3A_812] {strides = array<i32>} : memref<24576xf32, #tpu.memory_space<vmem>>, vector<16xf32>,
        %add3A_814 = arith.addf %add3A_758, %get3A_813 : vector<16xf32>
        %add3A_815 = arith.constant 512 : i32
        %add3A_816 = arith.addi %mul3A_576, %add3A_815 : i32
        %add3A_817 = arith.constant 32 : i32
        %add3A_818 = arith.addi %add3A_816, %add3A_817 : i32
        %get3A_819 = arith.index_cast %add3A_818 : i32 to index
        %get3A_820 = tpu.vector_load %arg5[%get3A_819] {strides = array<i32>} : memref<24576xf32, #tpu.memory_space<vmem>>, vector<16xf32>,
        %add3A_821 = arith.addf %add3A_765, %get3A_820 : vector<16xf32>
        %add3A_822 = arith.constant 512 : i32
        %add3A_823 = arith.addi %mul3A_576, %add3A_822 : i32
        %add3A_824 = arith.constant 48 : i32
        %add3A_825 = arith.addi %add3A_823, %add3A_824 : i32
        %get3A_826 = arith.index_cast %add3A_825 : i32 to index
        %get3A_827 = tpu.vector_load %arg5[%get3A_826] {strides = array<i32>} : memref<24576xf32, #tpu.memory_space<vmem>>, vector<16xf32>,
        %add3A_828 = arith.addf %add3A_772, %get3A_827 : vector<16xf32>
        %add3A_829 = arith.constant 512 : i32
        %add3A_830 = arith.addi %mul3A_576, %add3A_829 : i32
        %add3A_831 = arith.constant 64 : i32
        %add3A_832 = arith.addi %add3A_830, %add3A_831 : i32
        %get3A_833 = arith.index_cast %add3A_832 : i32 to index
        %get3A_834 = tpu.vector_load %arg5[%get3A_833] {strides = array<i32>} : memref<24576xf32, #tpu.memory_space<vmem>>, vector<16xf32>,
        %add3A_835 = arith.addf %add3A_779, %get3A_834 : vector<16xf32>
        %add3A_836 = arith.constant 512 : i32
        %add3A_837 = arith.addi %mul3A_576, %add3A_836 : i32
        %add3A_838 = arith.constant 80 : i32
        %add3A_839 = arith.addi %add3A_837, %add3A_838 : i32
        %get3A_840 = arith.index_cast %add3A_839 : i32 to index
        %get3A_841 = tpu.vector_load %arg5[%get3A_840] {strides = array<i32>} : memref<24576xf32, #tpu.memory_space<vmem>>, vector<16xf32>,
        %add3A_842 = arith.addf %add3A_786, %get3A_841 : vector<16xf32>
        %add3A_843 = arith.constant 512 : i32
        %add3A_844 = arith.addi %mul3A_576, %add3A_843 : i32
        %add3A_845 = arith.constant 96 : i32
        %add3A_846 = arith.addi %add3A_844, %add3A_845 : i32
        %get3A_847 = arith.index_cast %add3A_846 : i32 to index
        %get3A_848 = tpu.vector_load %arg5[%get3A_847] {strides = array<i32>} : memref<24576xf32, #tpu.memory_space<vmem>>, vector<16xf32>,
        %add3A_849 = arith.addf %add3A_793, %get3A_848 : vector<16xf32>
        %add3A_850 = arith.constant 512 : i32
        %add3A_851 = arith.addi %mul3A_576, %add3A_850 : i32
        %add3A_852 = arith.constant 112 : i32
        %add3A_853 = arith.addi %add3A_851, %add3A_852 : i32
        %get3A_854 = arith.index_cast %add3A_853 : i32 to index
        %get3A_855 = tpu.vector_load %arg5[%get3A_854] {strides = array<i32>} : memref<24576xf32, #tpu.memory_space<vmem>>, vector<16xf32>,
        %add3A_856 = arith.addf %add3A_800, %get3A_855 : vector<16xf32>
        %add3A_857 = arith.constant 640 : i32
        %add3A_858 = arith.addi %mul3A_576, %add3A_857 : i32
        %add3A_859 = arith.constant 0 : i32
        %add3A_860 = arith.addi %add3A_858, %add3A_859 : i32
        %get3A_861 = arith.index_cast %add3A_860 : i32 to index
        %get3A_862 = tpu.vector_load %arg5[%get3A_861] {strides = array<i32>} : memref<24576xf32, #tpu.memory_space<vmem>>, vector<16xf32>,
        %add3A_863 = arith.addf %add3A_807, %get3A_862 : vector<16xf32>
        %add3A_864 = arith.constant 640 : i32
        %add3A_865 = arith.addi %mul3A_576, %add3A_864 : i32
        %add3A_866 = arith.constant 16 : i32
        %add3A_867 = arith.addi %add3A_865, %add3A_866 : i32
        %get3A_868 = arith.index_cast %add3A_867 : i32 to index
        %get3A_869 = tpu.vector_load %arg5[%get3A_868] {strides = array<i32>} : memref<24576xf32, #tpu.memory_space<vmem>>, vector<16xf32>,
        %add3A_870 = arith.addf %add3A_814, %get3A_869 : vector<16xf32>
        %add3A_871 = arith.constant 640 : i32
        %add3A_872 = arith.addi %mul3A_576, %add3A_871 : i32
        %add3A_873 = arith.constant 32 : i32
        %add3A_874 = arith.addi %add3A_872, %add3A_873 : i32
        %get3A_875 = arith.index_cast %add3A_874 : i32 to index
        %get3A_876 = tpu.vector_load %arg5[%get3A_875] {strides = array<i32>} : memref<24576xf32, #tpu.memory_space<vmem>>, vector<16xf32>,
        %add3A_877 = arith.addf %add3A_821, %get3A_876 : vector<16xf32>
        %add3A_878 = arith.constant 640 : i32
        %add3A_879 = arith.addi %mul3A_576, %add3A_878 : i32
        %add3A_880 = arith.constant 48 : i32
        %add3A_881 = arith.addi %add3A_879, %add3A_880 : i32
        %get3A_882 = arith.index_cast %add3A_881 : i32 to index
        %get3A_883 = tpu.vector_load %arg5[%get3A_882] {strides = array<i32>} : memref<24576xf32, #tpu.memory_space<vmem>>, vector<16xf32>,
        %add3A_884 = arith.addf %add3A_828, %get3A_883 : vector<16xf32>
        %add3A_885 = arith.constant 640 : i32
        %add3A_886 = arith.addi %mul3A_576, %add3A_885 : i32
        %add3A_887 = arith.constant 64 : i32
        %add3A_888 = arith.addi %add3A_886, %add3A_887 : i32
        %get3A_889 = arith.index_cast %add3A_888 : i32 to index
        %get3A_890 = tpu.vector_load %arg5[%get3A_889] {strides = array<i32>} : memref<24576xf32, #tpu.memory_space<vmem>>, vector<16xf32>,
        %add3A_891 = arith.addf %add3A_835, %get3A_890 : vector<16xf32>
        %add3A_892 = arith.constant 640 : i32
        %add3A_893 = arith.addi %mul3A_576, %add3A_892 : i32
        %add3A_894 = arith.constant 80 : i32
        %add3A_895 = arith.addi %add3A_893, %add3A_894 : i32
        %get3A_896 = arith.index_cast %add3A_895 : i32 to index
        %get3A_897 = tpu.vector_load %arg5[%get3A_896] {strides = array<i32>} : memref<24576xf32, #tpu.memory_space<vmem>>, vector<16xf32>,
        %add3A_898 = arith.addf %add3A_842, %get3A_897 : vector<16xf32>
        %add3A_899 = arith.constant 640 : i32
        %add3A_900 = arith.addi %mul3A_576, %add3A_899 : i32
        %add3A_901 = arith.constant 96 : i32
        %add3A_902 = arith.addi %add3A_900, %add3A_901 : i32
        %get3A_903 = arith.index_cast %add3A_902 : i32 to index
        %get3A_904 = tpu.vector_load %arg5[%get3A_903] {strides = array<i32>} : memref<24576xf32, #tpu.memory_space<vmem>>, vector<16xf32>,
        %add3A_905 = arith.addf %add3A_849, %get3A_904 : vector<16xf32>
        %add3A_906 = arith.constant 640 : i32
        %add3A_907 = arith.addi %mul3A_576, %add3A_906 : i32
        %add3A_908 = arith.constant 112 : i32
        %add3A_909 = arith.addi %add3A_907, %add3A_908 : i32
        %get3A_910 = arith.index_cast %add3A_909 : i32 to index
        %get3A_911 = tpu.vector_load %arg5[%get3A_910] {strides = array<i32>} : memref<24576xf32, #tpu.memory_space<vmem>>, vector<16xf32>,
        %add3A_912 = arith.addf %add3A_856, %get3A_911 : vector<16xf32>
        %add3A_913 = arith.constant 768 : i32
        %add3A_914 = arith.addi %mul3A_576, %add3A_913 : i32
        %add3A_915 = arith.constant 0 : i32
        %add3A_916 = arith.addi %add3A_914, %add3A_915 : i32
        %get3A_917 = arith.index_cast %add3A_916 : i32 to index
        %get3A_918 = tpu.vector_load %arg5[%get3A_917] {strides = array<i32>} : memref<24576xf32, #tpu.memory_space<vmem>>, vector<16xf32>,
        %add3A_919 = arith.addf %add3A_863, %get3A_918 : vector<16xf32>
        %add3A_920 = arith.constant 768 : i32
        %add3A_921 = arith.addi %mul3A_576, %add3A_920 : i32
        %add3A_922 = arith.constant 16 : i32
        %add3A_923 = arith.addi %add3A_921, %add3A_922 : i32
        %get3A_924 = arith.index_cast %add3A_923 : i32 to index
        %get3A_925 = tpu.vector_load %arg5[%get3A_924] {strides = array<i32>} : memref<24576xf32, #tpu.memory_space<vmem>>, vector<16xf32>,
        %add3A_926 = arith.addf %add3A_870, %get3A_925 : vector<16xf32>
        %add3A_927 = arith.constant 768 : i32
        %add3A_928 = arith.addi %mul3A_576, %add3A_927 : i32
        %add3A_929 = arith.constant 32 : i32
        %add3A_930 = arith.addi %add3A_928, %add3A_929 : i32
        %get3A_931 = arith.index_cast %add3A_930 : i32 to index
        %get3A_932 = tpu.vector_load %arg5[%get3A_931] {strides = array<i32>} : memref<24576xf32, #tpu.memory_space<vmem>>, vector<16xf32>,
        %add3A_933 = arith.addf %add3A_877, %get3A_932 : vector<16xf32>
        %add3A_934 = arith.constant 768 : i32
        %add3A_935 = arith.addi %mul3A_576, %add3A_934 : i32
        %add3A_936 = arith.constant 48 : i32
        %add3A_937 = arith.addi %add3A_935, %add3A_936 : i32
        %get3A_938 = arith.index_cast %add3A_937 : i32 to index
        %get3A_939 = tpu.vector_load %arg5[%get3A_938] {strides = array<i32>} : memref<24576xf32, #tpu.memory_space<vmem>>, vector<16xf32>,
        %add3A_940 = arith.addf %add3A_884, %get3A_939 : vector<16xf32>
        %add3A_941 = arith.constant 768 : i32
        %add3A_942 = arith.addi %mul3A_576, %add3A_941 : i32
        %add3A_943 = arith.constant 64 : i32
        %add3A_944 = arith.addi %add3A_942, %add3A_943 : i32
        %get3A_945 = arith.index_cast %add3A_944 : i32 to index
        %get3A_946 = tpu.vector_load %arg5[%get3A_945] {strides = array<i32>} : memref<24576xf32, #tpu.memory_space<vmem>>, vector<16xf32>,
        %add3A_947 = arith.addf %add3A_891, %get3A_946 : vector<16xf32>
        %add3A_948 = arith.constant 768 : i32
        %add3A_949 = arith.addi %mul3A_576, %add3A_948 : i32
        %add3A_950 = arith.constant 80 : i32
        %add3A_951 = arith.addi %add3A_949, %add3A_950 : i32
        %get3A_952 = arith.index_cast %add3A_951 : i32 to index
        %get3A_953 = tpu.vector_load %arg5[%get3A_952] {strides = array<i32>} : memref<24576xf32, #tpu.memory_space<vmem>>, vector<16xf32>,
        %add3A_954 = arith.addf %add3A_898, %get3A_953 : vector<16xf32>
        %add3A_955 = arith.constant 768 : i32
        %add3A_956 = arith.addi %mul3A_576, %add3A_955 : i32
        %add3A_957 = arith.constant 96 : i32
        %add3A_958 = arith.addi %add3A_956, %add3A_957 : i32
        %get3A_959 = arith.index_cast %add3A_958 : i32 to index
        %get3A_960 = tpu.vector_load %arg5[%get3A_959] {strides = array<i32>} : memref<24576xf32, #tpu.memory_space<vmem>>, vector<16xf32>,
        %add3A_961 = arith.addf %add3A_905, %get3A_960 : vector<16xf32>
        %add3A_962 = arith.constant 768 : i32
        %add3A_963 = arith.addi %mul3A_576, %add3A_962 : i32
        %add3A_964 = arith.constant 112 : i32
        %add3A_965 = arith.addi %add3A_963, %add3A_964 : i32
        %get3A_966 = arith.index_cast %add3A_965 : i32 to index
        %get3A_967 = tpu.vector_load %arg5[%get3A_966] {strides = array<i32>} : memref<24576xf32, #tpu.memory_space<vmem>>, vector<16xf32>,
        %add3A_968 = arith.addf %add3A_912, %get3A_967 : vector<16xf32>
        %add3A_969 = arith.constant 896 : i32
        %add3A_970 = arith.addi %mul3A_576, %add3A_969 : i32
        %add3A_971 = arith.constant 0 : i32
        %add3A_972 = arith.addi %add3A_970, %add3A_971 : i32
        %get3A_973 = arith.index_cast %add3A_972 : i32 to index
        %get3A_974 = tpu.vector_load %arg5[%get3A_973] {strides = array<i32>} : memref<24576xf32, #tpu.memory_space<vmem>>, vector<16xf32>,
        %add3A_975 = arith.addf %add3A_919, %get3A_974 : vector<16xf32>
        %add3A_976 = arith.constant 896 : i32
        %add3A_977 = arith.addi %mul3A_576, %add3A_976 : i32
        %add3A_978 = arith.constant 16 : i32
        %add3A_979 = arith.addi %add3A_977, %add3A_978 : i32
        %get3A_980 = arith.index_cast %add3A_979 : i32 to index
        %get3A_981 = tpu.vector_load %arg5[%get3A_980] {strides = array<i32>} : memref<24576xf32, #tpu.memory_space<vmem>>, vector<16xf32>,
        %add3A_982 = arith.addf %add3A_926, %get3A_981 : vector<16xf32>
        %add3A_983 = arith.constant 896 : i32
        %add3A_984 = arith.addi %mul3A_576, %add3A_983 : i32
        %add3A_985 = arith.constant 32 : i32
        %add3A_986 = arith.addi %add3A_984, %add3A_985 : i32
        %get3A_987 = arith.index_cast %add3A_986 : i32 to index
        %get3A_988 = tpu.vector_load %arg5[%get3A_987] {strides = array<i32>} : memref<24576xf32, #tpu.memory_space<vmem>>, vector<16xf32>,
        %add3A_989 = arith.addf %add3A_933, %get3A_988 : vector<16xf32>
        %add3A_990 = arith.constant 896 : i32
        %add3A_991 = arith.addi %mul3A_576, %add3A_990 : i32
        %add3A_992 = arith.constant 48 : i32
        %add3A_993 = arith.addi %add3A_991, %add3A_992 : i32
        %get3A_994 = arith.index_cast %add3A_993 : i32 to index
        %get3A_995 = tpu.vector_load %arg5[%get3A_994] {strides = array<i32>} : memref<24576xf32, #tpu.memory_space<vmem>>, vector<16xf32>,
        %add3A_996 = arith.addf %add3A_940, %get3A_995 : vector<16xf32>
        %add3A_997 = arith.constant 896 : i32
        %add3A_998 = arith.addi %mul3A_576, %add3A_997 : i32
        %add3A_999 = arith.constant 64 : i32
        %add3A_1000 = arith.addi %add3A_998, %add3A_999 : i32
        %get3A_1001 = arith.index_cast %add3A_1000 : i32 to index
        %get3A_1002 = tpu.vector_load %arg5[%get3A_1001] {strides = array<i32>} : memref<24576xf32, #tpu.memory_space<vmem>>, vector<16xf32>,
        %add3A_1003 = arith.addf %add3A_947, %get3A_1002 : vector<16xf32>
        %add3A_1004 = arith.constant 896 : i32
        %add3A_1005 = arith.addi %mul3A_576, %add3A_1004 : i32
        %add3A_1006 = arith.constant 80 : i32
        %add3A_1007 = arith.addi %add3A_1005, %add3A_1006 : i32
        %get3A_1008 = arith.index_cast %add3A_1007 : i32 to index
        %get3A_1009 = tpu.vector_load %arg5[%get3A_1008] {strides = array<i32>} : memref<24576xf32, #tpu.memory_space<vmem>>, vector<16xf32>,
        %add3A_1010 = arith.addf %add3A_954, %get3A_1009 : vector<16xf32>
        %add3A_1011 = arith.constant 896 : i32
        %add3A_1012 = arith.addi %mul3A_576, %add3A_1011 : i32
        %add3A_1013 = arith.constant 96 : i32
        %add3A_1014 = arith.addi %add3A_1012, %add3A_1013 : i32
        %get3A_1015 = arith.index_cast %add3A_1014 : i32 to index
        %get3A_1016 = tpu.vector_load %arg5[%get3A_1015] {strides = array<i32>} : memref<24576xf32, #tpu.memory_space<vmem>>, vector<16xf32>,
        %add3A_1017 = arith.addf %add3A_961, %get3A_1016 : vector<16xf32>
        %add3A_1018 = arith.constant 896 : i32
        %add3A_1019 = arith.addi %mul3A_576, %add3A_1018 : i32
        %add3A_1020 = arith.constant 112 : i32
        %add3A_1021 = arith.addi %add3A_1019, %add3A_1020 : i32
        %get3A_1022 = arith.index_cast %add3A_1021 : i32 to index
        %get3A_1023 = tpu.vector_load %arg5[%get3A_1022] {strides = array<i32>} : memref<24576xf32, #tpu.memory_space<vmem>>, vector<16xf32>,
        %add3A_1024 = arith.addf %add3A_968, %get3A_1023 : vector<16xf32>
        %add3A_1025 = arith.constant 1024 : i32
        %add3A_1026 = arith.addi %mul3A_576, %add3A_1025 : i32
        %add3A_1027 = arith.constant 0 : i32
        %add3A_1028 = arith.addi %add3A_1026, %add3A_1027 : i32
        %get3A_1029 = arith.index_cast %add3A_1028 : i32 to index
        %get3A_1030 = tpu.vector_load %arg5[%get3A_1029] {strides = array<i32>} : memref<24576xf32, #tpu.memory_space<vmem>>, vector<16xf32>,
        %add3A_1031 = arith.addf %add3A_975, %get3A_1030 : vector<16xf32>
        %add3A_1032 = arith.constant 1024 : i32
        %add3A_1033 = arith.addi %mul3A_576, %add3A_1032 : i32
        %add3A_1034 = arith.constant 16 : i32
        %add3A_1035 = arith.addi %add3A_1033, %add3A_1034 : i32
        %get3A_1036 = arith.index_cast %add3A_1035 : i32 to index
        %get3A_1037 = tpu.vector_load %arg5[%get3A_1036] {strides = array<i32>} : memref<24576xf32, #tpu.memory_space<vmem>>, vector<16xf32>,
        %add3A_1038 = arith.addf %add3A_982, %get3A_1037 : vector<16xf32>
        %add3A_1039 = arith.constant 1024 : i32
        %add3A_1040 = arith.addi %mul3A_576, %add3A_1039 : i32
        %add3A_1041 = arith.constant 32 : i32
        %add3A_1042 = arith.addi %add3A_1040, %add3A_1041 : i32
        %get3A_1043 = arith.index_cast %add3A_1042 : i32 to index
        %get3A_1044 = tpu.vector_load %arg5[%get3A_1043] {strides = array<i32>} : memref<24576xf32, #tpu.memory_space<vmem>>, vector<16xf32>,
        %add3A_1045 = arith.addf %add3A_989, %get3A_1044 : vector<16xf32>
        %add3A_1046 = arith.constant 1024 : i32
        %add3A_1047 = arith.addi %mul3A_576, %add3A_1046 : i32
        %add3A_1048 = arith.constant 48 : i32
        %add3A_1049 = arith.addi %add3A_1047, %add3A_1048 : i32
        %get3A_1050 = arith.index_cast %add3A_1049 : i32 to index
        %get3A_1051 = tpu.vector_load %arg5[%get3A_1050] {strides = array<i32>} : memref<24576xf32, #tpu.memory_space<vmem>>, vector<16xf32>,
        %add3A_1052 = arith.addf %add3A_996, %get3A_1051 : vector<16xf32>
        %add3A_1053 = arith.constant 1024 : i32
        %add3A_1054 = arith.addi %mul3A_576, %add3A_1053 : i32
        %add3A_1055 = arith.constant 64 : i32
        %add3A_1056 = arith.addi %add3A_1054, %add3A_1055 : i32
        %get3A_1057 = arith.index_cast %add3A_1056 : i32 to index
        %get3A_1058 = tpu.vector_load %arg5[%get3A_1057] {strides = array<i32>} : memref<24576xf32, #tpu.memory_space<vmem>>, vector<16xf32>,
        %add3A_1059 = arith.addf %add3A_1003, %get3A_1058 : vector<16xf32>
        %add3A_1060 = arith.constant 1024 : i32
        %add3A_1061 = arith.addi %mul3A_576, %add3A_1060 : i32
        %add3A_1062 = arith.constant 80 : i32
        %add3A_1063 = arith.addi %add3A_1061, %add3A_1062 : i32
        %get3A_1064 = arith.index_cast %add3A_1063 : i32 to index
        %get3A_1065 = tpu.vector_load %arg5[%get3A_1064] {strides = array<i32>} : memref<24576xf32, #tpu.memory_space<vmem>>, vector<16xf32>,
        %add3A_1066 = arith.addf %add3A_1010, %get3A_1065 : vector<16xf32>
        %add3A_1067 = arith.constant 1024 : i32
        %add3A_1068 = arith.addi %mul3A_576, %add3A_1067 : i32
        %add3A_1069 = arith.constant 96 : i32
        %add3A_1070 = arith.addi %add3A_1068, %add3A_1069 : i32
        %get3A_1071 = arith.index_cast %add3A_1070 : i32 to index
        %get3A_1072 = tpu.vector_load %arg5[%get3A_1071] {strides = array<i32>} : memref<24576xf32, #tpu.memory_space<vmem>>, vector<16xf32>,
        %add3A_1073 = arith.addf %add3A_1017, %get3A_1072 : vector<16xf32>
        %add3A_1074 = arith.constant 1024 : i32
        %add3A_1075 = arith.addi %mul3A_576, %add3A_1074 : i32
        %add3A_1076 = arith.constant 112 : i32
        %add3A_1077 = arith.addi %add3A_1075, %add3A_1076 : i32
        %get3A_1078 = arith.index_cast %add3A_1077 : i32 to index
        %get3A_1079 = tpu.vector_load %arg5[%get3A_1078] {strides = array<i32>} : memref<24576xf32, #tpu.memory_space<vmem>>, vector<16xf32>,
        %add3A_1080 = arith.addf %add3A_1024, %get3A_1079 : vector<16xf32>
        %add3A_1081 = arith.constant 1152 : i32
        %add3A_1082 = arith.addi %mul3A_576, %add3A_1081 : i32
        %add3A_1083 = arith.constant 0 : i32
        %add3A_1084 = arith.addi %add3A_1082, %add3A_1083 : i32
        %get3A_1085 = arith.index_cast %add3A_1084 : i32 to index
        %get3A_1086 = tpu.vector_load %arg5[%get3A_1085] {strides = array<i32>} : memref<24576xf32, #tpu.memory_space<vmem>>, vector<16xf32>,
        %add3A_1087 = arith.addf %add3A_1031, %get3A_1086 : vector<16xf32>
        %add3A_1088 = arith.constant 1152 : i32
        %add3A_1089 = arith.addi %mul3A_576, %add3A_1088 : i32
        %add3A_1090 = arith.constant 16 : i32
        %add3A_1091 = arith.addi %add3A_1089, %add3A_1090 : i32
        %get3A_1092 = arith.index_cast %add3A_1091 : i32 to index
        %get3A_1093 = tpu.vector_load %arg5[%get3A_1092] {strides = array<i32>} : memref<24576xf32, #tpu.memory_space<vmem>>, vector<16xf32>,
        %add3A_1094 = arith.addf %add3A_1038, %get3A_1093 : vector<16xf32>
        %add3A_1095 = arith.constant 1152 : i32
        %add3A_1096 = arith.addi %mul3A_576, %add3A_1095 : i32
        %add3A_1097 = arith.constant 32 : i32
        %add3A_1098 = arith.addi %add3A_1096, %add3A_1097 : i32
        %get3A_1099 = arith.index_cast %add3A_1098 : i32 to index
        %get3A_1100 = tpu.vector_load %arg5[%get3A_1099] {strides = array<i32>} : memref<24576xf32, #tpu.memory_space<vmem>>, vector<16xf32>,
        %add3A_1101 = arith.addf %add3A_1045, %get3A_1100 : vector<16xf32>
        %add3A_1102 = arith.constant 1152 : i32
        %add3A_1103 = arith.addi %mul3A_576, %add3A_1102 : i32
        %add3A_1104 = arith.constant 48 : i32
        %add3A_1105 = arith.addi %add3A_1103, %add3A_1104 : i32
        %get3A_1106 = arith.index_cast %add3A_1105 : i32 to index
        %get3A_1107 = tpu.vector_load %arg5[%get3A_1106] {strides = array<i32>} : memref<24576xf32, #tpu.memory_space<vmem>>, vector<16xf32>,
        %add3A_1108 = arith.addf %add3A_1052, %get3A_1107 : vector<16xf32>
        %add3A_1109 = arith.constant 1152 : i32
        %add3A_1110 = arith.addi %mul3A_576, %add3A_1109 : i32
        %add3A_1111 = arith.constant 64 : i32
        %add3A_1112 = arith.addi %add3A_1110, %add3A_1111 : i32
        %get3A_1113 = arith.index_cast %add3A_1112 : i32 to index
        %get3A_1114 = tpu.vector_load %arg5[%get3A_1113] {strides = array<i32>} : memref<24576xf32, #tpu.memory_space<vmem>>, vector<16xf32>,
        %add3A_1115 = arith.addf %add3A_1059, %get3A_1114 : vector<16xf32>
        %add3A_1116 = arith.constant 1152 : i32
        %add3A_1117 = arith.addi %mul3A_576, %add3A_1116 : i32
        %add3A_1118 = arith.constant 80 : i32
        %add3A_1119 = arith.addi %add3A_1117, %add3A_1118 : i32
        %get3A_1120 = arith.index_cast %add3A_1119 : i32 to index
        %get3A_1121 = tpu.vector_load %arg5[%get3A_1120] {strides = array<i32>} : memref<24576xf32, #tpu.memory_space<vmem>>, vector<16xf32>,
        %add3A_1122 = arith.addf %add3A_1066, %get3A_1121 : vector<16xf32>
        %add3A_1123 = arith.constant 1152 : i32
        %add3A_1124 = arith.addi %mul3A_576, %add3A_1123 : i32
        %add3A_1125 = arith.constant 96 : i32
        %add3A_1126 = arith.addi %add3A_1124, %add3A_1125 : i32
        %get3A_1127 = arith.index_cast %add3A_1126 : i32 to index
        %get3A_1128 = tpu.vector_load %arg5[%get3A_1127] {strides = array<i32>} : memref<24576xf32, #tpu.memory_space<vmem>>, vector<16xf32>,
        %add3A_1129 = arith.addf %add3A_1073, %get3A_1128 : vector<16xf32>
        %add3A_1130 = arith.constant 1152 : i32
        %add3A_1131 = arith.addi %mul3A_576, %add3A_1130 : i32
        %add3A_1132 = arith.constant 112 : i32
        %add3A_1133 = arith.addi %add3A_1131, %add3A_1132 : i32
        %get3A_1134 = arith.index_cast %add3A_1133 : i32 to index
        %get3A_1135 = tpu.vector_load %arg5[%get3A_1134] {strides = array<i32>} : memref<24576xf32, #tpu.memory_space<vmem>>, vector<16xf32>,
        %add3A_1136 = arith.addf %add3A_1080, %get3A_1135 : vector<16xf32>
        %add3A_1137 = arith.constant 1280 : i32
        %add3A_1138 = arith.addi %mul3A_576, %add3A_1137 : i32
        %add3A_1139 = arith.constant 0 : i32
        %add3A_1140 = arith.addi %add3A_1138, %add3A_1139 : i32
        %get3A_1141 = arith.index_cast %add3A_1140 : i32 to index
        %get3A_1142 = tpu.vector_load %arg5[%get3A_1141] {strides = array<i32>} : memref<24576xf32, #tpu.memory_space<vmem>>, vector<16xf32>,
        %add3A_1143 = arith.addf %add3A_1087, %get3A_1142 : vector<16xf32>
        %add3A_1144 = arith.constant 1280 : i32
        %add3A_1145 = arith.addi %mul3A_576, %add3A_1144 : i32
        %add3A_1146 = arith.constant 16 : i32
        %add3A_1147 = arith.addi %add3A_1145, %add3A_1146 : i32
        %get3A_1148 = arith.index_cast %add3A_1147 : i32 to index
        %get3A_1149 = tpu.vector_load %arg5[%get3A_1148] {strides = array<i32>} : memref<24576xf32, #tpu.memory_space<vmem>>, vector<16xf32>,
        %add3A_1150 = arith.addf %add3A_1094, %get3A_1149 : vector<16xf32>
        %add3A_1151 = arith.constant 1280 : i32
        %add3A_1152 = arith.addi %mul3A_576, %add3A_1151 : i32
        %add3A_1153 = arith.constant 32 : i32
        %add3A_1154 = arith.addi %add3A_1152, %add3A_1153 : i32
        %get3A_1155 = arith.index_cast %add3A_1154 : i32 to index
        %get3A_1156 = tpu.vector_load %arg5[%get3A_1155] {strides = array<i32>} : memref<24576xf32, #tpu.memory_space<vmem>>, vector<16xf32>,
        %add3A_1157 = arith.addf %add3A_1101, %get3A_1156 : vector<16xf32>
        %add3A_1158 = arith.constant 1280 : i32
        %add3A_1159 = arith.addi %mul3A_576, %add3A_1158 : i32
        %add3A_1160 = arith.constant 48 : i32
        %add3A_1161 = arith.addi %add3A_1159, %add3A_1160 : i32
        %get3A_1162 = arith.index_cast %add3A_1161 : i32 to index
        %get3A_1163 = tpu.vector_load %arg5[%get3A_1162] {strides = array<i32>} : memref<24576xf32, #tpu.memory_space<vmem>>, vector<16xf32>,
        %add3A_1164 = arith.addf %add3A_1108, %get3A_1163 : vector<16xf32>
        %add3A_1165 = arith.constant 1280 : i32
        %add3A_1166 = arith.addi %mul3A_576, %add3A_1165 : i32
        %add3A_1167 = arith.constant 64 : i32
        %add3A_1168 = arith.addi %add3A_1166, %add3A_1167 : i32
        %get3A_1169 = arith.index_cast %add3A_1168 : i32 to index
        %get3A_1170 = tpu.vector_load %arg5[%get3A_1169] {strides = array<i32>} : memref<24576xf32, #tpu.memory_space<vmem>>, vector<16xf32>,
        %add3A_1171 = arith.addf %add3A_1115, %get3A_1170 : vector<16xf32>
        %add3A_1172 = arith.constant 1280 : i32
        %add3A_1173 = arith.addi %mul3A_576, %add3A_1172 : i32
        %add3A_1174 = arith.constant 80 : i32
        %add3A_1175 = arith.addi %add3A_1173, %add3A_1174 : i32
        %get3A_1176 = arith.index_cast %add3A_1175 : i32 to index
        %get3A_1177 = tpu.vector_load %arg5[%get3A_1176] {strides = array<i32>} : memref<24576xf32, #tpu.memory_space<vmem>>, vector<16xf32>,
        %add3A_1178 = arith.addf %add3A_1122, %get3A_1177 : vector<16xf32>
        %add3A_1179 = arith.constant 1280 : i32
        %add3A_1180 = arith.addi %mul3A_576, %add3A_1179 : i32
        %add3A_1181 = arith.constant 96 : i32
        %add3A_1182 = arith.addi %add3A_1180, %add3A_1181 : i32
        %get3A_1183 = arith.index_cast %add3A_1182 : i32 to index
        %get3A_1184 = tpu.vector_load %arg5[%get3A_1183] {strides = array<i32>} : memref<24576xf32, #tpu.memory_space<vmem>>, vector<16xf32>,
        %add3A_1185 = arith.addf %add3A_1129, %get3A_1184 : vector<16xf32>
        %add3A_1186 = arith.constant 1280 : i32
        %add3A_1187 = arith.addi %mul3A_576, %add3A_1186 : i32
        %add3A_1188 = arith.constant 112 : i32
        %add3A_1189 = arith.addi %add3A_1187, %add3A_1188 : i32
        %get3A_1190 = arith.index_cast %add3A_1189 : i32 to index
        %get3A_1191 = tpu.vector_load %arg5[%get3A_1190] {strides = array<i32>} : memref<24576xf32, #tpu.memory_space<vmem>>, vector<16xf32>,
        %add3A_1192 = arith.addf %add3A_1136, %get3A_1191 : vector<16xf32>
        %add3A_1193 = arith.constant 1408 : i32
        %add3A_1194 = arith.addi %mul3A_576, %add3A_1193 : i32
        %add3A_1195 = arith.constant 0 : i32
        %add3A_1196 = arith.addi %add3A_1194, %add3A_1195 : i32
        %get3A_1197 = arith.index_cast %add3A_1196 : i32 to index
        %get3A_1198 = tpu.vector_load %arg5[%get3A_1197] {strides = array<i32>} : memref<24576xf32, #tpu.memory_space<vmem>>, vector<16xf32>,
        %add3A_1199 = arith.addf %add3A_1143, %get3A_1198 : vector<16xf32>
        %add3A_1200 = arith.constant 1408 : i32
        %add3A_1201 = arith.addi %mul3A_576, %add3A_1200 : i32
        %add3A_1202 = arith.constant 16 : i32
        %add3A_1203 = arith.addi %add3A_1201, %add3A_1202 : i32
        %get3A_1204 = arith.index_cast %add3A_1203 : i32 to index
        %get3A_1205 = tpu.vector_load %arg5[%get3A_1204] {strides = array<i32>} : memref<24576xf32, #tpu.memory_space<vmem>>, vector<16xf32>,
        %add3A_1206 = arith.addf %add3A_1150, %get3A_1205 : vector<16xf32>
        %add3A_1207 = arith.constant 1408 : i32
        %add3A_1208 = arith.addi %mul3A_576, %add3A_1207 : i32
        %add3A_1209 = arith.constant 32 : i32
        %add3A_1210 = arith.addi %add3A_1208, %add3A_1209 : i32
        %get3A_1211 = arith.index_cast %add3A_1210 : i32 to index
        %get3A_1212 = tpu.vector_load %arg5[%get3A_1211] {strides = array<i32>} : memref<24576xf32, #tpu.memory_space<vmem>>, vector<16xf32>,
        %add3A_1213 = arith.addf %add3A_1157, %get3A_1212 : vector<16xf32>
        %add3A_1214 = arith.constant 1408 : i32
        %add3A_1215 = arith.addi %mul3A_576, %add3A_1214 : i32
        %add3A_1216 = arith.constant 48 : i32
        %add3A_1217 = arith.addi %add3A_1215, %add3A_1216 : i32
        %get3A_1218 = arith.index_cast %add3A_1217 : i32 to index
        %get3A_1219 = tpu.vector_load %arg5[%get3A_1218] {strides = array<i32>} : memref<24576xf32, #tpu.memory_space<vmem>>, vector<16xf32>,
        %add3A_1220 = arith.addf %add3A_1164, %get3A_1219 : vector<16xf32>
        %add3A_1221 = arith.constant 1408 : i32
        %add3A_1222 = arith.addi %mul3A_576, %add3A_1221 : i32
        %add3A_1223 = arith.constant 64 : i32
        %add3A_1224 = arith.addi %add3A_1222, %add3A_1223 : i32
        %get3A_1225 = arith.index_cast %add3A_1224 : i32 to index
        %get3A_1226 = tpu.vector_load %arg5[%get3A_1225] {strides = array<i32>} : memref<24576xf32, #tpu.memory_space<vmem>>, vector<16xf32>,
        %add3A_1227 = arith.addf %add3A_1171, %get3A_1226 : vector<16xf32>
        %add3A_1228 = arith.constant 1408 : i32
        %add3A_1229 = arith.addi %mul3A_576, %add3A_1228 : i32
        %add3A_1230 = arith.constant 80 : i32
        %add3A_1231 = arith.addi %add3A_1229, %add3A_1230 : i32
        %get3A_1232 = arith.index_cast %add3A_1231 : i32 to index
        %get3A_1233 = tpu.vector_load %arg5[%get3A_1232] {strides = array<i32>} : memref<24576xf32, #tpu.memory_space<vmem>>, vector<16xf32>,
        %add3A_1234 = arith.addf %add3A_1178, %get3A_1233 : vector<16xf32>
        %add3A_1235 = arith.constant 1408 : i32
        %add3A_1236 = arith.addi %mul3A_576, %add3A_1235 : i32
        %add3A_1237 = arith.constant 96 : i32
        %add3A_1238 = arith.addi %add3A_1236, %add3A_1237 : i32
        %get3A_1239 = arith.index_cast %add3A_1238 : i32 to index
        %get3A_1240 = tpu.vector_load %arg5[%get3A_1239] {strides = array<i32>} : memref<24576xf32, #tpu.memory_space<vmem>>, vector<16xf32>,
        %add3A_1241 = arith.addf %add3A_1185, %get3A_1240 : vector<16xf32>
        %add3A_1242 = arith.constant 1408 : i32
        %add3A_1243 = arith.addi %mul3A_576, %add3A_1242 : i32
        %add3A_1244 = arith.constant 112 : i32
        %add3A_1245 = arith.addi %add3A_1243, %add3A_1244 : i32
        %get3A_1246 = arith.index_cast %add3A_1245 : i32 to index
        %get3A_1247 = tpu.vector_load %arg5[%get3A_1246] {strides = array<i32>} : memref<24576xf32, #tpu.memory_space<vmem>>, vector<16xf32>,
        %add3A_1248 = arith.addf %add3A_1192, %get3A_1247 : vector<16xf32>
        %add3A_1249 = arith.constant 1536 : i32
        %add3A_1250 = arith.addi %mul3A_576, %add3A_1249 : i32
        %add3A_1251 = arith.constant 0 : i32
        %add3A_1252 = arith.addi %add3A_1250, %add3A_1251 : i32
        %get3A_1253 = arith.index_cast %add3A_1252 : i32 to index
        %get3A_1254 = tpu.vector_load %arg5[%get3A_1253] {strides = array<i32>} : memref<24576xf32, #tpu.memory_space<vmem>>, vector<16xf32>,
        %add3A_1255 = arith.addf %add3A_1199, %get3A_1254 : vector<16xf32>
        %add3A_1256 = arith.constant 1536 : i32
        %add3A_1257 = arith.addi %mul3A_576, %add3A_1256 : i32
        %add3A_1258 = arith.constant 16 : i32
        %add3A_1259 = arith.addi %add3A_1257, %add3A_1258 : i32
        %get3A_1260 = arith.index_cast %add3A_1259 : i32 to index
        %get3A_1261 = tpu.vector_load %arg5[%get3A_1260] {strides = array<i32>} : memref<24576xf32, #tpu.memory_space<vmem>>, vector<16xf32>,
        %add3A_1262 = arith.addf %add3A_1206, %get3A_1261 : vector<16xf32>
        %add3A_1263 = arith.constant 1536 : i32
        %add3A_1264 = arith.addi %mul3A_576, %add3A_1263 : i32
        %add3A_1265 = arith.constant 32 : i32
        %add3A_1266 = arith.addi %add3A_1264, %add3A_1265 : i32
        %get3A_1267 = arith.index_cast %add3A_1266 : i32 to index
        %get3A_1268 = tpu.vector_load %arg5[%get3A_1267] {strides = array<i32>} : memref<24576xf32, #tpu.memory_space<vmem>>, vector<16xf32>,
        %add3A_1269 = arith.addf %add3A_1213, %get3A_1268 : vector<16xf32>
        %add3A_1270 = arith.constant 1536 : i32
        %add3A_1271 = arith.addi %mul3A_576, %add3A_1270 : i32
        %add3A_1272 = arith.constant 48 : i32
        %add3A_1273 = arith.addi %add3A_1271, %add3A_1272 : i32
        %get3A_1274 = arith.index_cast %add3A_1273 : i32 to index
        %get3A_1275 = tpu.vector_load %arg5[%get3A_1274] {strides = array<i32>} : memref<24576xf32, #tpu.memory_space<vmem>>, vector<16xf32>,
        %add3A_1276 = arith.addf %add3A_1220, %get3A_1275 : vector<16xf32>
        %add3A_1277 = arith.constant 1536 : i32
        %add3A_1278 = arith.addi %mul3A_576, %add3A_1277 : i32
        %add3A_1279 = arith.constant 64 : i32
        %add3A_1280 = arith.addi %add3A_1278, %add3A_1279 : i32
        %get3A_1281 = arith.index_cast %add3A_1280 : i32 to index
        %get3A_1282 = tpu.vector_load %arg5[%get3A_1281] {strides = array<i32>} : memref<24576xf32, #tpu.memory_space<vmem>>, vector<16xf32>,
        %add3A_1283 = arith.addf %add3A_1227, %get3A_1282 : vector<16xf32>
        %add3A_1284 = arith.constant 1536 : i32
        %add3A_1285 = arith.addi %mul3A_576, %add3A_1284 : i32
        %add3A_1286 = arith.constant 80 : i32
        %add3A_1287 = arith.addi %add3A_1285, %add3A_1286 : i32
        %get3A_1288 = arith.index_cast %add3A_1287 : i32 to index
        %get3A_1289 = tpu.vector_load %arg5[%get3A_1288] {strides = array<i32>} : memref<24576xf32, #tpu.memory_space<vmem>>, vector<16xf32>,
        %add3A_1290 = arith.addf %add3A_1234, %get3A_1289 : vector<16xf32>
        %add3A_1291 = arith.constant 1536 : i32
        %add3A_1292 = arith.addi %mul3A_576, %add3A_1291 : i32
        %add3A_1293 = arith.constant 96 : i32
        %add3A_1294 = arith.addi %add3A_1292, %add3A_1293 : i32
        %get3A_1295 = arith.index_cast %add3A_1294 : i32 to index
        %get3A_1296 = tpu.vector_load %arg5[%get3A_1295] {strides = array<i32>} : memref<24576xf32, #tpu.memory_space<vmem>>, vector<16xf32>,
        %add3A_1297 = arith.addf %add3A_1241, %get3A_1296 : vector<16xf32>
        %add3A_1298 = arith.constant 1536 : i32
        %add3A_1299 = arith.addi %mul3A_576, %add3A_1298 : i32
        %add3A_1300 = arith.constant 112 : i32
        %add3A_1301 = arith.addi %add3A_1299, %add3A_1300 : i32
        %get3A_1302 = arith.index_cast %add3A_1301 : i32 to index
        %get3A_1303 = tpu.vector_load %arg5[%get3A_1302] {strides = array<i32>} : memref<24576xf32, #tpu.memory_space<vmem>>, vector<16xf32>,
        %add3A_1304 = arith.addf %add3A_1248, %get3A_1303 : vector<16xf32>
        %add3A_1305 = arith.constant 1664 : i32
        %add3A_1306 = arith.addi %mul3A_576, %add3A_1305 : i32
        %add3A_1307 = arith.constant 0 : i32
        %add3A_1308 = arith.addi %add3A_1306, %add3A_1307 : i32
        %get3A_1309 = arith.index_cast %add3A_1308 : i32 to index
        %get3A_1310 = tpu.vector_load %arg5[%get3A_1309] {strides = array<i32>} : memref<24576xf32, #tpu.memory_space<vmem>>, vector<16xf32>,
        %add3A_1311 = arith.addf %add3A_1255, %get3A_1310 : vector<16xf32>
        %add3A_1312 = arith.constant 1664 : i32
        %add3A_1313 = arith.addi %mul3A_576, %add3A_1312 : i32
        %add3A_1314 = arith.constant 16 : i32
        %add3A_1315 = arith.addi %add3A_1313, %add3A_1314 : i32
        %get3A_1316 = arith.index_cast %add3A_1315 : i32 to index
        %get3A_1317 = tpu.vector_load %arg5[%get3A_1316] {strides = array<i32>} : memref<24576xf32, #tpu.memory_space<vmem>>, vector<16xf32>,
        %add3A_1318 = arith.addf %add3A_1262, %get3A_1317 : vector<16xf32>
        %add3A_1319 = arith.constant 1664 : i32
        %add3A_1320 = arith.addi %mul3A_576, %add3A_1319 : i32
        %add3A_1321 = arith.constant 32 : i32
        %add3A_1322 = arith.addi %add3A_1320, %add3A_1321 : i32
        %get3A_1323 = arith.index_cast %add3A_1322 : i32 to index
        %get3A_1324 = tpu.vector_load %arg5[%get3A_1323] {strides = array<i32>} : memref<24576xf32, #tpu.memory_space<vmem>>, vector<16xf32>,
        %add3A_1325 = arith.addf %add3A_1269, %get3A_1324 : vector<16xf32>
        %add3A_1326 = arith.constant 1664 : i32
        %add3A_1327 = arith.addi %mul3A_576, %add3A_1326 : i32
        %add3A_1328 = arith.constant 48 : i32
        %add3A_1329 = arith.addi %add3A_1327, %add3A_1328 : i32
        %get3A_1330 = arith.index_cast %add3A_1329 : i32 to index
        %get3A_1331 = tpu.vector_load %arg5[%get3A_1330] {strides = array<i32>} : memref<24576xf32, #tpu.memory_space<vmem>>, vector<16xf32>,
        %add3A_1332 = arith.addf %add3A_1276, %get3A_1331 : vector<16xf32>
        %add3A_1333 = arith.constant 1664 : i32
        %add3A_1334 = arith.addi %mul3A_576, %add3A_1333 : i32
        %add3A_1335 = arith.constant 64 : i32
        %add3A_1336 = arith.addi %add3A_1334, %add3A_1335 : i32
        %get3A_1337 = arith.index_cast %add3A_1336 : i32 to index
        %get3A_1338 = tpu.vector_load %arg5[%get3A_1337] {strides = array<i32>} : memref<24576xf32, #tpu.memory_space<vmem>>, vector<16xf32>,
        %add3A_1339 = arith.addf %add3A_1283, %get3A_1338 : vector<16xf32>
        %add3A_1340 = arith.constant 1664 : i32
        %add3A_1341 = arith.addi %mul3A_576, %add3A_1340 : i32
        %add3A_1342 = arith.constant 80 : i32
        %add3A_1343 = arith.addi %add3A_1341, %add3A_1342 : i32
        %get3A_1344 = arith.index_cast %add3A_1343 : i32 to index
        %get3A_1345 = tpu.vector_load %arg5[%get3A_1344] {strides = array<i32>} : memref<24576xf32, #tpu.memory_space<vmem>>, vector<16xf32>,
        %add3A_1346 = arith.addf %add3A_1290, %get3A_1345 : vector<16xf32>
        %add3A_1347 = arith.constant 1664 : i32
        %add3A_1348 = arith.addi %mul3A_576, %add3A_1347 : i32
        %add3A_1349 = arith.constant 96 : i32
        %add3A_1350 = arith.addi %add3A_1348, %add3A_1349 : i32
        %get3A_1351 = arith.index_cast %add3A_1350 : i32 to index
        %get3A_1352 = tpu.vector_load %arg5[%get3A_1351] {strides = array<i32>} : memref<24576xf32, #tpu.memory_space<vmem>>, vector<16xf32>,
        %add3A_1353 = arith.addf %add3A_1297, %get3A_1352 : vector<16xf32>
        %add3A_1354 = arith.constant 1664 : i32
        %add3A_1355 = arith.addi %mul3A_576, %add3A_1354 : i32
        %add3A_1356 = arith.constant 112 : i32
        %add3A_1357 = arith.addi %add3A_1355, %add3A_1356 : i32
        %get3A_1358 = arith.index_cast %add3A_1357 : i32 to index
        %get3A_1359 = tpu.vector_load %arg5[%get3A_1358] {strides = array<i32>} : memref<24576xf32, #tpu.memory_space<vmem>>, vector<16xf32>,
        %add3A_1360 = arith.addf %add3A_1304, %get3A_1359 : vector<16xf32>
        %add3A_1361 = arith.constant 1792 : i32
        %add3A_1362 = arith.addi %mul3A_576, %add3A_1361 : i32
        %add3A_1363 = arith.constant 0 : i32
        %add3A_1364 = arith.addi %add3A_1362, %add3A_1363 : i32
        %get3A_1365 = arith.index_cast %add3A_1364 : i32 to index
        %get3A_1366 = tpu.vector_load %arg5[%get3A_1365] {strides = array<i32>} : memref<24576xf32, #tpu.memory_space<vmem>>, vector<16xf32>,
        %add3A_1367 = arith.addf %add3A_1311, %get3A_1366 : vector<16xf32>
        %add3A_1368 = arith.constant 1792 : i32
        %add3A_1369 = arith.addi %mul3A_576, %add3A_1368 : i32
        %add3A_1370 = arith.constant 16 : i32
        %add3A_1371 = arith.addi %add3A_1369, %add3A_1370 : i32
        %get3A_1372 = arith.index_cast %add3A_1371 : i32 to index
        %get3A_1373 = tpu.vector_load %arg5[%get3A_1372] {strides = array<i32>} : memref<24576xf32, #tpu.memory_space<vmem>>, vector<16xf32>,
        %add3A_1374 = arith.addf %add3A_1318, %get3A_1373 : vector<16xf32>
        %add3A_1375 = arith.constant 1792 : i32
        %add3A_1376 = arith.addi %mul3A_576, %add3A_1375 : i32
        %add3A_1377 = arith.constant 32 : i32
        %add3A_1378 = arith.addi %add3A_1376, %add3A_1377 : i32
        %get3A_1379 = arith.index_cast %add3A_1378 : i32 to index
        %get3A_1380 = tpu.vector_load %arg5[%get3A_1379] {strides = array<i32>} : memref<24576xf32, #tpu.memory_space<vmem>>, vector<16xf32>,
        %add3A_1381 = arith.addf %add3A_1325, %get3A_1380 : vector<16xf32>
        %add3A_1382 = arith.constant 1792 : i32
        %add3A_1383 = arith.addi %mul3A_576, %add3A_1382 : i32
        %add3A_1384 = arith.constant 48 : i32
        %add3A_1385 = arith.addi %add3A_1383, %add3A_1384 : i32
        %get3A_1386 = arith.index_cast %add3A_1385 : i32 to index
        %get3A_1387 = tpu.vector_load %arg5[%get3A_1386] {strides = array<i32>} : memref<24576xf32, #tpu.memory_space<vmem>>, vector<16xf32>,
        %add3A_1388 = arith.addf %add3A_1332, %get3A_1387 : vector<16xf32>
        %add3A_1389 = arith.constant 1792 : i32
        %add3A_1390 = arith.addi %mul3A_576, %add3A_1389 : i32
        %add3A_1391 = arith.constant 64 : i32
        %add3A_1392 = arith.addi %add3A_1390, %add3A_1391 : i32
        %get3A_1393 = arith.index_cast %add3A_1392 : i32 to index
        %get3A_1394 = tpu.vector_load %arg5[%get3A_1393] {strides = array<i32>} : memref<24576xf32, #tpu.memory_space<vmem>>, vector<16xf32>,
        %add3A_1395 = arith.addf %add3A_1339, %get3A_1394 : vector<16xf32>
        %add3A_1396 = arith.constant 1792 : i32
        %add3A_1397 = arith.addi %mul3A_576, %add3A_1396 : i32
        %add3A_1398 = arith.constant 80 : i32
        %add3A_1399 = arith.addi %add3A_1397, %add3A_1398 : i32
        %get3A_1400 = arith.index_cast %add3A_1399 : i32 to index
        %get3A_1401 = tpu.vector_load %arg5[%get3A_1400] {strides = array<i32>} : memref<24576xf32, #tpu.memory_space<vmem>>, vector<16xf32>,
        %add3A_1402 = arith.addf %add3A_1346, %get3A_1401 : vector<16xf32>
        %add3A_1403 = arith.constant 1792 : i32
        %add3A_1404 = arith.addi %mul3A_576, %add3A_1403 : i32
        %add3A_1405 = arith.constant 96 : i32
        %add3A_1406 = arith.addi %add3A_1404, %add3A_1405 : i32
        %get3A_1407 = arith.index_cast %add3A_1406 : i32 to index
        %get3A_1408 = tpu.vector_load %arg5[%get3A_1407] {strides = array<i32>} : memref<24576xf32, #tpu.memory_space<vmem>>, vector<16xf32>,
        %add3A_1409 = arith.addf %add3A_1353, %get3A_1408 : vector<16xf32>
        %add3A_1410 = arith.constant 1792 : i32
        %add3A_1411 = arith.addi %mul3A_576, %add3A_1410 : i32
        %add3A_1412 = arith.constant 112 : i32
        %add3A_1413 = arith.addi %add3A_1411, %add3A_1412 : i32
        %get3A_1414 = arith.index_cast %add3A_1413 : i32 to index
        %get3A_1415 = tpu.vector_load %arg5[%get3A_1414] {strides = array<i32>} : memref<24576xf32, #tpu.memory_space<vmem>>, vector<16xf32>,
        %add3A_1416 = arith.addf %add3A_1360, %get3A_1415 : vector<16xf32>
        %add3A_1417 = arith.constant 1920 : i32
        %add3A_1418 = arith.addi %mul3A_576, %add3A_1417 : i32
        %add3A_1419 = arith.constant 0 : i32
        %add3A_1420 = arith.addi %add3A_1418, %add3A_1419 : i32
        %get3A_1421 = arith.index_cast %add3A_1420 : i32 to index
        %get3A_1422 = tpu.vector_load %arg5[%get3A_1421] {strides = array<i32>} : memref<24576xf32, #tpu.memory_space<vmem>>, vector<16xf32>,
        %add3A_1423 = arith.addf %add3A_1367, %get3A_1422 : vector<16xf32>
        %add3A_1424 = arith.constant 1920 : i32
        %add3A_1425 = arith.addi %mul3A_576, %add3A_1424 : i32
        %add3A_1426 = arith.constant 16 : i32
        %add3A_1427 = arith.addi %add3A_1425, %add3A_1426 : i32
        %get3A_1428 = arith.index_cast %add3A_1427 : i32 to index
        %get3A_1429 = tpu.vector_load %arg5[%get3A_1428] {strides = array<i32>} : memref<24576xf32, #tpu.memory_space<vmem>>, vector<16xf32>,
        %add3A_1430 = arith.addf %add3A_1374, %get3A_1429 : vector<16xf32>
        %add3A_1431 = arith.constant 1920 : i32
        %add3A_1432 = arith.addi %mul3A_576, %add3A_1431 : i32
        %add3A_1433 = arith.constant 32 : i32
        %add3A_1434 = arith.addi %add3A_1432, %add3A_1433 : i32
        %get3A_1435 = arith.index_cast %add3A_1434 : i32 to index
        %get3A_1436 = tpu.vector_load %arg5[%get3A_1435] {strides = array<i32>} : memref<24576xf32, #tpu.memory_space<vmem>>, vector<16xf32>,
        %add3A_1437 = arith.addf %add3A_1381, %get3A_1436 : vector<16xf32>
        %add3A_1438 = arith.constant 1920 : i32
        %add3A_1439 = arith.addi %mul3A_576, %add3A_1438 : i32
        %add3A_1440 = arith.constant 48 : i32
        %add3A_1441 = arith.addi %add3A_1439, %add3A_1440 : i32
        %get3A_1442 = arith.index_cast %add3A_1441 : i32 to index
        %get3A_1443 = tpu.vector_load %arg5[%get3A_1442] {strides = array<i32>} : memref<24576xf32, #tpu.memory_space<vmem>>, vector<16xf32>,
        %add3A_1444 = arith.addf %add3A_1388, %get3A_1443 : vector<16xf32>
        %add3A_1445 = arith.constant 1920 : i32
        %add3A_1446 = arith.addi %mul3A_576, %add3A_1445 : i32
        %add3A_1447 = arith.constant 64 : i32
        %add3A_1448 = arith.addi %add3A_1446, %add3A_1447 : i32
        %get3A_1449 = arith.index_cast %add3A_1448 : i32 to index
        %get3A_1450 = tpu.vector_load %arg5[%get3A_1449] {strides = array<i32>} : memref<24576xf32, #tpu.memory_space<vmem>>, vector<16xf32>,
        %add3A_1451 = arith.addf %add3A_1395, %get3A_1450 : vector<16xf32>
        %add3A_1452 = arith.constant 1920 : i32
        %add3A_1453 = arith.addi %mul3A_576, %add3A_1452 : i32
        %add3A_1454 = arith.constant 80 : i32
        %add3A_1455 = arith.addi %add3A_1453, %add3A_1454 : i32
        %get3A_1456 = arith.index_cast %add3A_1455 : i32 to index
        %get3A_1457 = tpu.vector_load %arg5[%get3A_1456] {strides = array<i32>} : memref<24576xf32, #tpu.memory_space<vmem>>, vector<16xf32>,
        %add3A_1458 = arith.addf %add3A_1402, %get3A_1457 : vector<16xf32>
        %add3A_1459 = arith.constant 1920 : i32
        %add3A_1460 = arith.addi %mul3A_576, %add3A_1459 : i32
        %add3A_1461 = arith.constant 96 : i32
        %add3A_1462 = arith.addi %add3A_1460, %add3A_1461 : i32
        %get3A_1463 = arith.index_cast %add3A_1462 : i32 to index
        %get3A_1464 = tpu.vector_load %arg5[%get3A_1463] {strides = array<i32>} : memref<24576xf32, #tpu.memory_space<vmem>>, vector<16xf32>,
        %add3A_1465 = arith.addf %add3A_1409, %get3A_1464 : vector<16xf32>
        %add3A_1466 = arith.constant 1920 : i32
        %add3A_1467 = arith.addi %mul3A_576, %add3A_1466 : i32
        %add3A_1468 = arith.constant 112 : i32
        %add3A_1469 = arith.addi %add3A_1467, %add3A_1468 : i32
        %get3A_1470 = arith.index_cast %add3A_1469 : i32 to index
        %get3A_1471 = tpu.vector_load %arg5[%get3A_1470] {strides = array<i32>} : memref<24576xf32, #tpu.memory_space<vmem>>, vector<16xf32>,
        %add3A_1472 = arith.addf %add3A_1416, %get3A_1471 : vector<16xf32>
        %add3A_1473 = arith.constant 1.600000e+01 : f32
        %add3A_1474 = vector.broadcast %add3A_1473 : f32 to vector<16xf32>
        %add3A_1475 = arith.addf %select_n3A_574, %add3A_1474 : vector<16xf32>
        scf.yield %add3A_1423, %add3A_1430, %add3A_1437, %add3A_1444, %add3A_1451, %add3A_1458, %add3A_1465, %add3A_1472, %add3A_1475 : vector<16xf32>, vector<16xf32>, vector<16xf32>, vector<16xf32>, vector<16xf32>, vector<16xf32>, vector<16xf32>, vector<16xf32>, vector<16xf32>
      } else {
        %scan3A_542 = arith.constant 0 : i32
        %scan3A_543 = arith.constant 16 : i32
        %scan3A_544 = arith.addi %scan3A_542, %scan3A_543 : i32
        %scan3A_545 = arith.constant 1 : i32
        %scan3A_546:9 = scf.for %scan3A_548 = %scan3A_542 to %scan3A_544 step %scan3A_545 iter_args(%scan3A_549 = %scan3A_495, %scan3A_550 = %scan3A_496, %scan3A_551 = %scan3A_497, %scan3A_552 = %scan3A_498, %scan3A_553 = %scan3A_499, %scan3A_554 = %scan3A_500, %scan3A_555 = %scan3A_501, %scan3A_556 = %scan3A_502, %scan3A_557 = %scan3A_503) -> (vector<16xf32>, vector<16xf32>, vector<16xf32>, vector<16xf32>, vector<16xf32>, vector<16xf32>, vector<16xf32>, vector<16xf32>, vector<16xf32>)  : i32 {
          %add3A_558 = arith.addi %mul3A_505, %scan3A_548 : i32
          %get3A_559 = arith.index_cast %add3A_558 : i32 to index
          %get3A_560 = tpu.vector_load %arg6[%get3A_559] {strides = array<i32>} : memref<208xi32, #tpu.memory_space<vmem>>, vector<16xi32>,
          %slice3A_561 = vector.extract_strided_slice %get3A_560 {offsets = [0], sizes = [1], strides = [1]} : vector<16xi32> to vector<1xi32>
          %squeeze3A_562 = vector.extract %slice3A_561[0] : i32 from vector<1xi32>
          %get3A_563 = arith.constant 0 : i32
          %get3A_564 = arith.index_cast %get3A_563 : i32 to index
          %get3A_565 = memref.load %arg10[%get3A_564] : memref<4xi32, #tpu.memory_space<smem>>
          %ne3A_566 = arith.cmpi ne, %get3A_565, %squeeze3A_562 : i32
          %convert_element_type3A_567 = arith.extui %ne3A_566 : i1 to i32
          %cond3A_568 = arith.constant 0 : i32
          %cond3A_569 = arith.cmpi ne, %convert_element_type3A_567, %cond3A_568 : i32
          scf.if %cond3A_569 {
            %ge3A = arith.constant 0 : i32
            %ge3A_631 = arith.cmpi sge, %get3A_565, %ge3A : i32
            %convert_element_type3A_632 = arith.extui %ge3A_631 : i1 to i32
            %cond3A_633 = arith.constant 0 : i32
            %cond3A_634 = arith.cmpi ne, %convert_element_type3A_632, %cond3A_633 : i32
            scf.if %cond3A_634 {
              %get3A_635 = arith.constant 1 : i32
              %get3A_636 = arith.index_cast %get3A_635 : i32 to index
              %get3A_637 = memref.load %arg10[%get3A_636] : memref<4xi32, #tpu.memory_space<smem>>
              %jit3A_638 = arith.constant 16 : i32
              %eq3A_639 = arith.constant 0 : i32
              %eq3A_640 = arith.cmpi eq, %jit3A_638, %eq3A_639 : i32
              %jit3A_641 = arith.constant 1 : i32
              %select_n3A_642 = arith.select %eq3A_640, %jit3A_641, %jit3A_638 : i32
              %rem3A_643 = arith.remsi %get3A_637, %select_n3A_642 : i32
              %ne3A_644 = arith.constant 0 : i32
              %ne3A_645 = arith.cmpi ne, %rem3A_643, %ne3A_644 : i32
              %lt3A_646 = arith.constant 0 : i32
              %lt3A_647 = arith.cmpi slt, %rem3A_643, %lt3A_646 : i32
              %lt3A_648 = arith.constant 0 : i32
              %lt3A_649 = arith.cmpi slt, %select_n3A_642, %lt3A_648 : i32
              %ne3A_650 = arith.xori %lt3A_647, %lt3A_649 : i1
              %and3A_651 = arith.andi %ne3A_650, %ne3A_645 : i1
              %add3A_652 = arith.addi %rem3A_643, %select_n3A_642 : i32
              %select_n3A_653 = arith.select %and3A_651, %add3A_652, %rem3A_643 : i32
              %broadcast_in_dim3A_654 = vector.broadcast %select_n3A_653 : i32 to vector<16xi32>
              %add3A_655 = arith.constant 1 : i32
              %add3A_656 = vector.broadcast %add3A_655 : i32 to vector<16xi32>
              %add3A_657 = arith.addi %broadcast_in_dim3A_654, %add3A_656 : vector<16xi32>
              %iota3A_658 = tpu.iota {dimensions = array<i32: 0>} : vector<16xi32>
              %add3A_659 = arith.constant 0 : i32
              %add3A_660 = vector.broadcast %add3A_659 : i32 to vector<16xi32>
              %add3A_661 = arith.addi %add3A_660, %iota3A_658 : vector<16xi32>
              tpu.vector_store_idx %arg7[%broadcast_in_dim3A_654, %add3A_661], %scan3A_549 : memref<16x128xf32, #tpu.memory_space<vmem>>[vector<16xi32>, vector<16xi32>], vector<16xf32>,
              %iota3A_662 = tpu.iota {dimensions = array<i32: 0>} : vector<16xi32>
              %add3A_663 = arith.constant 0 : i32
              %add3A_664 = vector.broadcast %add3A_663 : i32 to vector<16xi32>
              %add3A_665 = arith.addi %add3A_664, %iota3A_662 : vector<16xi32>
              tpu.vector_store_idx %arg7[%add3A_657, %add3A_665], %scan3A_557 : memref<16x128xf32, #tpu.memory_space<vmem>>[vector<16xi32>, vector<16xi32>], vector<16xf32>,
              %iota3A_666 = tpu.iota {dimensions = array<i32: 0>} : vector<16xi32>
              %add3A_667 = arith.constant 16 : i32
              %add3A_668 = vector.broadcast %add3A_667 : i32 to vector<16xi32>
              %add3A_669 = arith.addi %add3A_668, %iota3A_666 : vector<16xi32>
              tpu.vector_store_idx %arg7[%broadcast_in_dim3A_654, %add3A_669], %scan3A_550 : memref<16x128xf32, #tpu.memory_space<vmem>>[vector<16xi32>, vector<16xi32>], vector<16xf32>,
              %iota3A_670 = tpu.iota {dimensions = array<i32: 0>} : vector<16xi32>
              %add3A_671 = arith.constant 16 : i32
              %add3A_672 = vector.broadcast %add3A_671 : i32 to vector<16xi32>
              %add3A_673 = arith.addi %add3A_672, %iota3A_670 : vector<16xi32>
              tpu.vector_store_idx %arg7[%add3A_657, %add3A_673], %scan3A_557 : memref<16x128xf32, #tpu.memory_space<vmem>>[vector<16xi32>, vector<16xi32>], vector<16xf32>,
              %iota3A_674 = tpu.iota {dimensions = array<i32: 0>} : vector<16xi32>
              %add3A_675 = arith.constant 32 : i32
              %add3A_676 = vector.broadcast %add3A_675 : i32 to vector<16xi32>
              %add3A_677 = arith.addi %add3A_676, %iota3A_674 : vector<16xi32>
              tpu.vector_store_idx %arg7[%broadcast_in_dim3A_654, %add3A_677], %scan3A_551 : memref<16x128xf32, #tpu.memory_space<vmem>>[vector<16xi32>, vector<16xi32>], vector<16xf32>,
              %iota3A_678 = tpu.iota {dimensions = array<i32: 0>} : vector<16xi32>
              %add3A_679 = arith.constant 32 : i32
              %add3A_680 = vector.broadcast %add3A_679 : i32 to vector<16xi32>
              %add3A_681 = arith.addi %add3A_680, %iota3A_678 : vector<16xi32>
              tpu.vector_store_idx %arg7[%add3A_657, %add3A_681], %scan3A_557 : memref<16x128xf32, #tpu.memory_space<vmem>>[vector<16xi32>, vector<16xi32>], vector<16xf32>,
              %iota3A_682 = tpu.iota {dimensions = array<i32: 0>} : vector<16xi32>
              %add3A_683 = arith.constant 48 : i32
              %add3A_684 = vector.broadcast %add3A_683 : i32 to vector<16xi32>
              %add3A_685 = arith.addi %add3A_684, %iota3A_682 : vector<16xi32>
              tpu.vector_store_idx %arg7[%broadcast_in_dim3A_654, %add3A_685], %scan3A_552 : memref<16x128xf32, #tpu.memory_space<vmem>>[vector<16xi32>, vector<16xi32>], vector<16xf32>,
              %iota3A_686 = tpu.iota {dimensions = array<i32: 0>} : vector<16xi32>
              %add3A_687 = arith.constant 48 : i32
              %add3A_688 = vector.broadcast %add3A_687 : i32 to vector<16xi32>
              %add3A_689 = arith.addi %add3A_688, %iota3A_686 : vector<16xi32>
              tpu.vector_store_idx %arg7[%add3A_657, %add3A_689], %scan3A_557 : memref<16x128xf32, #tpu.memory_space<vmem>>[vector<16xi32>, vector<16xi32>], vector<16xf32>,
              %iota3A_690 = tpu.iota {dimensions = array<i32: 0>} : vector<16xi32>
              %add3A_691 = arith.constant 64 : i32
              %add3A_692 = vector.broadcast %add3A_691 : i32 to vector<16xi32>
              %add3A_693 = arith.addi %add3A_692, %iota3A_690 : vector<16xi32>
              tpu.vector_store_idx %arg7[%broadcast_in_dim3A_654, %add3A_693], %scan3A_553 : memref<16x128xf32, #tpu.memory_space<vmem>>[vector<16xi32>, vector<16xi32>], vector<16xf32>,
              %iota3A_694 = tpu.iota {dimensions = array<i32: 0>} : vector<16xi32>
              %add3A_695 = arith.constant 64 : i32
              %add3A_696 = vector.broadcast %add3A_695 : i32 to vector<16xi32>
              %add3A_697 = arith.addi %add3A_696, %iota3A_694 : vector<16xi32>
              tpu.vector_store_idx %arg7[%add3A_657, %add3A_697], %scan3A_557 : memref<16x128xf32, #tpu.memory_space<vmem>>[vector<16xi32>, vector<16xi32>], vector<16xf32>,
              %iota3A_698 = tpu.iota {dimensions = array<i32: 0>} : vector<16xi32>
              %add3A_699 = arith.constant 80 : i32
              %add3A_700 = vector.broadcast %add3A_699 : i32 to vector<16xi32>
              %add3A_701 = arith.addi %add3A_700, %iota3A_698 : vector<16xi32>
              tpu.vector_store_idx %arg7[%broadcast_in_dim3A_654, %add3A_701], %scan3A_554 : memref<16x128xf32, #tpu.memory_space<vmem>>[vector<16xi32>, vector<16xi32>], vector<16xf32>,
              %iota3A_702 = tpu.iota {dimensions = array<i32: 0>} : vector<16xi32>
              %add3A_703 = arith.constant 80 : i32
              %add3A_704 = vector.broadcast %add3A_703 : i32 to vector<16xi32>
              %add3A_705 = arith.addi %add3A_704, %iota3A_702 : vector<16xi32>
              tpu.vector_store_idx %arg7[%add3A_657, %add3A_705], %scan3A_557 : memref<16x128xf32, #tpu.memory_space<vmem>>[vector<16xi32>, vector<16xi32>], vector<16xf32>,
              %iota3A_706 = tpu.iota {dimensions = array<i32: 0>} : vector<16xi32>
              %add3A_707 = arith.constant 96 : i32
              %add3A_708 = vector.broadcast %add3A_707 : i32 to vector<16xi32>
              %add3A_709 = arith.addi %add3A_708, %iota3A_706 : vector<16xi32>
              tpu.vector_store_idx %arg7[%broadcast_in_dim3A_654, %add3A_709], %scan3A_555 : memref<16x128xf32, #tpu.memory_space<vmem>>[vector<16xi32>, vector<16xi32>], vector<16xf32>,
              %iota3A_710 = tpu.iota {dimensions = array<i32: 0>} : vector<16xi32>
              %add3A_711 = arith.constant 96 : i32
              %add3A_712 = vector.broadcast %add3A_711 : i32 to vector<16xi32>
              %add3A_713 = arith.addi %add3A_712, %iota3A_710 : vector<16xi32>
              tpu.vector_store_idx %arg7[%add3A_657, %add3A_713], %scan3A_557 : memref<16x128xf32, #tpu.memory_space<vmem>>[vector<16xi32>, vector<16xi32>], vector<16xf32>,
              %iota3A_714 = tpu.iota {dimensions = array<i32: 0>} : vector<16xi32>
              %add3A_715 = arith.constant 112 : i32
              %add3A_716 = vector.broadcast %add3A_715 : i32 to vector<16xi32>
              %add3A_717 = arith.addi %add3A_716, %iota3A_714 : vector<16xi32>
              tpu.vector_store_idx %arg7[%broadcast_in_dim3A_654, %add3A_717], %scan3A_556 : memref<16x128xf32, #tpu.memory_space<vmem>>[vector<16xi32>, vector<16xi32>], vector<16xf32>,
              %iota3A_718 = tpu.iota {dimensions = array<i32: 0>} : vector<16xi32>
              %add3A_719 = arith.constant 112 : i32
              %add3A_720 = vector.broadcast %add3A_719 : i32 to vector<16xi32>
              %add3A_721 = arith.addi %add3A_720, %iota3A_718 : vector<16xi32>
              tpu.vector_store_idx %arg7[%add3A_657, %add3A_721], %scan3A_557 : memref<16x128xf32, #tpu.memory_space<vmem>>[vector<16xi32>, vector<16xi32>], vector<16xf32>,
              %get3A_722 = arith.constant 0 : index
              %get3A_723 = tpu.vector_load %arg8[%get3A_722] {strides = array<i32>} : memref<16xi32, #tpu.memory_space<vmem>>, vector<16xi32>,
              %iota3A_724 = tpu.iota {dimensions = array<i32: 0>} : vector<16xi32>
              %eq3A_725 = vector.broadcast %select_n3A_653 : i32 to vector<16xi32>
              %eq3A_726 = arith.cmpi eq, %iota3A_724, %eq3A_725 : vector<16xi32>
              %broadcast_in_dim3A_727 = vector.broadcast %get3A_565 : i32 to vector<16xi32>
              %select_n3A_728 = arith.select %eq3A_726, %broadcast_in_dim3A_727, %get3A_723 : vector<16xi1>, vector<16xi32>
              %iota3A_729 = tpu.iota {dimensions = array<i32: 0>} : vector<16xi32>
              %add3A_730 = arith.constant 1 : i32
              %add3A_731 = arith.addi %select_n3A_653, %add3A_730 : i32
              %eq3A_732 = vector.broadcast %add3A_731 : i32 to vector<16xi32>
              %eq3A_733 = arith.cmpi eq, %iota3A_729, %eq3A_732 : vector<16xi32>
              %add3A_734 = arith.constant 128 : i32
              %add3A_735 = arith.addi %get3A_565, %add3A_734 : i32
              %broadcast_in_dim3A_736 = vector.broadcast %add3A_735 : i32 to vector<16xi32>
              %select_n3A_737 = arith.select %eq3A_733, %broadcast_in_dim3A_736, %select_n3A_728 : vector<16xi1>, vector<16xi32>
              %swap3A_738 = arith.constant 0 : index
              %swap3A_739 = tpu.vector_load %arg8[%swap3A_738] {strides = array<i32>} : memref<16xi32, #tpu.memory_space<vmem>>, vector<16xi32>,
              tpu.vector_store %arg8[%swap3A_738], %select_n3A_737 {strides = array<i32>} : memref<16xi32, #tpu.memory_space<vmem>>, vector<16xi32>,
              %eq3A_740 = arith.constant 14 : i32
              %eq3A_741 = arith.cmpi eq, %select_n3A_653, %eq3A_740 : i32
              %convert_element_type3A_742 = arith.extui %eq3A_741 : i1 to i32
              %cond3A_743 = arith.constant 0 : i32
              %cond3A_744 = arith.cmpi ne, %convert_element_type3A_742, %cond3A_743 : i32
              scf.if %cond3A_744 {
                "tpu.region"() ({
                  %run_scoped3A = tpu.sem_alloc : memref<!tpu.dma_semaphore, #tpu.memory_space<semaphore_mem>>
                  %dma_start3A_755 = arith.constant 0 : i32
                  %dma_start3A_756 = arith.constant 0 : i32
                  %dma_start3A_757 = tpu.memref_slice %arg13[%dma_start3A_755, %dma_start3A_756] : memref<264x128xf32, #tpu.memory_space<vmem_shared>> -> memref<264x128xf32, #tpu.memory_space<vmem_shared>>
                  tpu.enqueue_indirect_dma source(%arg7 : memref<16x128xf32, #tpu.memory_space<vmem>>) target(%dma_start3A_757 : memref<264x128xf32, #tpu.memory_space<vmem_shared>>) offsets(%arg8 : memref<16xi32, #tpu.memory_space<vmem>>) semaphore(%run_scoped3A : memref<!tpu.dma_semaphore, #tpu.memory_space<semaphore_mem>>) {add = true}
                  %dma_wait3A_758 = arith.constant 0 : i32
                  %dma_wait3A_759 = arith.constant 0 : i32
                  %dma_wait3A_760 = tpu.memref_slice %arg13[%dma_wait3A_758, %dma_wait3A_759] : memref<264x128xf32, #tpu.memory_space<vmem_shared>> -> memref<264x128xf32, #tpu.memory_space<vmem_shared>>
                  tpu.wait_indirect_dma semaphore(%run_scoped3A : memref<!tpu.dma_semaphore, #tpu.memory_space<semaphore_mem>>) src(%arg7 : memref<16x128xf32, #tpu.memory_space<vmem>>) dst(%dma_wait3A_760 : memref<264x128xf32, #tpu.memory_space<vmem_shared>>)
                  tpu.yield
                }) : () -> ()
                %swap3A_753 = arith.constant 0 : index
                %swap3A_754 = tpu.vector_load %arg8[%swap3A_753] {strides = array<i32>} : memref<16xi32, #tpu.memory_space<vmem>>, vector<16xi32>,
                tpu.vector_store %arg8[%swap3A_753], %broadcast_in_dim3A_3 {strides = array<i32>} : memref<16xi32, #tpu.memory_space<vmem>>, vector<16xi32>,
              } else {
              }
              %get3A_745 = arith.constant 1 : i32
              %get3A_746 = arith.index_cast %get3A_745 : i32 to index
              %get3A_747 = memref.load %arg10[%get3A_746] : memref<4xi32, #tpu.memory_space<smem>>
              %add3A_748 = arith.constant 2 : i32
              %add3A_749 = arith.addi %get3A_747, %add3A_748 : i32
              %swap3A_750 = arith.constant 1 : i32
              %swap3A_751 = arith.index_cast %swap3A_750 : i32 to index
              %swap3A_752 = memref.load %arg10[%swap3A_751] : memref<4xi32, #tpu.memory_space<smem>>
              memref.store %add3A_749, %arg10[%swap3A_751] : memref<4xi32, #tpu.memory_space<smem>>
            } else {
            }
          } else {
          }
          %broadcast_in_dim3A_570 = vector.broadcast %ne3A_566 : i1 to vector<16xi1>
          %add3A_571 = arith.addi %mul3A_505, %scan3A_548 : i32
          %mul3A_572 = arith.constant 128 : i32
          %mul3A_573 = arith.muli %add3A_571, %mul3A_572 : i32
          %add3A_574 = arith.constant 0 : i32
          %add3A_575 = arith.addi %mul3A_573, %add3A_574 : i32
          %get3A_576 = arith.index_cast %add3A_575 : i32 to index
          %get3A_577 = tpu.vector_load %arg5[%get3A_576] {strides = array<i32>} : memref<24576xf32, #tpu.memory_space<vmem>>, vector<16xf32>,
          %add3A_578 = arith.constant 16 : i32
          %add3A_579 = arith.addi %mul3A_573, %add3A_578 : i32
          %get3A_580 = arith.index_cast %add3A_579 : i32 to index
          %get3A_581 = tpu.vector_load %arg5[%get3A_580] {strides = array<i32>} : memref<24576xf32, #tpu.memory_space<vmem>>, vector<16xf32>,
          %add3A_582 = arith.constant 32 : i32
          %add3A_583 = arith.addi %mul3A_573, %add3A_582 : i32
          %get3A_584 = arith.index_cast %add3A_583 : i32 to index
          %get3A_585 = tpu.vector_load %arg5[%get3A_584] {strides = array<i32>} : memref<24576xf32, #tpu.memory_space<vmem>>, vector<16xf32>,
          %add3A_586 = arith.constant 48 : i32
          %add3A_587 = arith.addi %mul3A_573, %add3A_586 : i32
          %get3A_588 = arith.index_cast %add3A_587 : i32 to index
          %get3A_589 = tpu.vector_load %arg5[%get3A_588] {strides = array<i32>} : memref<24576xf32, #tpu.memory_space<vmem>>, vector<16xf32>,
          %add3A_590 = arith.constant 64 : i32
          %add3A_591 = arith.addi %mul3A_573, %add3A_590 : i32
          %get3A_592 = arith.index_cast %add3A_591 : i32 to index
          %get3A_593 = tpu.vector_load %arg5[%get3A_592] {strides = array<i32>} : memref<24576xf32, #tpu.memory_space<vmem>>, vector<16xf32>,
          %add3A_594 = arith.constant 80 : i32
          %add3A_595 = arith.addi %mul3A_573, %add3A_594 : i32
          %get3A_596 = arith.index_cast %add3A_595 : i32 to index
          %get3A_597 = tpu.vector_load %arg5[%get3A_596] {strides = array<i32>} : memref<24576xf32, #tpu.memory_space<vmem>>, vector<16xf32>,
          %add3A_598 = arith.constant 96 : i32
          %add3A_599 = arith.addi %mul3A_573, %add3A_598 : i32
          %get3A_600 = arith.index_cast %add3A_599 : i32 to index
          %get3A_601 = tpu.vector_load %arg5[%get3A_600] {strides = array<i32>} : memref<24576xf32, #tpu.memory_space<vmem>>, vector<16xf32>,
          %add3A_602 = arith.constant 112 : i32
          %add3A_603 = arith.addi %mul3A_573, %add3A_602 : i32
          %get3A_604 = arith.index_cast %add3A_603 : i32 to index
          %get3A_605 = tpu.vector_load %arg5[%get3A_604] {strides = array<i32>} : memref<24576xf32, #tpu.memory_space<vmem>>, vector<16xf32>,
          %add3A_606 = arith.addf %scan3A_549, %get3A_577 : vector<16xf32>
          %select_n3A_607 = arith.select %broadcast_in_dim3A_570, %get3A_577, %add3A_606 : vector<16xi1>, vector<16xf32>
          %add3A_608 = arith.addf %scan3A_550, %get3A_581 : vector<16xf32>
          %select_n3A_609 = arith.select %broadcast_in_dim3A_570, %get3A_581, %add3A_608 : vector<16xi1>, vector<16xf32>
          %add3A_610 = arith.addf %scan3A_551, %get3A_585 : vector<16xf32>
          %select_n3A_611 = arith.select %broadcast_in_dim3A_570, %get3A_585, %add3A_610 : vector<16xi1>, vector<16xf32>
          %add3A_612 = arith.addf %scan3A_552, %get3A_589 : vector<16xf32>
          %select_n3A_613 = arith.select %broadcast_in_dim3A_570, %get3A_589, %add3A_612 : vector<16xi1>, vector<16xf32>
          %add3A_614 = arith.addf %scan3A_553, %get3A_593 : vector<16xf32>
          %select_n3A_615 = arith.select %broadcast_in_dim3A_570, %get3A_593, %add3A_614 : vector<16xi1>, vector<16xf32>
          %add3A_616 = arith.addf %scan3A_554, %get3A_597 : vector<16xf32>
          %select_n3A_617 = arith.select %broadcast_in_dim3A_570, %get3A_597, %add3A_616 : vector<16xi1>, vector<16xf32>
          %add3A_618 = arith.addf %scan3A_555, %get3A_601 : vector<16xf32>
          %select_n3A_619 = arith.select %broadcast_in_dim3A_570, %get3A_601, %add3A_618 : vector<16xi1>, vector<16xf32>
          %add3A_620 = arith.addf %scan3A_556, %get3A_605 : vector<16xf32>
          %select_n3A_621 = arith.select %broadcast_in_dim3A_570, %get3A_605, %add3A_620 : vector<16xi1>, vector<16xf32>
          %add3A_622 = arith.constant 1.000000e+00 : f32
          %add3A_623 = vector.broadcast %add3A_622 : f32 to vector<16xf32>
          %add3A_624 = arith.addf %scan3A_557, %add3A_623 : vector<16xf32>
          %jit3A_625 = arith.constant 1.000000e+00 : f32
          %broadcast_in_dim3A_626 = vector.broadcast %jit3A_625 : f32 to vector<16xf32>
          %select_n3A_627 = arith.select %broadcast_in_dim3A_570, %broadcast_in_dim3A_626, %add3A_624 : vector<16xi1>, vector<16xf32>
          %swap3A_628 = arith.constant 0 : i32
          %swap3A_629 = arith.index_cast %swap3A_628 : i32 to index
          %swap3A_630 = memref.load %arg10[%swap3A_629] : memref<4xi32, #tpu.memory_space<smem>>
          memref.store %squeeze3A_562, %arg10[%swap3A_629] : memref<4xi32, #tpu.memory_space<smem>>
          scf.yield %select_n3A_607, %select_n3A_609, %select_n3A_611, %select_n3A_613, %select_n3A_615, %select_n3A_617, %select_n3A_619, %select_n3A_621, %select_n3A_627 : vector<16xf32>, vector<16xf32>, vector<16xf32>, vector<16xf32>, vector<16xf32>, vector<16xf32>, vector<16xf32>, vector<16xf32>, vector<16xf32>
        }
        %scan3A_547 = arith.constant 16 : i32
        scf.yield %scan3A_546#0, %scan3A_546#1, %scan3A_546#2, %scan3A_546#3, %scan3A_546#4, %scan3A_546#5, %scan3A_546#6, %scan3A_546#7, %scan3A_546#8 : vector<16xf32>, vector<16xf32>, vector<16xf32>, vector<16xf32>, vector<16xf32>, vector<16xf32>, vector<16xf32>, vector<16xf32>, vector<16xf32>
      }
      %swap3A_539 = arith.constant 0 : i32
      %swap3A_540 = arith.index_cast %swap3A_539 : i32 to index
      %swap3A_541 = memref.load %arg10[%swap3A_540] : memref<4xi32, #tpu.memory_space<smem>>
      memref.store %squeeze3A_530, %arg10[%swap3A_540] : memref<4xi32, #tpu.memory_space<smem>>
      scf.yield %cond3A_538#0, %cond3A_538#1, %cond3A_538#2, %cond3A_538#3, %cond3A_538#4, %cond3A_538#5, %cond3A_538#6, %cond3A_538#7, %cond3A_538#8 : vector<16xf32>, vector<16xf32>, vector<16xf32>, vector<16xf32>, vector<16xf32>, vector<16xf32>, vector<16xf32>, vector<16xf32>, vector<16xf32>
    }
    %scan3A_371 = arith.constant 12 : i32
    %get3A = arith.constant 0 : i32
    %get3A_372 = arith.index_cast %get3A : i32 to index
    %get3A_373 = memref.load %arg10[%get3A_372] : memref<4xi32, #tpu.memory_space<smem>>
    %lt3A = arith.constant 0 : i32
    %lt3A_374 = arith.cmpi slt, %get3A_373, %lt3A : i32
    %jit3A = arith.constant 128 : i32
    %select_n3A = arith.select %lt3A_374, %jit3A, %get3A_373 : i32
    %get3A_375 = arith.constant 1 : i32
    %get3A_376 = arith.index_cast %get3A_375 : i32 to index
    %get3A_377 = memref.load %arg10[%get3A_376] : memref<4xi32, #tpu.memory_space<smem>>
    %jit3A_378 = arith.constant 16 : i32
    %eq3A_379 = arith.constant 0 : i32
    %eq3A_380 = arith.cmpi eq, %jit3A_378, %eq3A_379 : i32
    %jit3A_381 = arith.constant 1 : i32
    %select_n3A_382 = arith.select %eq3A_380, %jit3A_381, %jit3A_378 : i32
    %rem3A = arith.remsi %get3A_377, %select_n3A_382 : i32
    %ne3A = arith.constant 0 : i32
    %ne3A_383 = arith.cmpi ne, %rem3A, %ne3A : i32
    %lt3A_384 = arith.constant 0 : i32
    %lt3A_385 = arith.cmpi slt, %rem3A, %lt3A_384 : i32
    %lt3A_386 = arith.constant 0 : i32
    %lt3A_387 = arith.cmpi slt, %select_n3A_382, %lt3A_386 : i32
    %ne3A_388 = arith.xori %lt3A_385, %lt3A_387 : i1
    %and3A = arith.andi %ne3A_388, %ne3A_383 : i1
    %add3A_389 = arith.addi %rem3A, %select_n3A_382 : i32
    %select_n3A_390 = arith.select %and3A, %add3A_389, %rem3A : i32
    %broadcast_in_dim3A_391 = vector.broadcast %select_n3A_390 : i32 to vector<16xi32>
    %add3A_392 = arith.constant 1 : i32
    %add3A_393 = vector.broadcast %add3A_392 : i32 to vector<16xi32>
    %add3A_394 = arith.addi %broadcast_in_dim3A_391, %add3A_393 : vector<16xi32>
    %iota3A = tpu.iota {dimensions = array<i32: 0>} : vector<16xi32>
    %add3A_395 = arith.constant 0 : i32
    %add3A_396 = vector.broadcast %add3A_395 : i32 to vector<16xi32>
    %add3A_397 = arith.addi %add3A_396, %iota3A : vector<16xi32>
    tpu.vector_store_idx %arg7[%broadcast_in_dim3A_391, %add3A_397], %scan3A_370#0 : memref<16x128xf32, #tpu.memory_space<vmem>>[vector<16xi32>, vector<16xi32>], vector<16xf32>,
    %iota3A_398 = tpu.iota {dimensions = array<i32: 0>} : vector<16xi32>
    %add3A_399 = arith.constant 0 : i32
    %add3A_400 = vector.broadcast %add3A_399 : i32 to vector<16xi32>
    %add3A_401 = arith.addi %add3A_400, %iota3A_398 : vector<16xi32>
    tpu.vector_store_idx %arg7[%add3A_394, %add3A_401], %scan3A_370#8 : memref<16x128xf32, #tpu.memory_space<vmem>>[vector<16xi32>, vector<16xi32>], vector<16xf32>,
    %iota3A_402 = tpu.iota {dimensions = array<i32: 0>} : vector<16xi32>
    %add3A_403 = arith.constant 16 : i32
    %add3A_404 = vector.broadcast %add3A_403 : i32 to vector<16xi32>
    %add3A_405 = arith.addi %add3A_404, %iota3A_402 : vector<16xi32>
    tpu.vector_store_idx %arg7[%broadcast_in_dim3A_391, %add3A_405], %scan3A_370#1 : memref<16x128xf32, #tpu.memory_space<vmem>>[vector<16xi32>, vector<16xi32>], vector<16xf32>,
    %iota3A_406 = tpu.iota {dimensions = array<i32: 0>} : vector<16xi32>
    %add3A_407 = arith.constant 16 : i32
    %add3A_408 = vector.broadcast %add3A_407 : i32 to vector<16xi32>
    %add3A_409 = arith.addi %add3A_408, %iota3A_406 : vector<16xi32>
    tpu.vector_store_idx %arg7[%add3A_394, %add3A_409], %scan3A_370#8 : memref<16x128xf32, #tpu.memory_space<vmem>>[vector<16xi32>, vector<16xi32>], vector<16xf32>,
    %iota3A_410 = tpu.iota {dimensions = array<i32: 0>} : vector<16xi32>
    %add3A_411 = arith.constant 32 : i32
    %add3A_412 = vector.broadcast %add3A_411 : i32 to vector<16xi32>
    %add3A_413 = arith.addi %add3A_412, %iota3A_410 : vector<16xi32>
    tpu.vector_store_idx %arg7[%broadcast_in_dim3A_391, %add3A_413], %scan3A_370#2 : memref<16x128xf32, #tpu.memory_space<vmem>>[vector<16xi32>, vector<16xi32>], vector<16xf32>,
    %iota3A_414 = tpu.iota {dimensions = array<i32: 0>} : vector<16xi32>
    %add3A_415 = arith.constant 32 : i32
    %add3A_416 = vector.broadcast %add3A_415 : i32 to vector<16xi32>
    %add3A_417 = arith.addi %add3A_416, %iota3A_414 : vector<16xi32>
    tpu.vector_store_idx %arg7[%add3A_394, %add3A_417], %scan3A_370#8 : memref<16x128xf32, #tpu.memory_space<vmem>>[vector<16xi32>, vector<16xi32>], vector<16xf32>,
    %iota3A_418 = tpu.iota {dimensions = array<i32: 0>} : vector<16xi32>
    %add3A_419 = arith.constant 48 : i32
    %add3A_420 = vector.broadcast %add3A_419 : i32 to vector<16xi32>
    %add3A_421 = arith.addi %add3A_420, %iota3A_418 : vector<16xi32>
    tpu.vector_store_idx %arg7[%broadcast_in_dim3A_391, %add3A_421], %scan3A_370#3 : memref<16x128xf32, #tpu.memory_space<vmem>>[vector<16xi32>, vector<16xi32>], vector<16xf32>,
    %iota3A_422 = tpu.iota {dimensions = array<i32: 0>} : vector<16xi32>
    %add3A_423 = arith.constant 48 : i32
    %add3A_424 = vector.broadcast %add3A_423 : i32 to vector<16xi32>
    %add3A_425 = arith.addi %add3A_424, %iota3A_422 : vector<16xi32>
    tpu.vector_store_idx %arg7[%add3A_394, %add3A_425], %scan3A_370#8 : memref<16x128xf32, #tpu.memory_space<vmem>>[vector<16xi32>, vector<16xi32>], vector<16xf32>,
    %iota3A_426 = tpu.iota {dimensions = array<i32: 0>} : vector<16xi32>
    %add3A_427 = arith.constant 64 : i32
    %add3A_428 = vector.broadcast %add3A_427 : i32 to vector<16xi32>
    %add3A_429 = arith.addi %add3A_428, %iota3A_426 : vector<16xi32>
    tpu.vector_store_idx %arg7[%broadcast_in_dim3A_391, %add3A_429], %scan3A_370#4 : memref<16x128xf32, #tpu.memory_space<vmem>>[vector<16xi32>, vector<16xi32>], vector<16xf32>,
    %iota3A_430 = tpu.iota {dimensions = array<i32: 0>} : vector<16xi32>
    %add3A_431 = arith.constant 64 : i32
    %add3A_432 = vector.broadcast %add3A_431 : i32 to vector<16xi32>
    %add3A_433 = arith.addi %add3A_432, %iota3A_430 : vector<16xi32>
    tpu.vector_store_idx %arg7[%add3A_394, %add3A_433], %scan3A_370#8 : memref<16x128xf32, #tpu.memory_space<vmem>>[vector<16xi32>, vector<16xi32>], vector<16xf32>,
    %iota3A_434 = tpu.iota {dimensions = array<i32: 0>} : vector<16xi32>
    %add3A_435 = arith.constant 80 : i32
    %add3A_436 = vector.broadcast %add3A_435 : i32 to vector<16xi32>
    %add3A_437 = arith.addi %add3A_436, %iota3A_434 : vector<16xi32>
    tpu.vector_store_idx %arg7[%broadcast_in_dim3A_391, %add3A_437], %scan3A_370#5 : memref<16x128xf32, #tpu.memory_space<vmem>>[vector<16xi32>, vector<16xi32>], vector<16xf32>,
    %iota3A_438 = tpu.iota {dimensions = array<i32: 0>} : vector<16xi32>
    %add3A_439 = arith.constant 80 : i32
    %add3A_440 = vector.broadcast %add3A_439 : i32 to vector<16xi32>
    %add3A_441 = arith.addi %add3A_440, %iota3A_438 : vector<16xi32>
    tpu.vector_store_idx %arg7[%add3A_394, %add3A_441], %scan3A_370#8 : memref<16x128xf32, #tpu.memory_space<vmem>>[vector<16xi32>, vector<16xi32>], vector<16xf32>,
    %iota3A_442 = tpu.iota {dimensions = array<i32: 0>} : vector<16xi32>
    %add3A_443 = arith.constant 96 : i32
    %add3A_444 = vector.broadcast %add3A_443 : i32 to vector<16xi32>
    %add3A_445 = arith.addi %add3A_444, %iota3A_442 : vector<16xi32>
    tpu.vector_store_idx %arg7[%broadcast_in_dim3A_391, %add3A_445], %scan3A_370#6 : memref<16x128xf32, #tpu.memory_space<vmem>>[vector<16xi32>, vector<16xi32>], vector<16xf32>,
    %iota3A_446 = tpu.iota {dimensions = array<i32: 0>} : vector<16xi32>
    %add3A_447 = arith.constant 96 : i32
    %add3A_448 = vector.broadcast %add3A_447 : i32 to vector<16xi32>
    %add3A_449 = arith.addi %add3A_448, %iota3A_446 : vector<16xi32>
    tpu.vector_store_idx %arg7[%add3A_394, %add3A_449], %scan3A_370#8 : memref<16x128xf32, #tpu.memory_space<vmem>>[vector<16xi32>, vector<16xi32>], vector<16xf32>,
    %iota3A_450 = tpu.iota {dimensions = array<i32: 0>} : vector<16xi32>
    %add3A_451 = arith.constant 112 : i32
    %add3A_452 = vector.broadcast %add3A_451 : i32 to vector<16xi32>
    %add3A_453 = arith.addi %add3A_452, %iota3A_450 : vector<16xi32>
    tpu.vector_store_idx %arg7[%broadcast_in_dim3A_391, %add3A_453], %scan3A_370#7 : memref<16x128xf32, #tpu.memory_space<vmem>>[vector<16xi32>, vector<16xi32>], vector<16xf32>,
    %iota3A_454 = tpu.iota {dimensions = array<i32: 0>} : vector<16xi32>
    %add3A_455 = arith.constant 112 : i32
    %add3A_456 = vector.broadcast %add3A_455 : i32 to vector<16xi32>
    %add3A_457 = arith.addi %add3A_456, %iota3A_454 : vector<16xi32>
    tpu.vector_store_idx %arg7[%add3A_394, %add3A_457], %scan3A_370#8 : memref<16x128xf32, #tpu.memory_space<vmem>>[vector<16xi32>, vector<16xi32>], vector<16xf32>,
    %get3A_458 = arith.constant 0 : index
    %get3A_459 = tpu.vector_load %arg8[%get3A_458] {strides = array<i32>} : memref<16xi32, #tpu.memory_space<vmem>>, vector<16xi32>,
    %iota3A_460 = tpu.iota {dimensions = array<i32: 0>} : vector<16xi32>
    %eq3A_461 = vector.broadcast %select_n3A_390 : i32 to vector<16xi32>
    %eq3A_462 = arith.cmpi eq, %iota3A_460, %eq3A_461 : vector<16xi32>
    %broadcast_in_dim3A_463 = vector.broadcast %select_n3A : i32 to vector<16xi32>
    %select_n3A_464 = arith.select %eq3A_462, %broadcast_in_dim3A_463, %get3A_459 : vector<16xi1>, vector<16xi32>
    %iota3A_465 = tpu.iota {dimensions = array<i32: 0>} : vector<16xi32>
    %add3A_466 = arith.constant 1 : i32
    %add3A_467 = arith.addi %select_n3A_390, %add3A_466 : i32
    %eq3A_468 = vector.broadcast %add3A_467 : i32 to vector<16xi32>
    %eq3A_469 = arith.cmpi eq, %iota3A_465, %eq3A_468 : vector<16xi32>
    %add3A_470 = arith.constant 128 : i32
    %add3A_471 = arith.addi %select_n3A, %add3A_470 : i32
    %broadcast_in_dim3A_472 = vector.broadcast %add3A_471 : i32 to vector<16xi32>
    %select_n3A_473 = arith.select %eq3A_469, %broadcast_in_dim3A_472, %select_n3A_464 : vector<16xi1>, vector<16xi32>
    %swap3A_474 = arith.constant 0 : index
    %swap3A_475 = tpu.vector_load %arg8[%swap3A_474] {strides = array<i32>} : memref<16xi32, #tpu.memory_space<vmem>>, vector<16xi32>,
    tpu.vector_store %arg8[%swap3A_474], %select_n3A_473 {strides = array<i32>} : memref<16xi32, #tpu.memory_space<vmem>>, vector<16xi32>,
    %eq3A_476 = arith.constant 14 : i32
    %eq3A_477 = arith.cmpi eq, %select_n3A_390, %eq3A_476 : i32
    %convert_element_type3A_478 = arith.extui %eq3A_477 : i1 to i32
    %cond3A_479 = arith.constant 0 : i32
    %cond3A_480 = arith.cmpi ne, %convert_element_type3A_478, %cond3A_479 : i32
    scf.if %cond3A_480 {
      "tpu.region"() ({
        %run_scoped3A = tpu.sem_alloc : memref<!tpu.dma_semaphore, #tpu.memory_space<semaphore_mem>>
        %dma_start3A_496 = arith.constant 0 : i32
        %dma_start3A_497 = arith.constant 0 : i32
        %dma_start3A_498 = tpu.memref_slice %arg13[%dma_start3A_496, %dma_start3A_497] : memref<264x128xf32, #tpu.memory_space<vmem_shared>> -> memref<264x128xf32, #tpu.memory_space<vmem_shared>>
        tpu.enqueue_indirect_dma source(%arg7 : memref<16x128xf32, #tpu.memory_space<vmem>>) target(%dma_start3A_498 : memref<264x128xf32, #tpu.memory_space<vmem_shared>>) offsets(%arg8 : memref<16xi32, #tpu.memory_space<vmem>>) semaphore(%run_scoped3A : memref<!tpu.dma_semaphore, #tpu.memory_space<semaphore_mem>>) {add = true}
        %dma_wait3A_499 = arith.constant 0 : i32
        %dma_wait3A_500 = arith.constant 0 : i32
        %dma_wait3A_501 = tpu.memref_slice %arg13[%dma_wait3A_499, %dma_wait3A_500] : memref<264x128xf32, #tpu.memory_space<vmem_shared>> -> memref<264x128xf32, #tpu.memory_space<vmem_shared>>
        tpu.wait_indirect_dma semaphore(%run_scoped3A : memref<!tpu.dma_semaphore, #tpu.memory_space<semaphore_mem>>) src(%arg7 : memref<16x128xf32, #tpu.memory_space<vmem>>) dst(%dma_wait3A_501 : memref<264x128xf32, #tpu.memory_space<vmem_shared>>)
        tpu.yield
      }) : () -> ()
      %swap3A_494 = arith.constant 0 : index
      %swap3A_495 = tpu.vector_load %arg8[%swap3A_494] {strides = array<i32>} : memref<16xi32, #tpu.memory_space<vmem>>, vector<16xi32>,
      tpu.vector_store %arg8[%swap3A_494], %broadcast_in_dim3A_3 {strides = array<i32>} : memref<16xi32, #tpu.memory_space<vmem>>, vector<16xi32>,
    } else {
    }
    %get3A_481 = arith.constant 1 : i32
    %get3A_482 = arith.index_cast %get3A_481 : i32 to index
    %get3A_483 = memref.load %arg10[%get3A_482] : memref<4xi32, #tpu.memory_space<smem>>
    %add3A_484 = arith.constant 2 : i32
    %add3A_485 = arith.addi %get3A_483, %add3A_484 : i32
    %swap3A_486 = arith.constant 1 : i32
    %swap3A_487 = arith.index_cast %swap3A_486 : i32 to index
    %swap3A_488 = memref.load %arg10[%swap3A_487] : memref<4xi32, #tpu.memory_space<smem>>
    memref.store %add3A_485, %arg10[%swap3A_487] : memref<4xi32, #tpu.memory_space<smem>>
    "tpu.region"() ({
      %run_scoped3A = tpu.sem_alloc : memref<!tpu.dma_semaphore, #tpu.memory_space<semaphore_mem>>
      %dma_start3A_494 = arith.constant 0 : i32
      %dma_start3A_495 = arith.constant 0 : i32
      %dma_start3A_496 = tpu.memref_slice %arg13[%dma_start3A_494, %dma_start3A_495] : memref<264x128xf32, #tpu.memory_space<vmem_shared>> -> memref<264x128xf32, #tpu.memory_space<vmem_shared>>
      tpu.enqueue_indirect_dma source(%arg7 : memref<16x128xf32, #tpu.memory_space<vmem>>) target(%dma_start3A_496 : memref<264x128xf32, #tpu.memory_space<vmem_shared>>) offsets(%arg8 : memref<16xi32, #tpu.memory_space<vmem>>) semaphore(%run_scoped3A : memref<!tpu.dma_semaphore, #tpu.memory_space<semaphore_mem>>) {add = true}
      %dma_wait3A_497 = arith.constant 0 : i32
      %dma_wait3A_498 = arith.constant 0 : i32
      %dma_wait3A_499 = tpu.memref_slice %arg13[%dma_wait3A_497, %dma_wait3A_498] : memref<264x128xf32, #tpu.memory_space<vmem_shared>> -> memref<264x128xf32, #tpu.memory_space<vmem_shared>>
      tpu.wait_indirect_dma semaphore(%run_scoped3A : memref<!tpu.dma_semaphore, #tpu.memory_space<semaphore_mem>>) src(%arg7 : memref<16x128xf32, #tpu.memory_space<vmem>>) dst(%dma_wait3A_499 : memref<264x128xf32, #tpu.memory_space<vmem_shared>>)
      tpu.yield
    }) : () -> ()
    %barrier3A_489 = arith.constant 0 : index
    tpu.barrier barrier_id(%barrier3A_489)
    %mul3A_490 = arith.constant 16 : i32
    %mul3A_491 = arith.muli %arg1, %mul3A_490 : i32
    %mul3A_492 = arith.constant 16 : i32
    %mul3A_493 = arith.muli %arg1, %mul3A_492 : i32
    "tpu.region"() ({
      %run_scoped3A = tpu.sem_alloc : memref<!tpu.dma_semaphore, #tpu.memory_space<semaphore_mem>>
      %dma_start3A_494 = arith.constant 0 : i32
      %dma_start3A_495 = tpu.memref_slice %arg4[%arg0, %mul3A_493, %dma_start3A_494] : memref<2x256x128xf32, #tpu.memory_space<hbm>> -> memref<1x16x128xf32, #tpu.memory_space<hbm>>
      %dma_start3A_496 = tpu.memref_squeeze %dma_start3A_495 : memref<1x16x128xf32, #tpu.memory_space<hbm>> -> memref<16x128xf32, #tpu.memory_space<hbm>>
      %dma_start3A_497 = arith.constant 0 : i32
      %dma_start3A_498 = tpu.memref_slice %arg13[%mul3A_491, %dma_start3A_497] : memref<264x128xf32, #tpu.memory_space<vmem_shared>> -> memref<16x128xf32, #tpu.memory_space<vmem_shared>>
      tpu.enqueue_dma source(%dma_start3A_498 : memref<16x128xf32, #tpu.memory_space<vmem_shared>>) target(%dma_start3A_496 : memref<16x128xf32, #tpu.memory_space<hbm>>) target_semaphore(%run_scoped3A : memref<!tpu.dma_semaphore, #tpu.memory_space<semaphore_mem>>)
      %dma_wait3A_499 = arith.constant 0 : i32
      %dma_wait3A_500 = tpu.memref_slice %arg4[%arg0, %mul3A_493, %dma_wait3A_499] : memref<2x256x128xf32, #tpu.memory_space<hbm>> -> memref<1x16x128xf32, #tpu.memory_space<hbm>>
      %dma_wait3A_501 = tpu.memref_squeeze %dma_wait3A_500 : memref<1x16x128xf32, #tpu.memory_space<hbm>> -> memref<16x128xf32, #tpu.memory_space<hbm>>
      %dma_wait3A_502 = arith.constant 0 : i32
      %dma_wait3A_503 = tpu.memref_slice %arg13[%mul3A_491, %dma_wait3A_502] : memref<264x128xf32, #tpu.memory_space<vmem_shared>> -> memref<16x128xf32, #tpu.memory_space<vmem_shared>>
      tpu.wait_dma2 semaphore(%run_scoped3A : memref<!tpu.dma_semaphore, #tpu.memory_space<semaphore_mem>>) src(%dma_wait3A_503 : memref<16x128xf32, #tpu.memory_space<vmem_shared>>) dst(%dma_wait3A_501 : memref<16x128xf32, #tpu.memory_space<hbm>>)
      tpu.yield
    }) : () -> ()
    return
  }
}

module attributes {stable_mosaic.version = 14 : i64} {
  func.func @_tc_partial_body(%arg0: memref<3856x128xf32, #tpu.memory_space<vmem>>, %arg1: memref<241x16xi32, #tpu.memory_space<vmem>>, %arg2: memref<128x128xf32, #tpu.memory_space<vmem>>, %arg3: memref<128x8xf32, #tpu.memory_space<vmem>>) attributes {dimension_semantics = [], scalar_prefetch = 0 : i64, scratch_operands = 0 : i64, tpu.core_type = #tpu.core_type<tc>} {
    %get3A = arith.constant 0 : index
    %get3A_0 = arith.constant 0 : index
    %get3A_1 = vector.load %arg1[%get3A, %get3A_0] : memref<241x16xi32, #tpu.memory_space<vmem>>, vector<241x16xi32>
    %iota3A = tpu.iota {dimensions = array<i32: 2>} : vector<241x16x128xi32>
    %broadcast_in_dim3A = vector.shape_cast %get3A_1 : vector<241x16xi32> to vector<241x16x1xi32>
    %eq3A = vector.broadcast %broadcast_in_dim3A : vector<241x16x1xi32> to vector<241x16x128xi32>
    %eq3A_2 = arith.cmpi eq, %eq3A, %iota3A : vector<241x16x128xi32>
    %jit3A = arith.constant 1.000000e+00 : f32
    %jit3A_3 = arith.constant 0.000000e+00 : f32
    %broadcast_in_dim3A_4 = vector.broadcast %jit3A : f32 to vector<241x16x128xf32>
    %broadcast_in_dim3A_5 = vector.broadcast %jit3A_3 : f32 to vector<241x16x128xf32>
    %select_n3A = arith.select %eq3A_2, %broadcast_in_dim3A_4, %broadcast_in_dim3A_5 : vector<241x16x128xi1>, vector<241x16x128xf32>
    %reshape3A = vector.shape_cast %select_n3A : vector<241x16x128xf32> to vector<3856x128xf32>
    %get3A_6 = arith.constant 0 : index
    %get3A_7 = arith.constant 0 : index
    %get3A_8 = vector.load %arg0[%get3A_6, %get3A_7] : memref<3856x128xf32, #tpu.memory_space<vmem>>, vector<3856x128xf32>
    %dot_general3A = arith.constant dense<0.000000e+00> : vector<128x128xf32>
    %dot_general3A_9 = tpu.matmul %reshape3A, %get3A_8, %dot_general3A {dimension_numbers = #tpu.dot_dimension_numbers<[0], [0], [1], [1], [0, 1, 1, 1], [], []>, transpose_lhs_hint = false} : vector<3856x128xf32>, vector<3856x128xf32>, vector<128x128xf32> -> vector<128x128xf32>
    %swap3A = arith.constant 0 : index
    %swap3A_10 = arith.constant 0 : index
    %swap3A_11 = vector.load %arg2[%swap3A, %swap3A_10] : memref<128x128xf32, #tpu.memory_space<vmem>>, vector<128x128xf32>
    tpu.vector_store %arg2[%swap3A, %swap3A_10], %dot_general3A_9 {strides = array<i32>} : memref<128x128xf32, #tpu.memory_space<vmem>>, vector<128x128xf32>,
    %broadcast_in_dim3A_12 = arith.constant 1.000000e+00 : f32
    %broadcast_in_dim3A_13 = vector.broadcast %broadcast_in_dim3A_12 : f32 to vector<3856x8xf32>
    %dot_general3A_14 = arith.constant dense<0.000000e+00> : vector<128x8xf32>
    %dot_general3A_15 = tpu.matmul %reshape3A, %broadcast_in_dim3A_13, %dot_general3A_14 {dimension_numbers = #tpu.dot_dimension_numbers<[0], [0], [1], [1], [0, 1, 1, 1], [], []>, transpose_lhs_hint = false} : vector<3856x128xf32>, vector<3856x8xf32>, vector<128x8xf32> -> vector<128x8xf32>
    %swap3A_16 = arith.constant 0 : index
    %swap3A_17 = arith.constant 0 : index
    %swap3A_18 = vector.load %arg3[%swap3A_16, %swap3A_17] : memref<128x8xf32, #tpu.memory_space<vmem>>, vector<128x8xf32>
    tpu.vector_store %arg3[%swap3A_16, %swap3A_17], %dot_general3A_15 {strides = array<i32>} : memref<128x8xf32, #tpu.memory_space<vmem>>, vector<128x8xf32>,
    return
  }
}

module attributes {stable_mosaic.version = 14 : i64} {
  func.func @_head_body(%arg0: memref<2x256x128xf32, #tpu.memory_space<vmem>>, %arg1: memref<128x128xf32, #tpu.memory_space<vmem>>, %arg2: memref<128x8xf32, #tpu.memory_space<vmem>>, %arg3: memref<128x128xf32, #tpu.memory_space<vmem>>, %arg4: memref<128x256xf32, #tpu.memory_space<vmem>>, %arg5: memref<1x128xf32, #tpu.memory_space<vmem>>, %arg6: memref<128x128xf32, #tpu.memory_space<vmem>>) attributes {dimension_semantics = [], scalar_prefetch = 0 : i64, scratch_operands = 0 : i64, tpu.core_type = #tpu.core_type<tc>} {
    %get3A = arith.constant 0 : index
    %get3A_0 = arith.constant 0 : index
    %get3A_1 = arith.constant 0 : index
    %get3A_2 = vector.load %arg0[%get3A, %get3A_0, %get3A_1] : memref<2x256x128xf32, #tpu.memory_space<vmem>>, vector<1x256x128xf32>
    %get3A_3 = vector.shape_cast %get3A_2 : vector<1x256x128xf32> to vector<256x128xf32>
    %get3A_4 = arith.constant 1 : index
    %get3A_5 = arith.constant 0 : index
    %get3A_6 = arith.constant 0 : index
    %get3A_7 = vector.load %arg0[%get3A_4, %get3A_5, %get3A_6] : memref<2x256x128xf32, #tpu.memory_space<vmem>>, vector<1x256x128xf32>
    %get3A_8 = vector.shape_cast %get3A_7 : vector<1x256x128xf32> to vector<256x128xf32>
    %add3A = arith.addf %get3A_3, %get3A_8 : vector<256x128xf32>
    %slice3A = vector.extract_strided_slice %add3A {offsets = [128, 0], sizes = [128, 1], strides = [1, 1]} : vector<256x128xf32> to vector<128x1xf32>
    %get3A_9 = arith.constant 0 : index
    %get3A_10 = arith.constant 0 : index
    %get3A_11 = vector.load %arg2[%get3A_9, %get3A_10] : memref<128x8xf32, #tpu.memory_space<vmem>>, vector<128x1xf32>
    %add3A_12 = arith.addf %slice3A, %get3A_11 : vector<128x1xf32>
    %slice3A_13 = vector.extract_strided_slice %add3A {offsets = [0, 0], sizes = [128, 128], strides = [1, 1]} : vector<256x128xf32> to vector<128x128xf32>
    %get3A_14 = arith.constant 0 : index
    %get3A_15 = arith.constant 0 : index
    %get3A_16 = vector.load %arg1[%get3A_14, %get3A_15] : memref<128x128xf32, #tpu.memory_space<vmem>>, vector<128x128xf32>
    %add3A_17 = arith.addf %slice3A_13, %get3A_16 : vector<128x128xf32>
    %max3A = arith.constant 1.000000e+00 : f32
    %max3A_18 = vector.broadcast %max3A : f32 to vector<128x1xf32>
    %max3A_19 = arith.maximumf %add3A_12, %max3A_18 : vector<128x1xf32>
    %div3A = vector.broadcast %max3A_19 : vector<128x1xf32> to vector<128x128xf32>
    %div3A_20 = arith.divf %add3A_17, %div3A : vector<128x128xf32>
    %get3A_21 = arith.constant 0 : index
    %get3A_22 = arith.constant 0 : index
    %get3A_23 = vector.load %arg4[%get3A_21, %get3A_22] : memref<128x256xf32, #tpu.memory_space<vmem>>, vector<128x256xf32>
    %get3A_24 = arith.constant 0 : index
    %get3A_25 = arith.constant 0 : index
    %get3A_26 = vector.load %arg3[%get3A_24, %get3A_25] : memref<128x128xf32, #tpu.memory_space<vmem>>, vector<128x128xf32>
    %slice3A_27 = vector.extract_strided_slice %get3A_23 {offsets = [0, 0], sizes = [128, 128], strides = [1, 1]} : vector<128x256xf32> to vector<128x128xf32>
    %dot_general3A = arith.constant dense<0.000000e+00> : vector<128x128xf32>
    %dot_general3A_28 = tpu.matmul %get3A_26, %slice3A_27, %dot_general3A {dimension_numbers = #tpu.dot_dimension_numbers<[1], [1], [0], [0], [0, 0, 1, 0], [], []>, transpose_lhs_hint = false} : vector<128x128xf32>, vector<128x128xf32>, vector<128x128xf32> -> vector<128x128xf32>
    %slice3A_29 = vector.extract_strided_slice %get3A_23 {offsets = [0, 128], sizes = [128, 128], strides = [1, 1]} : vector<128x256xf32> to vector<128x128xf32>
    %dot_general3A_30 = arith.constant dense<0.000000e+00> : vector<128x128xf32>
    %dot_general3A_31 = tpu.matmul %div3A_20, %slice3A_29, %dot_general3A_30 {dimension_numbers = #tpu.dot_dimension_numbers<[1], [1], [0], [0], [0, 0, 1, 0], [], []>, transpose_lhs_hint = false} : vector<128x128xf32>, vector<128x128xf32>, vector<128x128xf32> -> vector<128x128xf32>
    %add3A_32 = arith.addf %dot_general3A_28, %dot_general3A_31 : vector<128x128xf32>
    %get3A_33 = arith.constant 0 : index
    %get3A_34 = arith.constant 0 : index
    %get3A_35 = vector.load %arg5[%get3A_33, %get3A_34] : memref<1x128xf32, #tpu.memory_space<vmem>>, vector<1x128xf32>
    %add3A_36 = vector.broadcast %get3A_35 : vector<1x128xf32> to vector<128x128xf32>
    %add3A_37 = arith.addf %add3A_32, %add3A_36 : vector<128x128xf32>
    %max3A_38 = arith.constant 0.000000e+00 : f32
    %max3A_39 = vector.broadcast %max3A_38 : f32 to vector<128x128xf32>
    %max3A_40 = arith.maximumf %add3A_37, %max3A_39 : vector<128x128xf32>
    %swap3A = arith.constant 0 : index
    %swap3A_41 = arith.constant 0 : index
    %swap3A_42 = vector.load %arg6[%swap3A, %swap3A_41] : memref<128x128xf32, #tpu.memory_space<vmem>>, vector<128x128xf32>
    tpu.vector_store %arg6[%swap3A, %swap3A_41], %max3A_40 {strides = array<i32>} : memref<128x128xf32, #tpu.memory_space<vmem>>, vector<128x128xf32>,
    return
  }
}

</mosaic_0001>

<sc_bundles>
// kernel: kernel.5.cloned.1.call-start
scs
__scs_entry_jumppad:
0x0: {  	(pc) =	sbr.rel $0x88, $3  }
0x1: {  	(tag) =	ssettag $0x0;
	lr =	simm.s32 $0x1  }
0x2: {  	[smem:$0x3F9C] =	sst lr;
	_ =	strace $0xD0000000  }
0x3: {  	_ = 	snop  }
0x4: {  	_ = 	snop  }
0x5: {  	_ = 	snop  }
0x6: {  	_ = 	snop  }
0x7: {  	_ = 	snop  }
__scs_overlays_trampoline_lowered:
0x8: {  	[smem:$0x3FAB] =	sst s0  }
0x9: {  	[smem:$0x3FAC] =	sst s1  }
0xa: {  	[smem:$0x3FAD] =	sst s2  }
0xb: {  	[smem:$0x3FAE] =	sst s3  }
0xc: {  	[smem:$0x3FAF] =	sst s4  }
0xd: {  	[smem:$0x3FB0] =	sst s5  }
0xe: {  	[smem:$0x3FB1] =	sst s6  }
0xf: {  	[smem:$0x3FB2] =	sst s7  }
0x10: {  	[smem:$0x3FB3] =	sst s8  }
0x11: {  	[smem:$0x3FB4] =	sst s9;
	s0 =	simm.s32 @!p0 $0x0  }
0x12: {  	s1 =	sld [smem:$0x3F9A];
	s0 =	simm.s32 @p0 $0x1  }
0x13: {  	[smem:$0x3FB5] =	sst s0;
	s0 =	simm.s32 @!p1 $0x0  }
0x14: {  	s2 =	sld [smem:$0x3F99];
	s0 =	simm.s32 @p1 $0x1  }
0x15: {  	[smem:$0x3FB6] =	sst s0;
	s0 =	simm.s32 @!p2 $0x0  }
0x16: {  	s3 =	sld [smem:$0x3FDB];
	s0 =	simm.s32 @p2 $0x1  }
0x17: {  	s4 =	simm.s32 $0x1BF5;
	[smem:$0x3FB8] =	sst s0  }
0x18: {  	s0 =	sld [smem:$0x3F9B];
	_ =	swait.ge [sflag:s4], $0x0  }
0x19: {  	s7 =	sld [smem:$0x3F9C]  }
0x1a: {  	s8 =	sadd.s32 $0xFFFFE003, lr  }
0x1b: {  	s9 =	sadd.s32 $0xFFFFFEF7, lr;
	s5 =	simm.s32 $0xFFFFFFFF;
	p2 =	slt.u32 s8, $0xFFFFF086  }
0x1c: {  	p1 =	slt.u32 s9, $0xF7A;
	s5 =	simm.s32 @!p2 $0x0  }
0x1d: {  	s5 =	simm.s32 @p1 $0x1;
	p0 =	seq.s32 s7, s2  }
0x1e: {  	s7 =	smul.u32 @!p0 $0xF7A, s2;
	p2 =	seq.s32 @!p0 s5, $0x0  }
0x1f: {  	s9 =	smul.u32 $0xF7A, s1;
	s8 =	simm.s32 @!p0 $0x1BF5;
	p2 =	por !p2, p0  }
0x20: {  	[sflag:s8] =	ssyncset.s32 @!p0 $0xFFFFF086;
	s6 =	sadd.s32 @!p0 s3, s7;
	s7 =	simm.s32 @!p0 $0x108  }
0x21: {  	s3 =	sadd.s32 s3, s9;
	s6 =	sadd.s32 @!p0 $0x88, s6;
	s7 =	simm.s32 @p2 $0x1082  }
0x22: {  	[simem:s7], [sflag:s8] =	dma.local @!p0 [hbm:s6], $0xF7A  }
0x23: {  	s9 =	sor.u32 $0xD0000000, s2;
	s6 =	simm.s32 $0x108;
	_ =	swait.ge @!p0 [sflag:s8], $0x0  }
0x24: {  	s3 =	sadd.s32 $0x88, s3;
	s6 =	simm.s32 @!p1 $0x1082;
	[sflag:s4] =	ssyncset.s32 $0xFFFFF086  }
0x25: {  	[simem:s6], [sflag:s4] =	dma.local [hbm:s3], $0xF7A  }
0x26: {  	[smem:$0x3F9C] =	sst s1;
	(tag) =	ssettag s2;
	_ =	strace s9  }
0x27: {  	s1 =	sld [smem:$0x3FAC]  }
0x28: {  	s2 =	sld [smem:$0x3FAD]  }
0x29: {  	s4 =	sld [smem:$0x3FAF]  }
0x2a: {  	p0 =	seq.s32 s5, $0x0;
	s5 =	sld [smem:$0x3FB0]  }
0x2b: {  	s6 =	sld [smem:$0x3FB1]  }
0x2c: {  	s7 =	sld [smem:$0x3FB2]  }
0x2d: {  	s3 =	simm.s32 $0x108;
	s8 =	sld [smem:$0x3FB3]  }
0x2e: {  	s3 =	simm.s32 @!p0 $0x1082;
	s9 =	sld [smem:$0x3FB4]  }
0x2f: {  	lr =	sadd.s32 s0, s3;
	s0 =	sld [smem:$0x3FAB]  }
0x30: {  	s3 =	sld [smem:$0x3FAE]  }
0x31: {  	[smem:$0x3FB7] =	sst s10  }
0x32: {  	s10 =	sld [smem:$0x3FB5];
	_ =	sdelay $0x3  }
0x33: {  	p0 =	seq.s32 s10, $0x1;
	s10 =	sld [smem:$0x3FB7];
	_ =	sdelay $0x3  }
0x34: {  	[smem:$0x3FB7] =	sst s10  }
0x35: {  	s10 =	sld [smem:$0x3FB6];
	_ =	sdelay $0x3  }
0x36: {  	p1 =	seq.s32 s10, $0x1;
	s10 =	sld [smem:$0x3FB7];
	_ =	sdelay $0x3  }
0x37: {  	[smem:$0x3FB7] =	sst s10  }
0x38: {  	s10 =	sld [smem:$0x3FB8]  }
0x39: {  	_ = 	snop;
	(pc) =	sbr.ind lr, $3  }
0x3a: {  	_ = 	snop  }
0x3b: {  	_ = 	snop  }
0x3c: {  	p2 =	seq.s32 s10, $0x1;
	s10 =	sld [smem:$0x3FB7]  }
0x3d: {  	_ =	shalt  }
0x3e: {  	_ =	shalt  }
0x3f: {  	_ =	shalt  }
0x40: {  	_ =	shalt  }
0x41: {  	_ =	shalt  }
0x42: {  	_ =	shalt  }
0x43: {  	_ =	shalt  }
0x44: {  	_ =	shalt  }
0x45: {  	_ =	shalt  }
0x46: {  	_ =	shalt  }
0x47: {  	_ =	shalt  }
0x48: {  	_ =	shalt  }
0x49: {  	_ =	shalt  }
0x4a: {  	_ =	shalt  }
0x4b: {  	_ =	shalt  }
0x4c: {  	_ =	shalt  }
0x4d: {  	_ =	shalt  }
0x4e: {  	_ =	shalt  }
0x4f: {  	_ =	shalt  }
0x50: {  	_ =	shalt  }
0x51: {  	_ =	shalt  }
0x52: {  	_ =	shalt  }
0x53: {  	_ =	shalt  }
0x54: {  	_ =	shalt  }
0x55: {  	_ =	shalt  }
0x56: {  	_ =	shalt  }
0x57: {  	_ =	shalt  }
0x58: {  	_ =	shalt  }
0x59: {  	_ =	shalt  }
0x5a: {  	_ =	shalt  }
0x5b: {  	_ =	shalt  }
0x5c: {  	_ =	shalt  }
0x5d: {  	_ =	shalt  }
0x5e: {  	_ =	shalt  }
0x5f: {  	_ =	shalt  }
0x60: {  	_ =	shalt  }
0x61: {  	_ =	shalt  }
0x62: {  	_ =	shalt  }
0x63: {  	_ =	shalt  }
0x64: {  	_ =	shalt  }
0x65: {  	_ =	shalt  }
0x66: {  	_ =	shalt  }
0x67: {  	_ =	shalt  }
0x68: {  	_ =	shalt  }
0x69: {  	_ =	shalt  }
0x6a: {  	_ =	shalt  }
0x6b: {  	_ =	shalt  }
0x6c: {  	_ =	shalt  }
0x6d: {  	_ =	shalt  }
0x6e: {  	_ =	shalt  }
0x6f: {  	_ =	shalt  }
0x70: {  	_ =	shalt  }
0x71: {  	_ =	shalt  }
0x72: {  	_ =	shalt  }
0x73: {  	_ =	shalt  }
0x74: {  	_ =	shalt  }
0x75: {  	_ =	shalt  }
0x76: {  	_ =	shalt  }
0x77: {  	_ =	shalt  }
0x78: {  	_ =	shalt  }
0x79: {  	_ =	shalt  }
0x7a: {  	_ =	shalt  }
0x7b: {  	_ =	shalt  }
0x7c: {  	_ =	shalt  }
0x7d: {  	_ =	shalt  }
0x7e: {  	_ =	shalt  }
0x7f: {  	_ =	shalt  }
0x80: {  	_ =	shalt  }
0x81: {  	_ =	shalt  }
0x82: {  	_ =	shalt  }
0x83: {  	_ =	shalt  }
0x84: {  	_ =	shalt  }
0x85: {  	_ =	shalt  }
0x86: {  	_ =	shalt  }
0x87: {  	_ =	shalt  }
.Lfunc_end0:
.L_simem_size_0:
called_computation_lowered:
.L_overlay_start_0:
0x88: {  	s2 =	sld [smem:$0x3FD9]  }
0x89: {  	s3 =	sld [smem:$0x3FFE];
	_ =	sdelay $0x1  }
0x8a: {  	s1 =	srdreg.scid  }
0x8b: {  	s0 =	sand.u32 $0x1, s1  }
0x8c: {  	s17 =	sshll.u32 s0, $0xA;
	s2 =	sadd.s32 s3, s2  }
0x8d: {  	s2 =	sadd.s32 s2, s17  }
0x8e: {  	[smem:$0x3FC3] =	sst s2  }
0x8f: {  	_ = 	snop  }
0x90: {  	s2 =	sld [smem:$0x3FC9]  }
0x91: {  	s18 =	sld [smem:$0x3FC7];
	(tm) =	ssettm $0x1  }
0x92: {  	s4 =	sld [smem:$0x3FFB];
	_ =	sdelay $0x3  }
0x93: {  	_ =	strace s4  }
0x94: {  	s4 =	sld [smem:$0x3FFC];
	_ =	sdelay $0x3  }
0x95: {  	_ =	strace s4  }
0x96: {  	s4 =	sld [smem:$0x3FFD];
	_ =	sdelay $0x3  }
0x97: {  	_ =	strace s4  }
0x98: {  	_ =	strace $0x8FFFFFFF  }
0x99: {  	s19 =	sld [smem:$0x3FDB];
	_ =	sdelay $0x1  }
0x9a: {  	s5 =	simm.s32 $_scs_section_size  }
0x9b: {  	s6 =	simm.s32 $_size__tile_overlayer_lowered;
	s7 =	simm.s32 $_tile_overlayer_lowered  }
0x9c: {  	s22 =	simm.s32 $0x1BFF;
	s21 =	sshll.u32 s7, $0x1;
	s4 =	sadd.s32 s5, s19  }
0x9d: {  	s8 =	simm.s32 $0x0;
	s20 =	sshll.u32 s6, $0x1;
	s6 =	sadd.s32 s21, s4  }
0x9e: {  	[timem:s8], [sflag:s22] =	dma.local [hbm:s6], s20  }
0x9f: {  	_ =	swait.ge [sflag:s22], s20  }
0xa0: {  	s5 =	ssub.s32 $0x0, s20;
	[sflag:s22] =	ssyncset.done $0x0  }
0xa1: {  	[sflag:s22] =	ssyncadd.s32 s5;
	_ =	sdelay $0x1  }
0xa2: {  	s23 =	simm.s32 $0x1B8B  }
0xa3: {  	_ =	swait.ge [sflag:s23], $0x1  }
0xa4: {  	[sflag:s23] =	ssyncset.done $0x0  }
0xa5: {  	s25 =	simm.s32 $0x1B8E;
	s24 =	sld [smem:$0x3FFE];
	[sflag:s23] =	ssyncadd.s32 $0xFFFFFFFF  }
0xa6: {  	s26 =	simm.s32 $execute0_lowered;
	[smem:$0x3FD2] =	sst s25  }
0xa7: {  	s6 =	sshll.u32 s26, $0x1;
	_ =	strace $0x80000046;
	[dreg:$0x1] =	wrdreg $0xFFFFFFFF  }
0xa8: {  	s28 =	simm.s32 $_size_execute0_lowered;
	s4 =	sadd.s32 s4, s6;
	[dreg:$0x0] =	wrdreg $0x0  }
0xa9: {  	s6 =	sshll.u32 s28, $0x1;
	[dreg:$0x2] =	wrdreg s4  }
0xaa: {  	[dreg:$0x3] =	wrdreg s6  }
0xab: {  	[dreg:$0x4] =	wrdreg $0xC0  }
0xac: {  	_ =	task [dreg:s8], $0x5FFFF  }
0xad: {  	[dreg:$0x1] =	wrdreg $0xFFFFFFFF  }
0xae: {  	[dreg:$0x0] =	wrdreg $0x60  }
0xaf: {  	[dreg:$0x2] =	wrdreg s2  }
0xb0: {  	[dreg:$0x3] =	wrdreg s18  }
0xb1: {  	[dreg:$0x4] =	wrdreg s24  }
0xb2: {  	[dreg:$0x5] =	wrdreg $0x6D800  }
0xb3: {  	[dreg:$0x6] =	wrdreg $0x9  }
0xb4: {  	_ =	task.clear_ibuf [dreg:s8], $0x7FFFF;
	_ =	strace $0x90000046  }
0xb5: {  	s29 =	simm.s32 $0x9;
	_ =	strace $0x80000048  }
0xb6: {  	_ =	swait.ge [sflag:s29], $0x1  }
0xb7: {  	[sflag:s29] =	ssyncadd.s32 $0xFFFFFFFF  }
0xb8: {  	_ =	strace $0x90000048  }
0xb9: {  	_ =	sfence  }
0xba: {  	s30 =	sld [smem:$0x0];
	_ =	sdelay $0x2  }
0xbb: {  	s31 =	sshll.u32 s1, $0xD;
	s1 =	sshrl.u32 s1, $0x2  }
0xbc: {  	s3 =	sand.u32 $0x4000, s31;
	s1 =	sadd.s32 s1, s30  }
0xbd: {  	s0 =	sor.u32 s3, s0;
	s1 =	sshll.u32 s1, $0x11  }
0xbe: {  	s0 =	sor.u32 s1, s0  }
0xbf: {  	s0 =	sadd.s32 $0x8F2B, s0  }
0xc0: {  	[sflag:s0] =	ssyncadd.remote.s32 $0x1  }
0xc1: {  	_ =	sfence.sel $0xFFFF  }
0xc2: {  	[dreg:$0x0] =	wrdreg $0xFFFFFFFF;
	(pc) =	sbr.abs _section_cstart, $3  }
0xc3: {  	[dreg:$0x1] =	wrdreg $0xFFFFFFFF  }
0xc4: {  	_ =	task.clear_ibuf [dreg:s8], $0x2FFFF;
	_ =	strace $0x9FFFFFFF  }
0xc5: {  	(tm) =	ssettm $0x7FFFFFFF  }
tec
execute0_lowered:
.L_overlay_start_1:
0x0: {  	(tag) =	ssettag $0x1  }
0x1: {  	s0 =	rddreg [dreg:$0x0]  }
0x2: {  	s11 =	rddreg [dreg:$0x1];
	s1 =	srdreg.scid  }
0x3: {  	s4 =	rddreg [dreg:$0x2];
	s2 =	stileid.u32;
	s3 =	simm.s32 $0x0  }
0x4: {  	s23 =	simm.s32 $0x6980;
	s24 =	simm.s32 $0x3;
	s25 =	simm.s32 $0x2  }
0x5: {  	s26 =	simm.s32 $0x6100;
	s12 =	sand.u32 $0x1, s1;
	s1 =	rddreg [dreg:$0x3]  }
0x6: {  	s30 =	simm.s32 $0x0;
	[smem:$0x7FF] =	sst s3;
	s7 =	sshll.u32 s2, $0x8  }
0x7: {  	s10 =	sshll.u32 s2, $0xB;
	p0 =	sne.s32 s2, $0x0;
	s5 =	sshll.u32 s12, $0x4  }
0x8: {  	_ =	strace $0x80000047;
	s6 =	ssub.s32 $0x2, s12;
	s13 =	sadd.s32 s7, s4  }
0x9: {  	s10 =	sadd.s32 s10, s1;
	s14 =	sshll.u32 s12, $0xC;
	s9 =	sor.u32 s2, s5  }
0xa: {  	v2 =	vlaneseq.u32;
	s8 =	sshrl.u32 s6, $0x1;
	s12 =	sadd.s32 $0x400, s10;
	s5 =	smul.u32 $0x6000, s9  }
.Ltmp0:
0xb: {  	v3 =	vor.u32 $0x80, v2;
	v4 =	vor.u32 $0x10, v2;
	v5 =	vor.u32 $0x90, v2;
	s31 =	sadd.s32 s14, s13;
	s13 =	sadd.s32 $0x8000, s1;
	(pc) =	sbr.rel .LBB2_1-.Ltmp0, $4  }
0xc: {  	v6 =	vor.u32 $0x20, v2;
	v7 =	vor.u32 $0xA0, v2;
	v8 =	vor.u32 $0x30, v2;
	s15 =	ssub.s32 s6, s8;
	s29 =	smul.u32 $0x18, s9;
	s5 =	sshrl.u32 s5, $0x3  }
0xd: {  	v9 =	vor.u32 $0xB0, v2;
	v10 =	vor.u32 $0x40, v2;
	v11 =	vor.u32 $0xC0, v2;
	s14 =	sadd.s32 $0xE00, s31;
	s15 =	smax.u32 s15, $0x1;
	s4 =	sadd.s32 s0, s5  }
0xe: {  	v12 =	vor.u32 $0x50, v2;
	v13 =	vor.u32 $0xD0, v2;
	v14 =	vor.u32 $0x60, v2;
	s11 =	sadd.s32 s11, s29;
	s5 =	sadd.s32 $0x200, s4;
	s6 =	sadd.s32 $0x400, s4  }
0xf: {  	v15 =	vor.u32 $0xE0, v2;
	v16 =	vor.u32 $0x70, v2;
	v17 =	vor.u32 $0xF0, v2;
	s7 =	sadd.s32 $0x600, s4;
	s8 =	sadd.s32 $0x800, s4;
	s9 =	sadd.s32 $0xA00, s4  }
.LBB2_11:
0x10: {  	s0 =	sld [smem:$0x1];
	_ =	sdelay $0x2  }
0x11: {  	s2 =	sand.u32 $0xF, s0  }
0x12: {  	v0 =	vmov s2  }
0x13: {  	v1 =	vshll.u32 v0, $0x7  }
0x14: {  	v27 =	vor.u32 v2, v1  }
0x15: {  	v28 =	vadd.s32 v3, v1  }
0x16: {  	v29 =	vor.u32 v4, v1  }
0x17: {  	v30 =	vadd.s32 v5, v1  }
0x18: {  	v31 =	vor.u32 v6, v1  }
0x19: {  	v54 =	vadd.s32 v7, v1;
	[tilespmem:v27+s26+$0x0] =	vst.idx.msk $0xffff, v26  }
0x1a: {  	v55 =	vor.u32 v8, v1;
	[tilespmem:v28+s26+$0x0] =	vst.idx.msk $0xffff, v18  }
0x1b: {  	v56 =	vadd.s32 v9, v1;
	[tilespmem:v29+s26+$0x0] =	vst.idx.msk $0xffff, v25  }
0x1c: {  	v57 =	vor.u32 v10, v1;
	[tilespmem:v30+s26+$0x0] =	vst.idx.msk $0xffff, v18  }
0x1d: {  	v58 =	vadd.s32 v11, v1;
	[tilespmem:v31+s26+$0x0] =	vst.idx.msk $0xffff, v24  }
0x1e: {  	v59 =	vor.u32 v12, v1;
	[tilespmem:v54+s26+$0x0] =	vst.idx.msk $0xffff, v18  }
0x1f: {  	v60 =	vadd.s32 v13, v1;
	[tilespmem:v55+s26+$0x0] =	vst.idx.msk $0xffff, v23  }
0x20: {  	v61 =	vor.u32 v14, v1;
	[tilespmem:v56+s26+$0x0] =	vst.idx.msk $0xffff, v18  }
0x21: {  	v62 =	vadd.s32 v15, v1;
	[tilespmem:v57+s26+$0x0] =	vst.idx.msk $0xffff, v22  }
0x22: {  	v63 =	vor.u32 v16, v1;
	[tilespmem:v58+s26+$0x0] =	vst.idx.msk $0xffff, v18  }
0x23: {  	v1 =	vadd.s32 v17, v1;
	[tilespmem:v59+s26+$0x0] =	vst.idx.msk $0xffff, v21  }
0x24: {  	[tilespmem:v60+s26+$0x0] =	vst.idx.msk $0xffff, v18  }
0x25: {  	[tilespmem:v61+s26+$0x0] =	vst.idx.msk $0xffff, v20  }
0x26: {  	[tilespmem:v62+s26+$0x0] =	vst.idx.msk $0xffff, v18  }
0x27: {  	[tilespmem:v63+s26+$0x0] =	vst.idx.msk $0xffff, v19  }
0x28: {  	[tilespmem:v1+s26+$0x0] =	vst.idx.msk $0xffff, v18  }
0x29: {  	v1 =	vld [tilespmem:$0x6900];
	_ =	sdelay $0x2  }
0x2a: {  	p1 =	slt.s32 s31, $0x0;
	s16 =	sadd.s32 $0x1, s2  }
0x2b: {  	s31 =	simm.s32 @p1 $0x80;
	vm0 =	veq.s32 v0, v2;
	v0 =	vmov s16  }
0x2c: {  	s21 =	sadd.s32 $0x80, s31;
	vm15 =	veq.s32 v0, v2;
	v1 =	vsel vm0, s31, v1  }
0x2d: {  	p1 =	sne.s32 s2, $0xE;
	v0 =	vsel vm15, s21, v1  }
0x2e: {  	s2 =	simm.s32 @!p1 $0x10;
	s16 =	simm.s32 @!p1 $0x6900;
	s17 =	simm.s32 @!p1 $0x6100;
	[tilespmem:$0x6900] =	vst v0  }
0x2f: {  	[spmem:s1] =	stream.indirect.scatter.add.f32 @!p1 [tilespmem:s17], [sflag:$0x3], $0x80, s16, s2, $0xb8;
	[tilespmem:$0x75C0] =	vst v63  }
0x30: {  	s2 =	simm.s32 @!p1 $0x3  }
0x31: {  	_ =	swait.ge @!p1 [sflag:s2], $0x800  }
0x32: {  	[sflag:s2] =	ssyncset.done @!p1 $0x0  }
0x33: {  	s0 =	sadd.s32 $0x2, s0;
	v0 =	vimm.s32 @!p1 $0x100;
	[sflag:s2] =	ssyncadd.s32 @!p1 $0xFFFFF800  }
0x34: {  	s22 =	simm.s32 $0x10;
	s28 =	simm.s32 $0x6900;
	[tilespmem:$0x6900] =	vst @!p1 v0;
	[smem:$0x1] =	sst s0  }
0x35: {  	[spmem:s1] =	stream.indirect.scatter.add.f32 [tilespmem:s26], [sflag:$0x3], $0x80, s28, s22, $0xb8;
	[tilespmem:$0x75C0] =	vst v63  }
0x36: {  	s29 =	stileid.u32;
	_ =	swait.ge [sflag:s24], $0x800  }
0x37: {  	s30 =	sadd.s32 $0x1, s30;
	s31 =	sshrl.u32 s10, $0x3;
	[sflag:s24] =	ssyncset.done $0x0  }
0x38: {  	s0 =	sshll.u32 s29, $0x6;
	p1 =	sne.s32 s30, s15;
	[sflag:s24] =	ssyncadd.s32 $0xFFFFF800  }
.Ltmp1:
0x39: {  	s0 =	sor.u32 $0x1C03, s0;
	[bflag:$0x0] =	sbarrier.arrive $0xFFFF;
	(pc) =	sbr.rel @!p1 .LBB2_12-.Ltmp1, $4  }
0x3a: {  	[hbm:s14], [sflag:s0] =	dma.local [spmem:s31], $0x100  }
0x3b: {  	_ =	swait.ge [sflag:s24], $0x100  }
0x3c: {  	[sflag:s24] =	ssyncset.done $0x0  }
0x3d: {  	[sflag:s24] =	ssyncadd.s32 $0xFFFFFF00  }
.LBB2_1:
0x3e: {  	[tilespmem:s3], [sflag:$0x1] =	stream.linear.gather [hbm4b:s4+s3], $0x1000, $0x38;
	[tilespmem:$0x75C0] =	vst v63  }
0x3f: {  	s0 =	simm.s32 $0x1000  }
0x40: {  	[tilespmem:s0], [sflag:$0x1] =	stream.linear.gather [hbm4b:s5+s3], $0x1000, $0x38;
	[tilespmem:$0x75C0] =	vst v63  }
0x41: {  	s20 =	simm.s32 $0x2000  }
0x42: {  	[tilespmem:s20], [sflag:$0x1] =	stream.linear.gather [hbm4b:s6+s3], $0x1000, $0x38;
	[tilespmem:$0x75C0] =	vst v63  }
0x43: {  	s21 =	simm.s32 $0x3000  }
0x44: {  	[tilespmem:s21], [sflag:$0x1] =	stream.linear.gather [hbm4b:s7+s3], $0x1000, $0x38;
	[tilespmem:$0x75C0] =	vst v63  }
0x45: {  	s22 =	simm.s32 $0x4000  }
0x46: {  	[tilespmem:s22], [sflag:$0x1] =	stream.linear.gather [hbm4b:s8+s3], $0x1000, $0x38;
	[tilespmem:$0x75C0] =	vst v63  }
0x47: {  	s28 =	simm.s32 $0x5000  }
0x48: {  	[tilespmem:s28], [sflag:$0x1] =	stream.linear.gather [hbm4b:s9+s3], $0x1000, $0x38;
	[tilespmem:$0x75C0] =	vst v63  }
0x49: {  	s29 =	simm.s32 $0x6000  }
0x4a: {  	v0 =	vimm.f32 $0.0e+00;
	[tilespmem:s29], [sflag:$0x2] =	stream.linear.gather [hbm4b:s11+s3], $0xC0, $0x38;
	[tilespmem:$0x75C0] =	vst v63  }
0x4b: {  	[tilespmem:$0x6980] =	vst v0  }
0x4c: {  	[tilespmem:$0x6990] =	vst v0  }
0x4d: {  	[tilespmem:$0x69A0] =	vst v0  }
0x4e: {  	[tilespmem:$0x69B0] =	vst v0  }
0x4f: {  	[tilespmem:$0x69C0] =	vst v0  }
0x50: {  	[tilespmem:$0x69D0] =	vst v0  }
0x51: {  	[tilespmem:$0x69E0] =	vst v0  }
0x52: {  	[tilespmem:$0x69F0] =	vst v0  }
0x53: {  	[tilespmem:$0x6A00] =	vst v0  }
0x54: {  	[tilespmem:$0x6A10] =	vst v0  }
0x55: {  	[tilespmem:$0x6A20] =	vst v0  }
0x56: {  	[tilespmem:$0x6A30] =	vst v0  }
0x57: {  	[tilespmem:$0x6A40] =	vst v0  }
0x58: {  	[tilespmem:$0x6A50] =	vst v0  }
0x59: {  	[tilespmem:$0x6A60] =	vst v0  }
0x5a: {  	[tilespmem:$0x6A70] =	vst v0  }
0x5b: {  	[tilespmem:$0x6A80] =	vst v0  }
0x5c: {  	[tilespmem:$0x6A90] =	vst v0  }
0x5d: {  	[tilespmem:$0x6AA0] =	vst v0  }
0x5e: {  	[tilespmem:$0x6AB0] =	vst v0  }
0x5f: {  	[tilespmem:$0x6AC0] =	vst v0  }
0x60: {  	[tilespmem:$0x6AD0] =	vst v0  }
0x61: {  	[tilespmem:$0x6AE0] =	vst v0  }
0x62: {  	[tilespmem:$0x6AF0] =	vst v0  }
0x63: {  	[tilespmem:$0x6B00] =	vst v0  }
0x64: {  	[tilespmem:$0x6B10] =	vst v0  }
0x65: {  	[tilespmem:$0x6B20] =	vst v0  }
0x66: {  	[tilespmem:$0x6B30] =	vst v0  }
0x67: {  	[tilespmem:$0x6B40] =	vst v0  }
0x68: {  	[tilespmem:$0x6B50] =	vst v0  }
0x69: {  	[tilespmem:$0x6B60] =	vst v0  }
0x6a: {  	[tilespmem:$0x6B70] =	vst v0  }
0x6b: {  	[tilespmem:$0x6B80] =	vst v0  }
0x6c: {  	[tilespmem:$0x6B90] =	vst v0  }
0x6d: {  	[tilespmem:$0x6BA0] =	vst v0  }
0x6e: {  	[tilespmem:$0x6BB0] =	vst v0  }
0x6f: {  	[tilespmem:$0x6BC0] =	vst v0  }
0x70: {  	[tilespmem:$0x6BD0] =	vst v0  }
0x71: {  	[tilespmem:$0x6BE0] =	vst v0  }
0x72: {  	[tilespmem:$0x6BF0] =	vst v0  }
0x73: {  	[tilespmem:$0x6C00] =	vst v0  }
0x74: {  	[tilespmem:$0x6C10] =	vst v0  }
0x75: {  	[tilespmem:$0x6C20] =	vst v0  }
0x76: {  	[tilespmem:$0x6C30] =	vst v0  }
0x77: {  	[tilespmem:$0x6C40] =	vst v0  }
0x78: {  	[tilespmem:$0x6C50] =	vst v0  }
0x79: {  	[tilespmem:$0x6C60] =	vst v0  }
0x7a: {  	[tilespmem:$0x6C70] =	vst v0  }
0x7b: {  	[tilespmem:$0x6C80] =	vst v0  }
0x7c: {  	[tilespmem:$0x6C90] =	vst v0  }
0x7d: {  	[tilespmem:$0x6CA0] =	vst v0  }
0x7e: {  	[tilespmem:$0x6CB0] =	vst v0  }
0x7f: {  	[tilespmem:$0x6CC0] =	vst v0  }
0x80: {  	[tilespmem:$0x6CD0] =	vst v0  }
0x81: {  	[tilespmem:$0x6CE0] =	vst v0  }
0x82: {  	[tilespmem:$0x6CF0] =	vst v0  }
0x83: {  	[tilespmem:$0x6D00] =	vst v0  }
0x84: {  	[tilespmem:$0x6D10] =	vst v0  }
0x85: {  	[tilespmem:$0x6D20] =	vst v0  }
0x86: {  	[tilespmem:$0x6D30] =	vst v0  }
0x87: {  	[tilespmem:$0x6D40] =	vst v0  }
0x88: {  	[tilespmem:$0x6D50] =	vst v0  }
0x89: {  	s31 =	simm.s32 $0xFFFFFFFF;
	[tilespmem:$0x6D60] =	vst v0  }
0x8a: {  	[smem:$0x0] =	sst s31;
	[tilespmem:$0x6D70] =	vst v0;
	v0 =	vimm.s32 $0x100  }
0x8b: {  	[smem:$0x1] =	sst s3;
	[tilespmem:$0x6900] =	vst v0  }
0x8c: {  	[spmem:s10] =	stream.linear.scatter [tilespmem:s23], [sflag:$0x3], $0x400, $0x38;
	[tilespmem:$0x75C0] =	vst v63  }
0x8d: {  	_ =	swait.ge [sflag:s24], $0x400  }
0x8e: {  	[sflag:s24] =	ssyncset.done $0x0  }
0x8f: {  	[sflag:s24] =	ssyncadd.s32 $0xFFFFFC00  }
0x90: {  	[spmem:s12] =	stream.linear.scatter [tilespmem:s23], [sflag:$0x3], $0x400, $0x38;
	[tilespmem:$0x75C0] =	vst v63  }
0x91: {  	_ =	swait.ge [sflag:s24], $0x400  }
0x92: {  	[sflag:s24] =	ssyncset.done $0x0  }
0x93: {  	s0 =	simm.s32 @!p0 $0x6980;
	[sflag:s24] =	ssyncadd.s32 $0xFFFFFC00  }
0x94: {  	[spmem:s13] =	stream.linear.scatter @!p0 [tilespmem:s0], [sflag:$0x3], $0x400, $0x38;
	[tilespmem:$0x75C0] =	vst v63  }
0x95: {  	s0 =	simm.s32 @!p0 $0x3  }
0x96: {  	_ =	swait.ge @!p0 [sflag:s0], $0x400  }
0x97: {  	[sflag:s0] =	ssyncset.done @!p0 $0x0  }
.Ltmp2:
0x98: {  	[sflag:s0] =	ssyncadd.s32 @!p0 $0xFFFFFC00;
	(pc) =	sbr.rel .LBB2_2-.Ltmp2, $4  }
0x99: {  	[bflag:$0x0] =	sbarrier.arrive $0xFFFF  }
0x9a: {  	v18 =	vimm.f32 $0.0e+00;
	v19 =	vimm.f32 $0.0e+00;
	v20 =	vimm.f32 $0.0e+00;
	_ =	swait.ge [sflag:s25], $0xC0  }
0x9b: {  	v21 =	vimm.f32 $0.0e+00;
	v22 =	vimm.f32 $0.0e+00;
	v23 =	vimm.f32 $0.0e+00;
	s16 =	simm.s32 $0x6000;
	[sflag:s25] =	ssyncset.done $0x0  }
0x9c: {  	v24 =	vimm.f32 $0.0e+00;
	v25 =	vimm.f32 $0.0e+00;
	v26 =	vimm.f32 $0.0e+00;
	s17 =	simm.s32 $0x0;
	s0 =	simm.s32 $0x40;
	[sflag:s25] =	ssyncadd.s32 $0xFFFFFF40  }
.LBB2_9:
0x9d: {  	s18 =	sshll.u32 s17, $0xB  }
0x9e: {  	s18 =	sand.u32 $0x3FFFF800, s18  }
0x9f: {  	v0 =	vld [tilespmem:s18+$0x260];
	_ =	sdelay $0x4  }
0xa0: {  	[tilespmem:$0x1FE30] =	vst v0;
	v0 =	vld [tilespmem:s18+$0x270];
	_ =	sdelay $0x4  }
0xa1: {  	[tilespmem:$0x1FE40] =	vst v0;
	v0 =	vld [tilespmem:s18+$0x280];
	_ =	sdelay $0x4  }
0xa2: {  	[tilespmem:$0x1FE50] =	vst v0;
	v0 =	vld [tilespmem:s18+$0x290];
	_ =	sdelay $0x4  }
0xa3: {  	[tilespmem:$0x1FE60] =	vst v0;
	v0 =	vld [tilespmem:s18+$0x2A0];
	_ =	sdelay $0x4  }
0xa4: {  	[tilespmem:$0x1FE70] =	vst v0;
	v0 =	vld [tilespmem:s18+$0x2B0]  }
0xa5: {  	v27 =	vld [tilespmem:s18+$0x0]  }
0xa6: {  	v28 =	vld [tilespmem:s18+$0x10]  }
0xa7: {  	v29 =	vld [tilespmem:s18+$0x20]  }
0xa8: {  	v30 =	vld [tilespmem:s18+$0x30]  }
0xa9: {  	[tilespmem:$0x1FE80] =	vst v0;
	v0 =	vld [tilespmem:s18+$0x2C0]  }
0xaa: {  	v31 =	vld [tilespmem:s18+$0x40]  }
0xab: {  	v32 =	vld [tilespmem:s18+$0x50]  }
0xac: {  	v33 =	vld [tilespmem:s18+$0x60]  }
0xad: {  	v34 =	vld [tilespmem:s18+$0x70]  }
0xae: {  	[tilespmem:$0x1FE90] =	vst v0;
	v0 =	vld [tilespmem:s18+$0x2D0]  }
0xaf: {  	v35 =	vld [tilespmem:s18+$0x80]  }
0xb0: {  	v36 =	vld [tilespmem:s18+$0x90]  }
0xb1: {  	v37 =	vld [tilespmem:s18+$0xA0]  }
0xb2: {  	v38 =	vld [tilespmem:s18+$0xB0]  }
0xb3: {  	[tilespmem:$0x1FEA0] =	vst v0;
	v0 =	vld [tilespmem:s18+$0x2E0]  }
0xb4: {  	v39 =	vld [tilespmem:s18+$0xC0]  }
0xb5: {  	v40 =	vld [tilespmem:s18+$0xD0]  }
0xb6: {  	v41 =	vld [tilespmem:s18+$0xE0]  }
0xb7: {  	v42 =	vld [tilespmem:s18+$0xF0]  }
0xb8: {  	[tilespmem:$0x1FEB0] =	vst v0;
	v0 =	vld [tilespmem:s18+$0x2F0]  }
0xb9: {  	v43 =	vld [tilespmem:s18+$0x100]  }
0xba: {  	v44 =	vld [tilespmem:s18+$0x110]  }
0xbb: {  	v45 =	vld [tilespmem:s18+$0x120]  }
0xbc: {  	v46 =	vld [tilespmem:s18+$0x130]  }
0xbd: {  	[tilespmem:$0x1FEC0] =	vst v0;
	v0 =	vld [tilespmem:s18+$0x300]  }
0xbe: {  	v47 =	vld [tilespmem:s18+$0x140]  }
0xbf: {  	v48 =	vld [tilespmem:s18+$0x150]  }
0xc0: {  	v49 =	vld [tilespmem:s18+$0x160]  }
0xc1: {  	v50 =	vld [tilespmem:s18+$0x170]  }
0xc2: {  	[tilespmem:$0x1FED0] =	vst v0;
	v0 =	vld [tilespmem:s18+$0x310]  }
0xc3: {  	v51 =	vld [tilespmem:s18+$0x180]  }
0xc4: {  	v52 =	vld [tilespmem:s18+$0x190]  }
0xc5: {  	v53 =	vld [tilespmem:s18+$0x1A0]  }
0xc6: {  	v54 =	vld [tilespmem:s18+$0x1B0]  }
0xc7: {  	[tilespmem:$0x1FEE0] =	vst v0;
	v0 =	vld [tilespmem:s18+$0x320]  }
0xc8: {  	v55 =	vld [tilespmem:s18+$0x1C0]  }
0xc9: {  	v56 =	vld [tilespmem:s18+$0x1D0]  }
0xca: {  	v57 =	vld [tilespmem:s18+$0x1E0]  }
0xcb: {  	v58 =	vld [tilespmem:s18+$0x1F0]  }
0xcc: {  	[tilespmem:$0x1FEF0] =	vst v0;
	v0 =	vld [tilespmem:s18+$0x330]  }
0xcd: {  	v59 =	vld [tilespmem:s18+$0x200]  }
0xce: {  	v60 =	vld [tilespmem:s18+$0x210]  }
0xcf: {  	v61 =	vld [tilespmem:s18+$0x220]  }
0xd0: {  	v62 =	vld [tilespmem:s18+$0x230]  }
0xd1: {  	[tilespmem:$0x1FF00] =	vst v0;
	v0 =	vld [tilespmem:s18+$0x340]  }
0xd2: {  	p1 =	sne.s32 s21, s20;
	v63 =	vld [tilespmem:s18+$0x240]  }
0xd3: {  	v26 =	vpsel p1, $0x0, v26;
	v1 =	vld [tilespmem:s18+$0x250]  }
0xd4: {  	v25 =	vpsel p1, $0x0, v25;
	v26 =	vadd.f32 v27, v26;
	v27 =	vld [tilespmem:s18+$0x430]  }
0xd5: {  	v25 =	vadd.f32 v28, v25;
	v28 =	vld [tilespmem:s18+$0x440]  }
0xd6: {  	v24 =	vpsel p1, $0x0, v24;
	[tilespmem:$0x1FF10] =	vst v0;
	v0 =	vld [tilespmem:s18+$0x350]  }
0xd7: {  	v23 =	vpsel p1, $0x0, v23;
	v24 =	vadd.f32 v29, v24;
	v29 =	vld [tilespmem:s18+$0x450]  }
0xd8: {  	v22 =	vpsel p1, $0x0, v22;
	v23 =	vadd.f32 v30, v23;
	v30 =	vld [tilespmem:s18+$0x460]  }
0xd9: {  	v21 =	vpsel p1, $0x0, v21;
	v22 =	vadd.f32 v31, v22;
	v31 =	vld [tilespmem:s18+$0x470]  }
0xda: {  	v21 =	vadd.f32 v32, v21;
	v32 =	vld [tilespmem:s18+$0x480]  }
0xdb: {  	v20 =	vpsel p1, $0x0, v20;
	[tilespmem:$0x1FF20] =	vst v0;
	v0 =	vld [tilespmem:s18+$0x360]  }
0xdc: {  	v19 =	vpsel p1, $0x0, v19;
	v20 =	vadd.f32 v33, v20;
	v33 =	vld [tilespmem:s18+$0x490]  }
0xdd: {  	v19 =	vadd.f32 v34, v19;
	v34 =	vld [tilespmem:s18+$0x4A0]  }
0xde: {  	v26 =	vadd.f32 v35, v26;
	v35 =	vld [tilespmem:s18+$0x4B0]  }
0xdf: {  	v25 =	vadd.f32 v36, v25;
	v36 =	vld [tilespmem:s18+$0x4C0]  }
0xe0: {  	[tilespmem:$0x1FF30] =	vst v0;
	v0 =	vld [tilespmem:s18+$0x370]  }
0xe1: {  	v24 =	vadd.f32 v37, v24;
	v37 =	vld [tilespmem:s18+$0x4D0]  }
0xe2: {  	v23 =	vadd.f32 v38, v23;
	v38 =	vld [tilespmem:s18+$0x4E0]  }
0xe3: {  	v22 =	vadd.f32 v39, v22;
	v39 =	vld [tilespmem:s18+$0x4F0]  }
0xe4: {  	v21 =	vadd.f32 v40, v21;
	v40 =	vld [tilespmem:s18+$0x500]  }
0xe5: {  	[tilespmem:$0x1FF40] =	vst v0;
	v0 =	vld [tilespmem:s18+$0x380]  }
0xe6: {  	v20 =	vadd.f32 v41, v20;
	v41 =	vld [tilespmem:s18+$0x510]  }
0xe7: {  	v19 =	vadd.f32 v42, v19;
	v42 =	vld [tilespmem:s18+$0x520]  }
0xe8: {  	v26 =	vadd.f32 v43, v26;
	v43 =	vld [tilespmem:s18+$0x530]  }
0xe9: {  	v25 =	vadd.f32 v44, v25;
	v21 =	vadd.f32 v48, v21;
	v44 =	vld [tilespmem:s18+$0x540]  }
0xea: {  	[tilespmem:$0x1FF50] =	vst v0;
	v0 =	vld [tilespmem:s18+$0x390]  }
0xeb: {  	v24 =	vadd.f32 v45, v24;
	v45 =	vld [tilespmem:s18+$0x550];
	v21 =	vadd.f32 v56, v21  }
0xec: {  	v23 =	vadd.f32 v46, v23;
	v46 =	vld [tilespmem:s18+$0x560]  }
0xed: {  	v1 =	vadd.f32 v1, v21;
	v21 =	vld [tilespmem:$0x1FE40]  }
0xee: {  	v22 =	vadd.f32 v47, v22;
	v19 =	vadd.f32 v50, v19;
	v47 =	vld [tilespmem:s18+$0x590]  }
0xef: {  	[tilespmem:$0x1FF60] =	vst v0;
	v0 =	vld [tilespmem:s18+$0x3A0]  }
0xf0: {  	v48 =	vld [tilespmem:s18+$0x5A0];
	v19 =	vadd.f32 v58, v19  }
0xf1: {  	v20 =	vadd.f32 v49, v20;
	v49 =	vld [tilespmem:s18+$0x5B0]  }
0xf2: {  	v19 =	vadd.f32 v21, v19;
	v21 =	vld [tilespmem:$0x1FE50]  }
0xf3: {  	v50 =	vld [tilespmem:s18+$0x5C0];
	v26 =	vadd.f32 v51, v26  }
0xf4: {  	v24 =	vadd.f32 v53, v24;
	[tilespmem:$0x1FF70] =	vst v0;
	v0 =	vld [tilespmem:s18+$0x3B0]  }
0xf5: {  	v51 =	vld [tilespmem:s18+$0x5D0];
	v26 =	vadd.f32 v59, v26  }
0xf6: {  	v24 =	vadd.f32 v61, v24;
	v61 =	vld [tilespmem:$0x1FE60]  }
0xf7: {  	v21 =	vadd.f32 v21, v26;
	v26 =	vld [tilespmem:s18+$0x580]  }
0xf8: {  	v25 =	vadd.f32 v52, v25;
	v23 =	vadd.f32 v54, v23;
	v52 =	vld [tilespmem:$0x1FE90]  }
0xf9: {  	v22 =	vadd.f32 v55, v22;
	[tilespmem:$0x1FF80] =	vst v0;
	v0 =	vld [tilespmem:s18+$0x3C0]  }
0xfa: {  	v23 =	vadd.f32 v62, v23;
	v62 =	vld [tilespmem:$0x1FE70]  }
0xfb: {  	v22 =	vadd.f32 v63, v22;
	v63 =	vld [tilespmem:$0x1FE80]  }
0xfc: {  	v53 =	vld [tilespmem:$0x1FEA0]  }
0xfd: {  	v22 =	vadd.f32 v52, v22;
	v52 =	vld [tilespmem:s18+$0x5E0]  }
0xfe: {  	[tilespmem:$0x1FF90] =	vst v0;
	v0 =	vld [tilespmem:s18+$0x3D0]  }
0xff: {  	v55 =	vld [tilespmem:$0x1FEC0]  }
0x100: {  	v54 =	vld [tilespmem:$0x1FEB0]  }
0x101: {  	v56 =	vld [tilespmem:$0x1FED0]  }
0x102: {  	v1 =	vadd.f32 v53, v1;
	v53 =	vld [tilespmem:s18+$0x5F0]  }
0x103: {  	[tilespmem:$0x1FFA0] =	vst v0;
	v0 =	vld [tilespmem:s18+$0x3E0]  }
0x104: {  	v19 =	vadd.f32 v55, v19;
	v55 =	vld [tilespmem:s18+$0x610]  }
0x105: {  	v20 =	vadd.f32 v57, v20;
	v57 =	vld [tilespmem:$0x1FEE0]  }
0x106: {  	v21 =	vadd.f32 v56, v21;
	v56 =	vld [tilespmem:s18+$0x620]  }
0x107: {  	v58 =	vld [tilespmem:$0x1FEF0]  }
0x108: {  	[tilespmem:$0x1FFB0] =	vst v0;
	v0 =	vld [tilespmem:s18+$0x3F0]  }
0x109: {  	v25 =	vadd.f32 v60, v25;
	v59 =	vld [tilespmem:$0x1FF00]  }
0x10a: {  	v60 =	vld [tilespmem:$0x1FF10]  }
0x10b: {  	v25 =	vadd.f32 v61, v25;
	v61 =	vld [tilespmem:$0x1FF20]  }
0x10c: {  	v24 =	vadd.f32 v62, v24;
	v62 =	vld [tilespmem:$0x1FF30]  }
0x10d: {  	[tilespmem:$0x1FFC0] =	vst v0;
	v0 =	vld [tilespmem:s18+$0x400]  }
0x10e: {  	v25 =	vadd.f32 v57, v25;
	v57 =	vld [tilespmem:$0x1FF50]  }
0x10f: {  	v23 =	vadd.f32 v63, v23;
	v24 =	vadd.f32 v58, v24;
	v58 =	vld [tilespmem:$0x1FF60]  }
0x110: {  	v22 =	vadd.f32 v60, v22;
	v60 =	vld [tilespmem:$0x1FF80]  }
0x111: {  	v23 =	vadd.f32 v59, v23;
	v59 =	vld [tilespmem:$0x1FF70]  }
0x112: {  	[tilespmem:$0x1FFD0] =	vst v0;
	v0 =	vld [tilespmem:s18+$0x410]  }
0x113: {  	v1 =	vadd.f32 v61, v1;
	v61 =	vld [tilespmem:$0x1FF90]  }
0x114: {  	v63 =	vld [tilespmem:$0x1FF40]  }
0x115: {  	v21 =	vadd.f32 v57, v21;
	v57 =	vld [tilespmem:s18+$0x630];
	v23 =	vadd.f32 v60, v23  }
0x116: {  	v25 =	vadd.f32 v58, v25;
	v58 =	vld [tilespmem:s18+$0x640]  }
0x117: {  	v23 =	vadd.f32 v27, v23;
	[tilespmem:$0x1FFE0] =	vst v0;
	v0 =	vld [tilespmem:s18+$0x420]  }
0x118: {  	v24 =	vadd.f32 v59, v24;
	v59 =	vld [tilespmem:s18+$0x650];
	v22 =	vadd.f32 v61, v22  }
0x119: {  	v27 =	vld [tilespmem:s18+$0x660];
	v23 =	vadd.f32 v35, v23  }
0x11a: {  	v22 =	vadd.f32 v28, v22;
	v28 =	vld [tilespmem:s18+$0x670]  }
0x11b: {  	v23 =	vadd.f32 v43, v23;
	v60 =	vld [tilespmem:$0x1FFC0]  }
0x11c: {  	[tilespmem:$0x1FFF0] =	vst v0;
	v0 =	vld [tilespmem:$0x1FE30]  }
0x11d: {  	v23 =	vadd.f32 v49, v23;
	v22 =	vadd.f32 v36, v22;
	v61 =	vld [tilespmem:$0x1FFD0]  }
0x11e: {  	v19 =	vadd.f32 v63, v19;
	v63 =	vld [tilespmem:$0x1FFB0]  }
0x11f: {  	v23 =	vadd.f32 v57, v23;
	v57 =	vld [tilespmem:s18+$0x780];
	v22 =	vadd.f32 v44, v22  }
0x120: {  	v44 =	vld [tilespmem:s18+$0x6E0]  }
0x121: {  	v22 =	vadd.f32 v50, v22;
	v50 =	vld [tilespmem:s18+$0x720];
	v0 =	vadd.f32 v0, v20  }
0x122: {  	v19 =	vadd.f32 v60, v19;
	v21 =	vadd.f32 v61, v21;
	v61 =	vld [tilespmem:s18+$0x6B0]  }
0x123: {  	v20 =	vld [tilespmem:s18+$0x570];
	v0 =	vadd.f32 v54, v0  }
0x124: {  	v22 =	vadd.f32 v58, v22;
	v58 =	vld [tilespmem:s18+$0x790];
	v19 =	vadd.f32 v31, v19  }
0x125: {  	v21 =	vadd.f32 v32, v21;
	v0 =	vadd.f32 v62, v0;
	v62 =	vld [tilespmem:$0x1FFA0]  }
0x126: {  	v18 =	vadd.f32 $1.600000000e+01, v18;
	v19 =	vadd.f32 v39, v19;
	v54 =	vld [tilespmem:s18+$0x600]  }
0x127: {  	v21 =	vadd.f32 v40, v21;
	v0 =	vadd.f32 v63, v0;
	v63 =	vld [tilespmem:$0x1FFF0]  }
0x128: {  	v60 =	vld [tilespmem:s18+$0x6A0];
	v23 =	vadd.f32 v61, v23;
	v19 =	vadd.f32 v20, v19  }
0x129: {  	v20 =	vadd.f32 v26, v21;
	v21 =	vld [tilespmem:s18+$0x700];
	v0 =	vadd.f32 v30, v0  }
0x12a: {  	v19 =	vadd.f32 v53, v19;
	v1 =	vadd.f32 v62, v1;
	v62 =	vld [tilespmem:$0x1FFE0]  }
0x12b: {  	v26 =	vld [tilespmem:s18+$0x710];
	v20 =	vadd.f32 v54, v20;
	v0 =	vadd.f32 v38, v0  }
0x12c: {  	v54 =	vld [tilespmem:s18+$0x740];
	v24 =	vadd.f32 v63, v24;
	v1 =	vadd.f32 v29, v1  }
0x12d: {  	v19 =	vadd.f32 v28, v19;
	v29 =	vld [tilespmem:s18+$0x680];
	v0 =	vadd.f32 v46, v0  }
0x12e: {  	v46 =	vld [tilespmem:s18+$0x6F0];
	v24 =	vadd.f32 v34, v24;
	v1 =	vadd.f32 v37, v1  }
0x12f: {  	v30 =	vld [tilespmem:s18+$0x690];
	v25 =	vadd.f32 v62, v25;
	v0 =	vadd.f32 v52, v0  }
0x130: {  	v63 =	vld [tilespmem:s18+$0x6D0];
	v24 =	vadd.f32 v42, v24;
	v1 =	vadd.f32 v45, v1  }
0x131: {  	v62 =	vld [tilespmem:s18+$0x6C0];
	v25 =	vadd.f32 v33, v25;
	v0 =	vadd.f32 v27, v0  }
0x132: {  	v52 =	vld [tilespmem:s18+$0x730];
	v20 =	vadd.f32 v29, v20;
	v24 =	vadd.f32 v48, v24  }
0x133: {  	v27 =	vld [tilespmem:s18+$0x770];
	v1 =	vadd.f32 v51, v1;
	v19 =	vadd.f32 v46, v19  }
0x134: {  	v25 =	vadd.f32 v41, v25;
	v20 =	vadd.f32 v21, v20;
	v21 =	vld [tilespmem:s18+$0x7C0]  }
0x135: {  	v0 =	vadd.f32 v44, v0;
	v24 =	vadd.f32 v56, v24;
	v56 =	vld [tilespmem:s18+$0x760]  }
0x136: {  	v1 =	vadd.f32 v59, v1;
	v22 =	vadd.f32 v62, v22;
	v59 =	vld [tilespmem:s18+$0x7A0]  }
0x137: {  	v23 =	vadd.f32 v52, v23;
	v62 =	vld [tilespmem:s18+$0x7E0];
	v25 =	vadd.f32 v47, v25  }
0x138: {  	v24 =	vadd.f32 v60, v24;
	v1 =	vadd.f32 v63, v1;
	v60 =	vld [tilespmem:s18+$0x7B0]  }
0x139: {  	v22 =	vadd.f32 v54, v22;
	v25 =	vadd.f32 v55, v25;
	v55 =	vld [tilespmem:s18+$0x750]  }
0x13a: {  	v63 =	vld [tilespmem:s18+$0x7F0];
	v19 =	vadd.f32 v27, v19;
	v24 =	vadd.f32 v50, v24  }
0x13b: {  	v61 =	vld [tilespmem:s18+$0x7D0];
	v22 =	vadd.f32 v21, v22;
	v25 =	vadd.f32 v30, v25  }
0x13c: {  	v0 =	vadd.f32 v56, v0;
	v24 =	vadd.f32 v59, v24  }
0x13d: {  	v25 =	vadd.f32 v26, v25;
	v26 =	vadd.f32 v57, v20  }
0x13e: {  	v23 =	vadd.f32 v60, v23;
	v1 =	vadd.f32 v55, v1  }
0x13f: {  	v20 =	vadd.f32 v62, v0;
	v19 =	vadd.f32 v63, v19  }
0x140: {  	v18 =	vpsel p1, $0x41800000, v18;
	v25 =	vadd.f32 v58, v25;
	v21 =	vadd.f32 v61, v1  }
.LBB2_10:
0x141: {  	s17 =	sadd.s32 $0x1, s17  }
0x142: {  	p1 =	sne.s32 s17, $0xC  }
.Ltmp3:
0x143: {  	_ = 	snop;
	(pc) =	sbr.rel @!p1 .LBB2_11-.Ltmp3, $2  }
0x144: {  	_ =	sdelay $0x2  }
0x145: {  	[smem:$0x0] =	sst s31;
	s16 =	sadd.s32 $0x10, s16;
	s0 =	sadd.s32 $0x800, s0  }
.LBB2_2:
0x146: {  	s18 =	sand.u32 $0x1, s17  }
0x147: {  	p1 =	seq.s32 s18, $0x1  }
0x148: {  	s18 =	simm.s32 @!p1 $0x1  }
0x149: {  	_ =	swait.ge @!p1 [sflag:s18], $0x1000  }
0x14a: {  	[sflag:s18] =	ssyncset.done @!p1 $0x0  }
0x14b: {  	s19 =	sshll.u32 s17, $0x4;
	[sflag:s18] =	ssyncadd.s32 @!p1 $0xFFFFF000  }
0x14c: {  	v27 =	vld [tilespmem:s19+$0x6000];
	_ =	sdelay $0x4  }
0x14d: {  	(v2sf) =	vpush v27, $0x0  }
0x14e: {  	(v2sf) =	vpush v27, $0xF;
	_ =	sdelay $0xd  }
0x14f: {  	s20 =	spop (v2sf)  }
0x150: {  	s31 =	spop (v2sf)  }
0x151: {  	p1 =	sne.s32 s20, s31  }
.Ltmp4:
0x152: {  	_ = 	snop;
	(pc) =	sbr.rel @p1 .LBB2_3-.Ltmp4, $2  }
0x153: {  	_ =	sdelay $0x2  }
0x154: {  	s18 =	simm.s32 $0x0;
	s21 =	sld [smem:$0x0]  }
0x155: {  	_ =	sdelay $0x1  }
0x156: {  	p1 =	seq.s32 s21, s20  }
0x157: {  	p2 =	slt.s32 @!p1 s21, $0x0  }
0x158: {  	p1 =	por p1, p2  }
.Ltmp5:
0x159: {  	_ = 	snop;
	(pc) =	sbr.rel @p1 .LBB2_9-.Ltmp5, $1  }
0x15a: {  	_ =	sdelay $0x3  }
0x15b: {  	s18 =	sld [smem:$0x1];
	_ =	sdelay $0x2  }
0x15c: {  	s19 =	sand.u32 $0xF, s18  }
0x15d: {  	v27 =	vmov s19  }
0x15e: {  	v28 =	vshll.u32 v27, $0x7  }
0x15f: {  	v29 =	vor.u32 v2, v28  }
0x160: {  	v30 =	vadd.s32 v3, v28  }
0x161: {  	v31 =	vor.u32 v4, v28  }
0x162: {  	v32 =	vadd.s32 v5, v28  }
0x163: {  	v33 =	vor.u32 v6, v28  }
0x164: {  	v54 =	vadd.s32 v7, v28;
	[tilespmem:v29+s26+$0x0] =	vst.idx.msk $0xffff, v26  }
0x165: {  	v55 =	vor.u32 v8, v28;
	[tilespmem:v30+s26+$0x0] =	vst.idx.msk $0xffff, v18  }
0x166: {  	v56 =	vadd.s32 v9, v28;
	[tilespmem:v31+s26+$0x0] =	vst.idx.msk $0xffff, v25  }
0x167: {  	v57 =	vor.u32 v10, v28;
	[tilespmem:v32+s26+$0x0] =	vst.idx.msk $0xffff, v18  }
0x168: {  	v58 =	vadd.s32 v11, v28;
	[tilespmem:v33+s26+$0x0] =	vst.idx.msk $0xffff, v24  }
0x169: {  	v59 =	vor.u32 v12, v28;
	[tilespmem:v54+s26+$0x0] =	vst.idx.msk $0xffff, v18  }
0x16a: {  	v60 =	vadd.s32 v13, v28;
	[tilespmem:v55+s26+$0x0] =	vst.idx.msk $0xffff, v23  }
0x16b: {  	v61 =	vor.u32 v14, v28;
	[tilespmem:v56+s26+$0x0] =	vst.idx.msk $0xffff, v18  }
0x16c: {  	v62 =	vadd.s32 v15, v28;
	[tilespmem:v57+s26+$0x0] =	vst.idx.msk $0xffff, v22  }
0x16d: {  	v63 =	vor.u32 v16, v28;
	[tilespmem:v58+s26+$0x0] =	vst.idx.msk $0xffff, v18  }
0x16e: {  	v28 =	vadd.s32 v17, v28;
	[tilespmem:v59+s26+$0x0] =	vst.idx.msk $0xffff, v21  }
0x16f: {  	[tilespmem:v60+s26+$0x0] =	vst.idx.msk $0xffff, v18  }
0x170: {  	[tilespmem:v61+s26+$0x0] =	vst.idx.msk $0xffff, v20  }
0x171: {  	[tilespmem:v62+s26+$0x0] =	vst.idx.msk $0xffff, v18  }
0x172: {  	[tilespmem:v63+s26+$0x0] =	vst.idx.msk $0xffff, v19  }
0x173: {  	[tilespmem:v28+s26+$0x0] =	vst.idx.msk $0xffff, v18  }
0x174: {  	v28 =	vld [tilespmem:$0x6900];
	_ =	sdelay $0x2  }
0x175: {  	s22 =	sadd.s32 $0x1, s19  }
0x176: {  	vm0 =	veq.s32 v27, v2;
	v27 =	vmov s22  }
0x177: {  	s29 =	sadd.s32 $0x80, s21;
	vm15 =	veq.s32 v27, v2;
	v28 =	vsel vm0, s21, v28  }
0x178: {  	p1 =	sne.s32 s19, $0xE;
	v27 =	vsel vm15, s29, v28  }
0x179: {  	s19 =	simm.s32 @!p1 $0x10;
	s22 =	simm.s32 @!p1 $0x6900;
	s28 =	simm.s32 @!p1 $0x6100;
	[tilespmem:$0x6900] =	vst v27  }
0x17a: {  	[spmem:s1] =	stream.indirect.scatter.add.f32 @!p1 [tilespmem:s28], [sflag:$0x3], $0x80, s22, s19, $0xb8;
	[tilespmem:$0x75C0] =	vst v63  }
.Ltmp6:
0x17b: {  	s19 =	simm.s32 @!p1 $0x3;
	(pc) =	sbr.rel .LBB2_9-.Ltmp6, $4  }
0x17c: {  	_ =	swait.ge @!p1 [sflag:s19], $0x800  }
0x17d: {  	[sflag:s19] =	ssyncset.done @!p1 $0x0  }
0x17e: {  	s18 =	sadd.s32 $0x2, s18;
	v27 =	vimm.s32 @!p1 $0x100;
	[sflag:s19] =	ssyncadd.s32 @!p1 $0xFFFFF800  }
0x17f: {  	[tilespmem:$0x6900] =	vst @!p1 v27;
	[smem:$0x1] =	sst s18  }
.LBB2_3:
.Ltmp7:
0x180: {  	(pc) =	sbr.rel .LBB2_4-.Ltmp7, $2  }
0x181: {  	_ =	sdelay $0x2  }
0x182: {  	s20 =	smov.u32 s0  }
.LBB2_6:
0x183: {  	v0 =	vld [tilespmem:s20+$0xFFFFFFC0]  }
0x184: {  	v1 =	vld [tilespmem:s20+$0xFFFFFFD0]  }
0x185: {  	v27 =	vld [tilespmem:s20+$0xFFFFFFE0]  }
0x186: {  	v28 =	vld [tilespmem:s20+$0xFFFFFFF0]  }
0x187: {  	v29 =	vld [tilespmem:s20+$0x0]  }
0x188: {  	v31 =	vld [tilespmem:s20+$0x20]  }
0x189: {  	v32 =	vld [tilespmem:s20+$0x30]  }
0x18a: {  	v30 =	vld [tilespmem:s20+$0x10]  }
0x18b: {  	v18 =	vadd.f32 $1.000000000e+00, v18;
	s18 =	sadd.s32 $0x4, s18  }
0x18c: {  	p2 =	sne.s32 s18, $0x40;
	p1 =	sne.s32 s21, s19;
	v26 =	vadd.f32 v0, v26;
	v25 =	vadd.f32 v1, v25  }
.Ltmp8:
0x18d: {  	v18 =	vpsel p1, $0x3F800000, v18;
	v24 =	vadd.f32 v27, v24;
	v22 =	vadd.f32 v29, v22;
	(pc) =	sbr.rel @!p2 .LBB2_10-.Ltmp8, $4  }
0x18e: {  	v20 =	vadd.f32 v31, v20;
	v19 =	vadd.f32 v32, v19;
	v26 =	vpsel p1, v0, v26  }
0x18f: {  	v0 =	vadd.f32 v28, v23;
	v25 =	vpsel p1, v1, v25;
	v1 =	vadd.f32 v30, v21  }
0x190: {  	v24 =	vpsel p1, v27, v24;
	v22 =	vpsel p1, v29, v22;
	v20 =	vpsel p1, v31, v20  }
0x191: {  	s20 =	sadd.s32 $0x80, s20;
	s21 =	smov.u32 s19;
	v19 =	vpsel p1, v32, v19;
	v23 =	vpsel p1, v28, v0;
	v21 =	vpsel p1, v30, v1  }
.LBB2_4:
0x192: {  	s19 =	sshra.s32 s18, $0x2  }
0x193: {  	s19 =	sadd.s32 s19, s16  }
0x194: {  	v0 =	vld [tilespmem:s19+$0x0];
	_ =	sdelay $0x4  }
0x195: {  	(v2sf) =	vpush v0, $0x0;
	_ =	sdelay $0xe  }
0x196: {  	s19 =	spop (v2sf)  }
0x197: {  	p1 =	seq.s32 s21, s19  }
0x198: {  	p2 =	slt.s32 @!p1 s21, $0x0  }
0x199: {  	p1 =	por p1, p2  }
.Ltmp9:
0x19a: {  	_ = 	snop;
	(pc) =	sbr.rel @p1 .LBB2_6-.Ltmp9, $1  }
0x19b: {  	_ =	sdelay $0x3  }
0x19c: {  	s22 =	sld [smem:$0x1];
	_ =	sdelay $0x2  }
0x19d: {  	s28 =	sand.u32 $0xF, s22  }
0x19e: {  	v0 =	vmov s28  }
0x19f: {  	v1 =	vshll.u32 v0, $0x7  }
0x1a0: {  	v27 =	vor.u32 v2, v1  }
0x1a1: {  	v28 =	vadd.s32 v3, v1  }
0x1a2: {  	v29 =	vor.u32 v4, v1  }
0x1a3: {  	v30 =	vadd.s32 v5, v1  }
0x1a4: {  	v31 =	vor.u32 v6, v1  }
0x1a5: {  	[tilespmem:v27+s26+$0x0] =	vst.idx.msk $0xffff, v26;
	v27 =	vadd.s32 v7, v1  }
0x1a6: {  	v56 =	vor.u32 v8, v1;
	[tilespmem:v28+s26+$0x0] =	vst.idx.msk $0xffff, v18  }
0x1a7: {  	v57 =	vadd.s32 v9, v1;
	[tilespmem:v29+s26+$0x0] =	vst.idx.msk $0xffff, v25  }
0x1a8: {  	v58 =	vor.u32 v10, v1;
	[tilespmem:v30+s26+$0x0] =	vst.idx.msk $0xffff, v18  }
0x1a9: {  	v59 =	vadd.s32 v11, v1;
	[tilespmem:v31+s26+$0x0] =	vst.idx.msk $0xffff, v24  }
0x1aa: {  	[tilespmem:v27+s26+$0x0] =	vst.idx.msk $0xffff, v18;
	v27 =	vor.u32 v12, v1  }
0x1ab: {  	v60 =	vadd.s32 v13, v1;
	[tilespmem:v56+s26+$0x0] =	vst.idx.msk $0xffff, v23  }
0x1ac: {  	v61 =	vor.u32 v14, v1;
	[tilespmem:v57+s26+$0x0] =	vst.idx.msk $0xffff, v18  }
0x1ad: {  	v62 =	vadd.s32 v15, v1;
	[tilespmem:v58+s26+$0x0] =	vst.idx.msk $0xffff, v22  }
0x1ae: {  	v63 =	vor.u32 v16, v1;
	[tilespmem:v59+s26+$0x0] =	vst.idx.msk $0xffff, v18  }
0x1af: {  	v1 =	vadd.s32 v17, v1;
	[tilespmem:v27+s26+$0x0] =	vst.idx.msk $0xffff, v21  }
0x1b0: {  	[tilespmem:v60+s26+$0x0] =	vst.idx.msk $0xffff, v18  }
0x1b1: {  	[tilespmem:v61+s26+$0x0] =	vst.idx.msk $0xffff, v20  }
0x1b2: {  	[tilespmem:v62+s26+$0x0] =	vst.idx.msk $0xffff, v18  }
0x1b3: {  	[tilespmem:v63+s26+$0x0] =	vst.idx.msk $0xffff, v19  }
0x1b4: {  	[tilespmem:v1+s26+$0x0] =	vst.idx.msk $0xffff, v18  }
0x1b5: {  	v1 =	vld [tilespmem:$0x6900];
	_ =	sdelay $0x2  }
0x1b6: {  	s29 =	sadd.s32 $0x1, s28  }
0x1b7: {  	vm0 =	veq.s32 v0, v2;
	v0 =	vmov s29  }
0x1b8: {  	s2 =	sadd.s32 $0x80, s21;
	vm15 =	veq.s32 v0, v2;
	v1 =	vsel vm0, s21, v1  }
0x1b9: {  	p1 =	sne.s32 s28, $0xE;
	v0 =	vsel vm15, s2, v1  }
0x1ba: {  	s28 =	simm.s32 @!p1 $0x10;
	s29 =	simm.s32 @!p1 $0x6900;
	s2 =	simm.s32 @!p1 $0x6100;
	[tilespmem:$0x6900] =	vst v0  }
0x1bb: {  	[spmem:s1] =	stream.indirect.scatter.add.f32 @!p1 [tilespmem:s2], [sflag:$0x3], $0x80, s29, s28, $0xb8;
	[tilespmem:$0x75C0] =	vst v63  }
.Ltmp10:
0x1bc: {  	s2 =	simm.s32 @!p1 $0x3;
	(pc) =	sbr.rel .LBB2_6-.Ltmp10, $4  }
0x1bd: {  	_ =	swait.ge @!p1 [sflag:s2], $0x800  }
0x1be: {  	[sflag:s2] =	ssyncset.done @!p1 $0x0  }
0x1bf: {  	v0 =	vimm.s32 @!p1 $0x100;
	s29 =	sadd.s32 $0x2, s22;
	[sflag:s2] =	ssyncadd.s32 @!p1 $0xFFFFF800  }
0x1c0: {  	[tilespmem:$0x6900] =	vst @!p1 v0;
	[smem:$0x1] =	sst s29  }
.LBB2_12:
0x1c1: {  	_ =	sfence.sel $0x180000  }
0x1c2: {  	[bflag:$0x0] =	sbarrier.arrive $0xFFFF  }
0x1c3: {  	_ =	strace $0x90000047  }
0x1c4: {  	[bflag:$0x2] =	sbarrier.arrive $0xFFFF  }
0x1c5: {  	s0 =	rddreg [dreg:$0x4]  }
0x1c6: {  	s0 =	sadd.s32 @!p0 $0x100000, s0  }
0x1c7: {  	[sflag:s0] =	ssyncadd.tile.s32 @!p0 $0x1;
	_ =	shalt  }
.Lfunc_end2:
_tile_overlayer_lowered:
.L_overlay_start_2:
0x1c8: {  	(tag) =	ssettag $0x2  }
0x1c9: {  	s0 =	rddreg [dreg:$0x0];
	s2 =	stileid.u32  }
0x1ca: {  	s1 =	rddreg [dreg:$0x1];
	p0 =	sne.s32 s2, $0x0  }
0x1cb: {  	s3 =	rddreg [dreg:$0x2];
	[bflag:$0x3] =	sbarrier.arrive $0xFFFF;
	s2 =	simm.s32 @!p0 $0x1C03  }
0x1cc: {  	[timem:s3], [sflag:s2] =	dma.local @!p0 [hbm:s0], s1  }
0x1cd: {  	s0 =	simm.s32 @!p0 $0x3  }
0x1ce: {  	_ =	swait.ge @!p0 [sflag:s0], s1  }
0x1cf: {  	s1 =	ssub.s32 @!p0 $0x0, s1;
	[sflag:s0] =	ssyncset.done @!p0 $0x0  }
0x1d0: {  	[sflag:s0] =	ssyncadd.s32 @!p0 s1  }
0x1d1: {  	[bflag:$0x3] =	sbarrier.arrive $0xFFFF  }
0x1d2: {  	_ =	shalt  }

</sc_bundles>
